<compile_context>
chip_gen: v7x
topology: tpu7x:2x2x1
jax: 0.10.2.dev20260603
libtpu: 0.0.44.dev20260713+nightly
codegen_flags: <defaults>
</compile_context>

<pallas_src>
import dataclasses
import functools

import jax
import jax.numpy as jnp
from jax import lax
from jax.experimental import pallas as pl
from jax.experimental.pallas import tpu as pltpu
from jax.experimental.pallas import tpu_sc as plsc

_B, _L, _D = 1024, 200, 128
_NL = 16
_LP = 208
_NG = _LP // _NL
_NC, _NS = 2, 16
_NW = _NC * _NS
_BPW = _B // _NW
_E = 3 * _D


def _compiler_params():
    cp = pltpu.CompilerParams()
    fields = pltpu.CompilerParams.__dataclass_fields__
    if "needs_layout_passes" in fields:
        cp = dataclasses.replace(cp, needs_layout_passes=False)
    return cp


def _sc_combine(embed, shortlist, weight, bias, attention_weights):
    mesh = plsc.VectorSubcoreMesh(core_axis_name="c", subcore_axis_name="s")

    embed_flat = embed.reshape(-1)
    short_flat = shortlist.reshape(-1)
    att0 = attention_weights[:, 0]
    att1 = attention_weights[:, 1]
    att2 = attention_weights[:, 2]

    @functools.partial(
        pl.kernel,
        out_type=jax.ShapeDtypeStruct((_B * _L,), jnp.float32),
        mesh=mesh,
        compiler_params=_compiler_params(),
        scratch_types=[
            pltpu.VMEM((_BPW * _L + _NL,), jnp.int32),
            pltpu.VMEM((_BPW * _E,), jnp.float32),
            [pltpu.VMEM((_LP, _D), jnp.float32) for _ in range(2)],
            [pltpu.VMEM((_LP,), jnp.float32) for _ in range(2)],
            [pltpu.VMEM((_LP,), jnp.float32) for _ in range(2)],
            [pltpu.VMEM((_LP,), jnp.float32) for _ in range(2)],
            [pltpu.VMEM((_LP,), jnp.float32) for _ in range(2)],
            [pltpu.VMEM((_LP,), jnp.float32) for _ in range(2)],
            [pltpu.SemaphoreType.DMA for _ in range(2)],
            [pltpu.SemaphoreType.DMA for _ in range(2)],
        ],
    )
    def run(embed_hbm, short_hbm, weight_hbm, bias_hbm,
            att0_hbm, att1_hbm, att2_hbm, out_hbm,
            idx_all, emb_all, rows, a0, a1, a2, bb, ob, semg, semo):
        wid = lax.axis_index("s") * _NC + lax.axis_index("c")
        iota = lax.iota(jnp.int32, _NL)
        base_l = wid * (_BPW * _L)

        pltpu.sync_copy(short_hbm.at[pl.ds(base_l, _BPW * _L)],
                        idx_all.at[pl.ds(0, _BPW * _L)])
        pltpu.sync_copy(embed_hbm.at[pl.ds(wid * (_BPW * _E), _BPW * _E)],
                        emb_all)
        idx_all[pl.ds(_BPW * _L, _NL)] = jnp.zeros((_NL,), jnp.int32)

        def gather_descs(j, par):
            sl = idx_all.at[pl.ds(j * _L, _LP)]
            sem = semg[par]
            return [
                (weight_hbm.at[sl], rows[par], sem),
                (att0_hbm.at[sl], a0[par], sem),
                (att1_hbm.at[sl], a1[par], sem),
                (att2_hbm.at[sl], a2[par], sem),
                (bias_hbm.at[sl], bb[par], sem),
            ]

        def issue(j, par):
            for src, dst, sem in gather_descs(j, par):
                pltpu.async_copy(src, dst, sem)

        def wait_gathers(j, par):
            for src, dst, sem in gather_descs(j, par):
                pltpu.make_async_copy(src, dst, sem).wait()

        def out_desc(j, par):
            return (ob[par].at[pl.ds(0, _L)],
                    out_hbm.at[pl.ds(base_l + j * _L, _L)], semo[par])

        def compute(j, par):
            eoff = j * _E
            for g0, ng in ((0, 7), (7, 6)):
                row_idx = [iota + (g0 + g) * _NL for g in range(ng)]
                init = tuple(jnp.zeros((_NL,), jnp.float32)
                             for _ in range(3 * ng))

                def dstep(d, accs, row_idx=row_idx, ng=ng):
                    base = d & (-_NL)
                    rot = (iota + d) & (_NL - 1)
                    col = rot + base
                    ev0 = emb_all[pl.ds(eoff + base, _NL)]
                    ev1 = emb_all[pl.ds(eoff + _D + base, _NL)]
                    ev2 = emb_all[pl.ds(eoff + 2 * _D + base, _NL)]
                    e0 = ev0[rot]
                    e1 = ev1[rot]
                    e2 = ev2[rot]
                    accs = list(accs)
                    for g in range(ng):
                        w = plsc.load_gather(rows[par],
                                             [row_idx[g], col])
                        accs[3 * g] = accs[3 * g] + w * e0
                        accs[3 * g + 1] = accs[3 * g + 1] + w * e1
                        accs[3 * g + 2] = accs[3 * g + 2] + w * e2
                    return tuple(accs)

                accs = lax.fori_loop(0, _D, dstep, init, unroll=2)

                for g in range(ng):
                    gi = g0 + g
                    sl = pl.ds(gi * _NL, _NL)
                    x0 = a0[par][sl]
                    x1 = a1[par][sl]
                    x2 = a2[par][sl]
                    m = jnp.maximum(jnp.maximum(x0, x1), x2)
                    x0 = jnp.exp(x0 - m)
                    x1 = jnp.exp(x1 - m)
                    x2 = jnp.exp(x2 - m)
                    s = x0 + x1 + x2
                    r = (accs[3 * g] * x0 + accs[3 * g + 1] * x1
                         + accs[3 * g + 2] * x2) / s + bb[par][sl]
                    ob[par][sl] = r

        issue(0, 0)
        issue(1, 1)

        @pl.loop(0, _BPW // 2)
        def _(t):
            for par in (0, 1):
                j = 2 * t + par
                wait_gathers(j, par)

                @pl.when(j >= 2)
                def _():
                    src, dst, sem = out_desc(j - 2, par)
                    pltpu.make_async_copy(src, dst, sem).wait()

                compute(j, par)
                src, dst, sem = out_desc(j, par)
                pltpu.async_copy(src, dst, sem)

                @pl.when(j + 2 < _BPW)
                def _():
                    issue(j + 2, par)

        for par, j in ((0, _BPW - 2), (1, _BPW - 1)):
            src, dst, sem = out_desc(j, par)
            pltpu.make_async_copy(src, dst, sem).wait()

    out = run(embed_flat, short_flat, weight, bias, att0, att1, att2)
    return out.reshape(_B, _L)


def kernel(embed, shortlist, weight, bias, attention_weights):
    return _sc_combine(embed, shortlist, weight, bias, attention_weights)

# --- scband reference (transcript-rebuilt; emitter-appended) ---
"""Pipeline reference for scband-gala-xcbase-54820962566196 (READ-ONLY COPY).

The authoritative reference and input builder live on the scoring server;
editing this copy changes nothing except your own understanding.
"""

import jax, jax.numpy as jnp
import numpy as np

B, L = 1024, 200
V, D = 1000000, 128

def setup_inputs(seed: int = 0) -> dict:
    key = jax.random.key(seed)
    k1, k2, k3, k4, k5 = jax.random.split(key, 5)
    embed = jax.random.normal(k1, (B, 3 * D), dtype=jnp.float32)
    shortlist = jax.random.randint(k2, (B, L), 0, V, dtype=jnp.int32)
    stdv = 1.0 / np.sqrt(D)
    weight = jax.random.uniform(k3, (V, D), minval=-stdv, maxval=stdv, dtype=jnp.float32)
    bias = jax.random.uniform(k4, (V,), minval=-stdv, maxval=stdv, dtype=jnp.float32)
    attention_weights = jax.random.normal(k5, (V, 3), dtype=jnp.float32)
    return {"embed": embed, "shortlist": shortlist, "weight": weight, "bias": bias, "attention_weights": attention_weights}

def reference(embed, shortlist, weight, bias, attention_weights):
    # LinearChunk.forward, 2D-shortlist branch (the embedding-lookup path of GalaXC's distributed classifier)
    b, l = shortlist.shape
    flat = shortlist.reshape(-1)
    short_weights = jnp.take(weight, flat, axis=0)            # [B*L, D]   gather
    short_bias = jnp.take(bias, flat, axis=0)                 # [B*L]      gather
    short_att = jnp.take(attention_weights, flat, axis=0)     # [B*L, 3]   gather
    att = jax.nn.softmax(short_att, axis=1)                   # Softmax(dim=1)
    w = short_weights[:, None, :] * att[:, :, None]           # [B*L, 3, D]
    w = w.reshape(b, l, embed.shape[-1])                      # [B, L, 3D]
    x = embed[:, None, :] * w                                 # [B, L, 3D] (repeat over shortlist)
    x = x.sum(axis=2) + short_bias.reshape(b, l)              # [B, L]
    return x

if __name__ == "__main__":
    import jax
    _d = setup_inputs()
    print(jax.jit(kernel)(*tuple(_d.values())))

</pallas_src>

<mosaic_0001>
#map = affine_map<(d0, d1) -> (0)>
#map1 = affine_map<(d0, d1) -> (0, 0)>
module attributes {stable_mosaic.version = 14 : i64} {
  func.func @run(%arg0: i32, %arg1: i32, %arg2: memref<393216xf32, #tpu.memory_space<hbm>>, %arg3: memref<204800xi32, #tpu.memory_space<hbm>>, %arg4: memref<1000000x128xf32, #tpu.memory_space<hbm>>, %arg5: memref<1000000xf32, #tpu.memory_space<hbm>>, %arg6: memref<1000000xf32, #tpu.memory_space<hbm>>, %arg7: memref<1000000xf32, #tpu.memory_space<hbm>>, %arg8: memref<1000000xf32, #tpu.memory_space<hbm>>, %arg9: memref<204800xf32, #tpu.memory_space<hbm>>, %arg10: memref<6416xi32, #tpu.memory_space<vmem>>, %arg11: memref<12288xf32, #tpu.memory_space<vmem>>, %arg12: memref<208x128xf32, #tpu.memory_space<vmem>>, %arg13: memref<208x128xf32, #tpu.memory_space<vmem>>, %arg14: memref<208xf32, #tpu.memory_space<vmem>>, %arg15: memref<208xf32, #tpu.memory_space<vmem>>, %arg16: memref<208xf32, #tpu.memory_space<vmem>>, %arg17: memref<208xf32, #tpu.memory_space<vmem>>, %arg18: memref<208xf32, #tpu.memory_space<vmem>>, %arg19: memref<208xf32, #tpu.memory_space<vmem>>, %arg20: memref<208xf32, #tpu.memory_space<vmem>>, %arg21: memref<208xf32, #tpu.memory_space<vmem>>, %arg22: memref<208xf32, #tpu.memory_space<vmem>>, %arg23: memref<208xf32, #tpu.memory_space<vmem>>, %arg24: memref<!tpu.dma_semaphore, #tpu.memory_space<semaphore_mem>>, %arg25: memref<!tpu.dma_semaphore, #tpu.memory_space<semaphore_mem>>, %arg26: memref<!tpu.dma_semaphore, #tpu.memory_space<semaphore_mem>>, %arg27: memref<!tpu.dma_semaphore, #tpu.memory_space<semaphore_mem>>) attributes {dimension_semantics = [#tpu.dimension_semantics<core_parallel>, #tpu.dimension_semantics<subcore_parallel>], iteration_bounds = array<i64: 2, 16>, scalar_prefetch = 0 : i64, scratch_operands = 18 : i64, tpu.core_type = #tpu.core_type<sc_vector_subcore>, window_params = [{transform_indices = #map}, {transform_indices = #map}, {transform_indices = #map1}, {transform_indices = #map}, {transform_indices = #map}, {transform_indices = #map}, {transform_indices = #map}, {transform_indices = #map}]} {
    %mul3A = arith.constant 2 : i32
    %mul3A_0 = arith.muli %arg1, %mul3A : i32
    %add3A = arith.addi %mul3A_0, %arg0 : i32
    %iota3A = tpu.iota {dimensions = array<i32: 0>} : vector<16xi32>
    %mul3A_1 = arith.constant 6400 : i32
    %mul3A_2 = arith.muli %add3A, %mul3A_1 : i32
    "tpu.region"() ({
      %run_scoped3A = tpu.sem_alloc : memref<!tpu.dma_semaphore, #tpu.memory_space<semaphore_mem>>
      %dma_start3A_67 = arith.constant 0 : i32
      %dma_start3A_68 = tpu.memref_slice %arg10[%dma_start3A_67] : memref<6416xi32, #tpu.memory_space<vmem>> -> memref<6400xi32, #tpu.memory_space<vmem>>
      %dma_start3A_69 = tpu.memref_slice %arg3[%mul3A_2] : memref<204800xi32, #tpu.memory_space<hbm>> -> memref<6400xi32, #tpu.memory_space<hbm>>
      %dma_start3A_70 = arith.constant 0 : i32
      %dma_start3A_71 = tpu.memref_slice %arg10[%dma_start3A_70] : memref<6416xi32, #tpu.memory_space<vmem>> -> memref<6400xi32, #tpu.memory_space<vmem>>
      %dma_start3A_72 = tpu.memref_slice %arg3[%mul3A_2] : memref<204800xi32, #tpu.memory_space<hbm>> -> memref<6400xi32, #tpu.memory_space<hbm>>
      tpu.enqueue_dma source(%dma_start3A_72 : memref<6400xi32, #tpu.memory_space<hbm>>) target(%dma_start3A_71 : memref<6400xi32, #tpu.memory_space<vmem>>) target_semaphore(%run_scoped3A : memref<!tpu.dma_semaphore, #tpu.memory_space<semaphore_mem>>)
      %dma_wait3A_73 = arith.constant 0 : i32
      %dma_wait3A_74 = tpu.memref_slice %arg10[%dma_wait3A_73] : memref<6416xi32, #tpu.memory_space<vmem>> -> memref<6400xi32, #tpu.memory_space<vmem>>
      %dma_wait3A_75 = tpu.memref_slice %arg3[%mul3A_2] : memref<204800xi32, #tpu.memory_space<hbm>> -> memref<6400xi32, #tpu.memory_space<hbm>>
      %dma_wait3A_76 = arith.constant 0 : i32
      %dma_wait3A_77 = tpu.memref_slice %arg10[%dma_wait3A_76] : memref<6416xi32, #tpu.memory_space<vmem>> -> memref<6400xi32, #tpu.memory_space<vmem>>
      %dma_wait3A_78 = tpu.memref_slice %arg3[%mul3A_2] : memref<204800xi32, #tpu.memory_space<hbm>> -> memref<6400xi32, #tpu.memory_space<hbm>>
      tpu.wait_dma2 semaphore(%run_scoped3A : memref<!tpu.dma_semaphore, #tpu.memory_space<semaphore_mem>>) src(%dma_wait3A_78 : memref<6400xi32, #tpu.memory_space<hbm>>) dst(%dma_wait3A_77 : memref<6400xi32, #tpu.memory_space<vmem>>)
      tpu.yield
    }) : () -> ()
    %mul3A_3 = arith.constant 12288 : i32
    %mul3A_4 = arith.muli %add3A, %mul3A_3 : i32
    "tpu.region"() ({
      %run_scoped3A = tpu.sem_alloc : memref<!tpu.dma_semaphore, #tpu.memory_space<semaphore_mem>>
      %dma_start3A_67 = tpu.memref_slice %arg2[%mul3A_4] : memref<393216xf32, #tpu.memory_space<hbm>> -> memref<12288xf32, #tpu.memory_space<hbm>>
      %dma_start3A_68 = tpu.memref_slice %arg2[%mul3A_4] : memref<393216xf32, #tpu.memory_space<hbm>> -> memref<12288xf32, #tpu.memory_space<hbm>>
      tpu.enqueue_dma source(%dma_start3A_68 : memref<12288xf32, #tpu.memory_space<hbm>>) target(%arg11 : memref<12288xf32, #tpu.memory_space<vmem>>) target_semaphore(%run_scoped3A : memref<!tpu.dma_semaphore, #tpu.memory_space<semaphore_mem>>)
      %dma_wait3A_69 = tpu.memref_slice %arg2[%mul3A_4] : memref<393216xf32, #tpu.memory_space<hbm>> -> memref<12288xf32, #tpu.memory_space<hbm>>
      %dma_wait3A_70 = tpu.memref_slice %arg2[%mul3A_4] : memref<393216xf32, #tpu.memory_space<hbm>> -> memref<12288xf32, #tpu.memory_space<hbm>>
      tpu.wait_dma2 semaphore(%run_scoped3A : memref<!tpu.dma_semaphore, #tpu.memory_space<semaphore_mem>>) src(%dma_wait3A_70 : memref<12288xf32, #tpu.memory_space<hbm>>) dst(%arg11 : memref<12288xf32, #tpu.memory_space<vmem>>)
      tpu.yield
    }) : () -> ()
    %broadcast_in_dim3A = arith.constant 0 : i32
    %broadcast_in_dim3A_5 = vector.broadcast %broadcast_in_dim3A : i32 to vector<16xi32>
    %swap3A = arith.constant 6400 : index
    %swap3A_6 = tpu.vector_load %arg10[%swap3A] {strides = array<i32>} : memref<6416xi32, #tpu.memory_space<vmem>>, vector<16xi32>,
    tpu.vector_store %arg10[%swap3A], %broadcast_in_dim3A_5 {strides = array<i32>} : memref<6416xi32, #tpu.memory_space<vmem>>, vector<16xi32>,
    %dma_start3A = arith.constant 0 : i32
    %dma_start3A_7 = tpu.memref_slice %arg10[%dma_start3A] : memref<6416xi32, #tpu.memory_space<vmem>> -> memref<208xi32, #tpu.memory_space<vmem>>
    %dma_start3A_8 = arith.constant 0 : i32
    %dma_start3A_9 = arith.constant 0 : i32
    %dma_start3A_10 = tpu.memref_slice %arg4[%dma_start3A_8, %dma_start3A_9] : memref<1000000x128xf32, #tpu.memory_space<hbm>> -> memref<1000000x128xf32, #tpu.memory_space<hbm>>
    tpu.enqueue_indirect_dma source(%dma_start3A_10 : memref<1000000x128xf32, #tpu.memory_space<hbm>>) target(%arg12 : memref<208x128xf32, #tpu.memory_space<vmem>>) offsets(%dma_start3A_7 : memref<208xi32, #tpu.memory_space<vmem>>) semaphore(%arg24 : memref<!tpu.dma_semaphore, #tpu.memory_space<semaphore_mem>>)
    %dma_start3A_11 = arith.constant 0 : i32
    %dma_start3A_12 = tpu.memref_slice %arg10[%dma_start3A_11] : memref<6416xi32, #tpu.memory_space<vmem>> -> memref<208xi32, #tpu.memory_space<vmem>>
    %dma_start3A_13 = arith.constant 0 : i32
    %dma_start3A_14 = tpu.memref_slice %arg6[%dma_start3A_13] : memref<1000000xf32, #tpu.memory_space<hbm>> -> memref<1000000xf32, #tpu.memory_space<hbm>>
    tpu.enqueue_indirect_dma source(%dma_start3A_14 : memref<1000000xf32, #tpu.memory_space<hbm>>) target(%arg14 : memref<208xf32, #tpu.memory_space<vmem>>) offsets(%dma_start3A_12 : memref<208xi32, #tpu.memory_space<vmem>>) semaphore(%arg24 : memref<!tpu.dma_semaphore, #tpu.memory_space<semaphore_mem>>)
    %dma_start3A_15 = arith.constant 0 : i32
    %dma_start3A_16 = tpu.memref_slice %arg10[%dma_start3A_15] : memref<6416xi32, #tpu.memory_space<vmem>> -> memref<208xi32, #tpu.memory_space<vmem>>
    %dma_start3A_17 = arith.constant 0 : i32
    %dma_start3A_18 = tpu.memref_slice %arg7[%dma_start3A_17] : memref<1000000xf32, #tpu.memory_space<hbm>> -> memref<1000000xf32, #tpu.memory_space<hbm>>
    tpu.enqueue_indirect_dma source(%dma_start3A_18 : memref<1000000xf32, #tpu.memory_space<hbm>>) target(%arg16 : memref<208xf32, #tpu.memory_space<vmem>>) offsets(%dma_start3A_16 : memref<208xi32, #tpu.memory_space<vmem>>) semaphore(%arg24 : memref<!tpu.dma_semaphore, #tpu.memory_space<semaphore_mem>>)
    %dma_start3A_19 = arith.constant 0 : i32
    %dma_start3A_20 = tpu.memref_slice %arg10[%dma_start3A_19] : memref<6416xi32, #tpu.memory_space<vmem>> -> memref<208xi32, #tpu.memory_space<vmem>>
    %dma_start3A_21 = arith.constant 0 : i32
    %dma_start3A_22 = tpu.memref_slice %arg8[%dma_start3A_21] : memref<1000000xf32, #tpu.memory_space<hbm>> -> memref<1000000xf32, #tpu.memory_space<hbm>>
    tpu.enqueue_indirect_dma source(%dma_start3A_22 : memref<1000000xf32, #tpu.memory_space<hbm>>) target(%arg18 : memref<208xf32, #tpu.memory_space<vmem>>) offsets(%dma_start3A_20 : memref<208xi32, #tpu.memory_space<vmem>>) semaphore(%arg24 : memref<!tpu.dma_semaphore, #tpu.memory_space<semaphore_mem>>)
    %dma_start3A_23 = arith.constant 0 : i32
    %dma_start3A_24 = tpu.memref_slice %arg10[%dma_start3A_23] : memref<6416xi32, #tpu.memory_space<vmem>> -> memref<208xi32, #tpu.memory_space<vmem>>
    %dma_start3A_25 = arith.constant 0 : i32
    %dma_start3A_26 = tpu.memref_slice %arg5[%dma_start3A_25] : memref<1000000xf32, #tpu.memory_space<hbm>> -> memref<1000000xf32, #tpu.memory_space<hbm>>
    tpu.enqueue_indirect_dma source(%dma_start3A_26 : memref<1000000xf32, #tpu.memory_space<hbm>>) target(%arg20 : memref<208xf32, #tpu.memory_space<vmem>>) offsets(%dma_start3A_24 : memref<208xi32, #tpu.memory_space<vmem>>) semaphore(%arg24 : memref<!tpu.dma_semaphore, #tpu.memory_space<semaphore_mem>>)
    %dma_start3A_27 = arith.constant 200 : i32
    %dma_start3A_28 = tpu.memref_slice %arg10[%dma_start3A_27] : memref<6416xi32, #tpu.memory_space<vmem>> -> memref<208xi32, #tpu.memory_space<vmem>>
    %dma_start3A_29 = arith.constant 0 : i32
    %dma_start3A_30 = arith.constant 0 : i32
    %dma_start3A_31 = tpu.memref_slice %arg4[%dma_start3A_29, %dma_start3A_30] : memref<1000000x128xf32, #tpu.memory_space<hbm>> -> memref<1000000x128xf32, #tpu.memory_space<hbm>>
    tpu.enqueue_indirect_dma source(%dma_start3A_31 : memref<1000000x128xf32, #tpu.memory_space<hbm>>) target(%arg13 : memref<208x128xf32, #tpu.memory_space<vmem>>) offsets(%dma_start3A_28 : memref<208xi32, #tpu.memory_space<vmem>>) semaphore(%arg25 : memref<!tpu.dma_semaphore, #tpu.memory_space<semaphore_mem>>)
    %dma_start3A_32 = arith.constant 200 : i32
    %dma_start3A_33 = tpu.memref_slice %arg10[%dma_start3A_32] : memref<6416xi32, #tpu.memory_space<vmem>> -> memref<208xi32, #tpu.memory_space<vmem>>
    %dma_start3A_34 = arith.constant 0 : i32
    %dma_start3A_35 = tpu.memref_slice %arg6[%dma_start3A_34] : memref<1000000xf32, #tpu.memory_space<hbm>> -> memref<1000000xf32, #tpu.memory_space<hbm>>
    tpu.enqueue_indirect_dma source(%dma_start3A_35 : memref<1000000xf32, #tpu.memory_space<hbm>>) target(%arg15 : memref<208xf32, #tpu.memory_space<vmem>>) offsets(%dma_start3A_33 : memref<208xi32, #tpu.memory_space<vmem>>) semaphore(%arg25 : memref<!tpu.dma_semaphore, #tpu.memory_space<semaphore_mem>>)
    %dma_start3A_36 = arith.constant 200 : i32
    %dma_start3A_37 = tpu.memref_slice %arg10[%dma_start3A_36] : memref<6416xi32, #tpu.memory_space<vmem>> -> memref<208xi32, #tpu.memory_space<vmem>>
    %dma_start3A_38 = arith.constant 0 : i32
    %dma_start3A_39 = tpu.memref_slice %arg7[%dma_start3A_38] : memref<1000000xf32, #tpu.memory_space<hbm>> -> memref<1000000xf32, #tpu.memory_space<hbm>>
    tpu.enqueue_indirect_dma source(%dma_start3A_39 : memref<1000000xf32, #tpu.memory_space<hbm>>) target(%arg17 : memref<208xf32, #tpu.memory_space<vmem>>) offsets(%dma_start3A_37 : memref<208xi32, #tpu.memory_space<vmem>>) semaphore(%arg25 : memref<!tpu.dma_semaphore, #tpu.memory_space<semaphore_mem>>)
    %dma_start3A_40 = arith.constant 200 : i32
    %dma_start3A_41 = tpu.memref_slice %arg10[%dma_start3A_40] : memref<6416xi32, #tpu.memory_space<vmem>> -> memref<208xi32, #tpu.memory_space<vmem>>
    %dma_start3A_42 = arith.constant 0 : i32
    %dma_start3A_43 = tpu.memref_slice %arg8[%dma_start3A_42] : memref<1000000xf32, #tpu.memory_space<hbm>> -> memref<1000000xf32, #tpu.memory_space<hbm>>
    tpu.enqueue_indirect_dma source(%dma_start3A_43 : memref<1000000xf32, #tpu.memory_space<hbm>>) target(%arg19 : memref<208xf32, #tpu.memory_space<vmem>>) offsets(%dma_start3A_41 : memref<208xi32, #tpu.memory_space<vmem>>) semaphore(%arg25 : memref<!tpu.dma_semaphore, #tpu.memory_space<semaphore_mem>>)
    %dma_start3A_44 = arith.constant 200 : i32
    %dma_start3A_45 = tpu.memref_slice %arg10[%dma_start3A_44] : memref<6416xi32, #tpu.memory_space<vmem>> -> memref<208xi32, #tpu.memory_space<vmem>>
    %dma_start3A_46 = arith.constant 0 : i32
    %dma_start3A_47 = tpu.memref_slice %arg5[%dma_start3A_46] : memref<1000000xf32, #tpu.memory_space<hbm>> -> memref<1000000xf32, #tpu.memory_space<hbm>>
    tpu.enqueue_indirect_dma source(%dma_start3A_47 : memref<1000000xf32, #tpu.memory_space<hbm>>) target(%arg21 : memref<208xf32, #tpu.memory_space<vmem>>) offsets(%dma_start3A_45 : memref<208xi32, #tpu.memory_space<vmem>>) semaphore(%arg25 : memref<!tpu.dma_semaphore, #tpu.memory_space<semaphore_mem>>)
    %scan3A = arith.constant 0 : i32
    %scan3A_48 = arith.constant 16 : i32
    %scan3A_49 = arith.addi %scan3A, %scan3A_48 : i32
    %scan3A_50 = arith.constant 1 : i32
    scf.for %scan3A_67 = %scan3A to %scan3A_49 step %scan3A_50  : i32 {
      %mul3A_68 = arith.constant 1 : i32
      %mul3A_69 = arith.muli %scan3A_67, %mul3A_68 : i32
      %add3A_70 = arith.constant 0 : i32
      %add3A_71 = arith.addi %add3A_70, %mul3A_69 : i32
      %mul3A_72 = arith.constant 2 : i32
      %mul3A_73 = arith.muli %mul3A_72, %add3A_71 : i32
      %add3A_74 = arith.constant 0 : i32
      %add3A_75 = arith.addi %mul3A_73, %add3A_74 : i32
      %mul3A_76 = arith.constant 200 : i32
      %mul3A_77 = arith.muli %add3A_75, %mul3A_76 : i32
      %dma_wait3A_78 = tpu.memref_slice %arg10[%mul3A_77] : memref<6416xi32, #tpu.memory_space<vmem>> -> memref<208xi32, #tpu.memory_space<vmem>>
      %dma_wait3A_79 = arith.constant 0 : i32
      %dma_wait3A_80 = arith.constant 0 : i32
      %dma_wait3A_81 = tpu.memref_slice %arg4[%dma_wait3A_79, %dma_wait3A_80] : memref<1000000x128xf32, #tpu.memory_space<hbm>> -> memref<1000000x128xf32, #tpu.memory_space<hbm>>
      tpu.wait_indirect_dma semaphore(%arg24 : memref<!tpu.dma_semaphore, #tpu.memory_space<semaphore_mem>>) src(%dma_wait3A_81 : memref<1000000x128xf32, #tpu.memory_space<hbm>>) dst(%arg12 : memref<208x128xf32, #tpu.memory_space<vmem>>)
      %dma_wait3A_82 = tpu.memref_slice %arg10[%mul3A_77] : memref<6416xi32, #tpu.memory_space<vmem>> -> memref<208xi32, #tpu.memory_space<vmem>>
      %dma_wait3A_83 = arith.constant 0 : i32
      %dma_wait3A_84 = tpu.memref_slice %arg6[%dma_wait3A_83] : memref<1000000xf32, #tpu.memory_space<hbm>> -> memref<1000000xf32, #tpu.memory_space<hbm>>
      tpu.wait_indirect_dma semaphore(%arg24 : memref<!tpu.dma_semaphore, #tpu.memory_space<semaphore_mem>>) src(%dma_wait3A_84 : memref<1000000xf32, #tpu.memory_space<hbm>>) dst(%arg14 : memref<208xf32, #tpu.memory_space<vmem>>)
      %dma_wait3A_85 = tpu.memref_slice %arg10[%mul3A_77] : memref<6416xi32, #tpu.memory_space<vmem>> -> memref<208xi32, #tpu.memory_space<vmem>>
      %dma_wait3A_86 = arith.constant 0 : i32
      %dma_wait3A_87 = tpu.memref_slice %arg7[%dma_wait3A_86] : memref<1000000xf32, #tpu.memory_space<hbm>> -> memref<1000000xf32, #tpu.memory_space<hbm>>
      tpu.wait_indirect_dma semaphore(%arg24 : memref<!tpu.dma_semaphore, #tpu.memory_space<semaphore_mem>>) src(%dma_wait3A_87 : memref<1000000xf32, #tpu.memory_space<hbm>>) dst(%arg16 : memref<208xf32, #tpu.memory_space<vmem>>)
      %dma_wait3A_88 = tpu.memref_slice %arg10[%mul3A_77] : memref<6416xi32, #tpu.memory_space<vmem>> -> memref<208xi32, #tpu.memory_space<vmem>>
      %dma_wait3A_89 = arith.constant 0 : i32
      %dma_wait3A_90 = tpu.memref_slice %arg8[%dma_wait3A_89] : memref<1000000xf32, #tpu.memory_space<hbm>> -> memref<1000000xf32, #tpu.memory_space<hbm>>
      tpu.wait_indirect_dma semaphore(%arg24 : memref<!tpu.dma_semaphore, #tpu.memory_space<semaphore_mem>>) src(%dma_wait3A_90 : memref<1000000xf32, #tpu.memory_space<hbm>>) dst(%arg18 : memref<208xf32, #tpu.memory_space<vmem>>)
      %dma_wait3A_91 = tpu.memref_slice %arg10[%mul3A_77] : memref<6416xi32, #tpu.memory_space<vmem>> -> memref<208xi32, #tpu.memory_space<vmem>>
      %dma_wait3A_92 = arith.constant 0 : i32
      %dma_wait3A_93 = tpu.memref_slice %arg5[%dma_wait3A_92] : memref<1000000xf32, #tpu.memory_space<hbm>> -> memref<1000000xf32, #tpu.memory_space<hbm>>
      tpu.wait_indirect_dma semaphore(%arg24 : memref<!tpu.dma_semaphore, #tpu.memory_space<semaphore_mem>>) src(%dma_wait3A_93 : memref<1000000xf32, #tpu.memory_space<hbm>>) dst(%arg20 : memref<208xf32, #tpu.memory_space<vmem>>)
      %ge3A = arith.constant 2 : i32
      %ge3A_94 = arith.cmpi sge, %add3A_75, %ge3A : i32
      %convert_element_type3A = arith.extui %ge3A_94 : i1 to i32
      %cond3A = arith.constant 0 : i32
      %cond3A_95 = arith.cmpi ne, %convert_element_type3A, %cond3A : i32
      scf.if %cond3A_95 {
        %sub3A_1113 = arith.constant 2 : i32
        %sub3A_1114 = arith.subi %add3A_75, %sub3A_1113 : i32
        %mul3A_1115 = arith.constant 200 : i32
        %mul3A_1116 = arith.muli %sub3A_1114, %mul3A_1115 : i32
        %add3A_1117 = arith.addi %mul3A_2, %mul3A_1116 : i32
        %dma_wait3A_1118 = arith.constant 0 : i32
        %dma_wait3A_1119 = tpu.memref_slice %arg22[%dma_wait3A_1118] : memref<208xf32, #tpu.memory_space<vmem>> -> memref<200xf32, #tpu.memory_space<vmem>>
        %dma_wait3A_1120 = tpu.memref_slice %arg9[%add3A_1117] : memref<204800xf32, #tpu.memory_space<hbm>> -> memref<200xf32, #tpu.memory_space<hbm>>
        %dma_wait3A_1121 = tpu.memref_slice %arg9[%add3A_1117] : memref<204800xf32, #tpu.memory_space<hbm>> -> memref<200xf32, #tpu.memory_space<hbm>>
        %dma_wait3A_1122 = arith.constant 0 : i32
        %dma_wait3A_1123 = tpu.memref_slice %arg22[%dma_wait3A_1122] : memref<208xf32, #tpu.memory_space<vmem>> -> memref<200xf32, #tpu.memory_space<vmem>>
        tpu.wait_dma2 semaphore(%arg26 : memref<!tpu.dma_semaphore, #tpu.memory_space<semaphore_mem>>) src(%dma_wait3A_1123 : memref<200xf32, #tpu.memory_space<vmem>>) dst(%dma_wait3A_1121 : memref<200xf32, #tpu.memory_space<hbm>>)
      } else {
      }
      %mul3A_96 = arith.constant 384 : i32
      %mul3A_97 = arith.muli %add3A_75, %mul3A_96 : i32
      %add3A_98 = arith.constant 0 : i32
      %add3A_99 = vector.broadcast %add3A_98 : i32 to vector<16xi32>
      %add3A_100 = arith.addi %iota3A, %add3A_99 : vector<16xi32>
      %add3A_101 = arith.constant 16 : i32
      %add3A_102 = vector.broadcast %add3A_101 : i32 to vector<16xi32>
      %add3A_103 = arith.addi %iota3A, %add3A_102 : vector<16xi32>
      %add3A_104 = arith.constant 32 : i32
      %add3A_105 = vector.broadcast %add3A_104 : i32 to vector<16xi32>
      %add3A_106 = arith.addi %iota3A, %add3A_105 : vector<16xi32>
      %add3A_107 = arith.constant 48 : i32
      %add3A_108 = vector.broadcast %add3A_107 : i32 to vector<16xi32>
      %add3A_109 = arith.addi %iota3A, %add3A_108 : vector<16xi32>
      %add3A_110 = arith.constant 64 : i32
      %add3A_111 = vector.broadcast %add3A_110 : i32 to vector<16xi32>
      %add3A_112 = arith.addi %iota3A, %add3A_111 : vector<16xi32>
      %add3A_113 = arith.constant 80 : i32
      %add3A_114 = vector.broadcast %add3A_113 : i32 to vector<16xi32>
      %add3A_115 = arith.addi %iota3A, %add3A_114 : vector<16xi32>
      %add3A_116 = arith.constant 96 : i32
      %add3A_117 = vector.broadcast %add3A_116 : i32 to vector<16xi32>
      %add3A_118 = arith.addi %iota3A, %add3A_117 : vector<16xi32>
      %broadcast_in_dim3A_119 = arith.constant 0.000000e+00 : f32
      %broadcast_in_dim3A_120 = vector.broadcast %broadcast_in_dim3A_119 : f32 to vector<16xf32>
      %broadcast_in_dim3A_121 = arith.constant 0.000000e+00 : f32
      %broadcast_in_dim3A_122 = vector.broadcast %broadcast_in_dim3A_121 : f32 to vector<16xf32>
      %broadcast_in_dim3A_123 = arith.constant 0.000000e+00 : f32
      %broadcast_in_dim3A_124 = vector.broadcast %broadcast_in_dim3A_123 : f32 to vector<16xf32>
      %broadcast_in_dim3A_125 = arith.constant 0.000000e+00 : f32
      %broadcast_in_dim3A_126 = vector.broadcast %broadcast_in_dim3A_125 : f32 to vector<16xf32>
      %broadcast_in_dim3A_127 = arith.constant 0.000000e+00 : f32
      %broadcast_in_dim3A_128 = vector.broadcast %broadcast_in_dim3A_127 : f32 to vector<16xf32>
      %broadcast_in_dim3A_129 = arith.constant 0.000000e+00 : f32
      %broadcast_in_dim3A_130 = vector.broadcast %broadcast_in_dim3A_129 : f32 to vector<16xf32>
      %broadcast_in_dim3A_131 = arith.constant 0.000000e+00 : f32
      %broadcast_in_dim3A_132 = vector.broadcast %broadcast_in_dim3A_131 : f32 to vector<16xf32>
      %broadcast_in_dim3A_133 = arith.constant 0.000000e+00 : f32
      %broadcast_in_dim3A_134 = vector.broadcast %broadcast_in_dim3A_133 : f32 to vector<16xf32>
      %broadcast_in_dim3A_135 = arith.constant 0.000000e+00 : f32
      %broadcast_in_dim3A_136 = vector.broadcast %broadcast_in_dim3A_135 : f32 to vector<16xf32>
      %broadcast_in_dim3A_137 = arith.constant 0.000000e+00 : f32
      %broadcast_in_dim3A_138 = vector.broadcast %broadcast_in_dim3A_137 : f32 to vector<16xf32>
      %broadcast_in_dim3A_139 = arith.constant 0.000000e+00 : f32
      %broadcast_in_dim3A_140 = vector.broadcast %broadcast_in_dim3A_139 : f32 to vector<16xf32>
      %broadcast_in_dim3A_141 = arith.constant 0.000000e+00 : f32
      %broadcast_in_dim3A_142 = vector.broadcast %broadcast_in_dim3A_141 : f32 to vector<16xf32>
      %broadcast_in_dim3A_143 = arith.constant 0.000000e+00 : f32
      %broadcast_in_dim3A_144 = vector.broadcast %broadcast_in_dim3A_143 : f32 to vector<16xf32>
      %broadcast_in_dim3A_145 = arith.constant 0.000000e+00 : f32
      %broadcast_in_dim3A_146 = vector.broadcast %broadcast_in_dim3A_145 : f32 to vector<16xf32>
      %broadcast_in_dim3A_147 = arith.constant 0.000000e+00 : f32
      %broadcast_in_dim3A_148 = vector.broadcast %broadcast_in_dim3A_147 : f32 to vector<16xf32>
      %broadcast_in_dim3A_149 = arith.constant 0.000000e+00 : f32
      %broadcast_in_dim3A_150 = vector.broadcast %broadcast_in_dim3A_149 : f32 to vector<16xf32>
      %broadcast_in_dim3A_151 = arith.constant 0.000000e+00 : f32
      %broadcast_in_dim3A_152 = vector.broadcast %broadcast_in_dim3A_151 : f32 to vector<16xf32>
      %broadcast_in_dim3A_153 = arith.constant 0.000000e+00 : f32
      %broadcast_in_dim3A_154 = vector.broadcast %broadcast_in_dim3A_153 : f32 to vector<16xf32>
      %broadcast_in_dim3A_155 = arith.constant 0.000000e+00 : f32
      %broadcast_in_dim3A_156 = vector.broadcast %broadcast_in_dim3A_155 : f32 to vector<16xf32>
      %broadcast_in_dim3A_157 = arith.constant 0.000000e+00 : f32
      %broadcast_in_dim3A_158 = vector.broadcast %broadcast_in_dim3A_157 : f32 to vector<16xf32>
      %broadcast_in_dim3A_159 = arith.constant 0.000000e+00 : f32
      %broadcast_in_dim3A_160 = vector.broadcast %broadcast_in_dim3A_159 : f32 to vector<16xf32>
      %scan3A_161 = arith.constant 0 : i32
      %scan3A_162 = arith.constant 128 : i32
      %scan3A_163 = arith.addi %scan3A_161, %scan3A_162 : i32
      %scan3A_164 = arith.constant 2 : i32
      %scan3A_165:21 = scf.for %scan3A_1113 = %scan3A_161 to %scan3A_163 step %scan3A_164 iter_args(%scan3A_1114 = %broadcast_in_dim3A_120, %scan3A_1115 = %broadcast_in_dim3A_122, %scan3A_1116 = %broadcast_in_dim3A_124, %scan3A_1117 = %broadcast_in_dim3A_126, %scan3A_1118 = %broadcast_in_dim3A_128, %scan3A_1119 = %broadcast_in_dim3A_130, %scan3A_1120 = %broadcast_in_dim3A_132, %scan3A_1121 = %broadcast_in_dim3A_134, %scan3A_1122 = %broadcast_in_dim3A_136, %scan3A_1123 = %broadcast_in_dim3A_138, %scan3A_1124 = %broadcast_in_dim3A_140, %scan3A_1125 = %broadcast_in_dim3A_142, %scan3A_1126 = %broadcast_in_dim3A_144, %scan3A_1127 = %broadcast_in_dim3A_146, %scan3A_1128 = %broadcast_in_dim3A_148, %scan3A_1129 = %broadcast_in_dim3A_150, %scan3A_1130 = %broadcast_in_dim3A_152, %scan3A_1131 = %broadcast_in_dim3A_154, %scan3A_1132 = %broadcast_in_dim3A_156, %scan3A_1133 = %broadcast_in_dim3A_158, %scan3A_1134 = %broadcast_in_dim3A_160) -> (vector<16xf32>, vector<16xf32>, vector<16xf32>, vector<16xf32>, vector<16xf32>, vector<16xf32>, vector<16xf32>, vector<16xf32>, vector<16xf32>, vector<16xf32>, vector<16xf32>, vector<16xf32>, vector<16xf32>, vector<16xf32>, vector<16xf32>, vector<16xf32>, vector<16xf32>, vector<16xf32>, vector<16xf32>, vector<16xf32>, vector<16xf32>)  : i32 {
        %and3A = arith.constant -16 : i32
        %and3A_1135 = arith.andi %scan3A_1113, %and3A : i32
        %add3A_1136 = vector.broadcast %scan3A_1113 : i32 to vector<16xi32>
        %add3A_1137 = arith.addi %iota3A, %add3A_1136 : vector<16xi32>
        %and3A_1138 = arith.constant 15 : i32
        %and3A_1139 = vector.broadcast %and3A_1138 : i32 to vector<16xi32>
        %and3A_1140 = arith.andi %add3A_1137, %and3A_1139 : vector<16xi32>
        %add3A_1141 = vector.broadcast %and3A_1135 : i32 to vector<16xi32>
        %add3A_1142 = arith.addi %and3A_1140, %add3A_1141 : vector<16xi32>
        %add3A_1143 = arith.addi %mul3A_97, %and3A_1135 : i32
        %get3A_1144 = arith.index_cast %add3A_1143 : i32 to index
        %get3A_1145 = tpu.vector_load %arg11[%get3A_1144] {strides = array<i32>} : memref<12288xf32, #tpu.memory_space<vmem>>, vector<16xf32>,
        %add3A_1146 = arith.constant 128 : i32
        %add3A_1147 = arith.addi %mul3A_97, %add3A_1146 : i32
        %add3A_1148 = arith.addi %add3A_1147, %and3A_1135 : i32
        %get3A_1149 = arith.index_cast %add3A_1148 : i32 to index
        %get3A_1150 = tpu.vector_load %arg11[%get3A_1149] {strides = array<i32>} : memref<12288xf32, #tpu.memory_space<vmem>>, vector<16xf32>,
        %add3A_1151 = arith.constant 256 : i32
        %add3A_1152 = arith.addi %mul3A_97, %add3A_1151 : i32
        %add3A_1153 = arith.addi %add3A_1152, %and3A_1135 : i32
        %get3A_1154 = arith.index_cast %add3A_1153 : i32 to index
        %get3A_1155 = tpu.vector_load %arg11[%get3A_1154] {strides = array<i32>} : memref<12288xf32, #tpu.memory_space<vmem>>, vector<16xf32>,
        %lt3A_1156 = arith.constant 0 : i32
        %lt3A_1157 = vector.broadcast %lt3A_1156 : i32 to vector<16xi32>
        %lt3A_1158 = arith.cmpi slt, %and3A_1140, %lt3A_1157 : vector<16xi32>
        %add3A_1159 = arith.constant 16 : i32
        %add3A_1160 = vector.broadcast %add3A_1159 : i32 to vector<16xi32>
        %add3A_1161 = arith.addi %and3A_1140, %add3A_1160 : vector<16xi32>
        %select_n3A = arith.select %lt3A_1158, %add3A_1161, %and3A_1140 : vector<16xi1>, vector<16xi32>
        %broadcast_in_dim3A_1162 = vector.shape_cast %select_n3A : vector<16xi32> to vector<16x1xi32>
        %gather3A = vector.shape_cast %broadcast_in_dim3A_1162 : vector<16x1xi32> to vector<16xi32>
        %gather3A_1163 = tpu.dynamic_gather %get3A_1145[%gather3A] in [0] : vector<16xf32>, vector<16xi32> -> vector<16xf32>
        %lt3A_1164 = arith.constant 0 : i32
        %lt3A_1165 = vector.broadcast %lt3A_1164 : i32 to vector<16xi32>
        %lt3A_1166 = arith.cmpi slt, %and3A_1140, %lt3A_1165 : vector<16xi32>
        %add3A_1167 = arith.constant 16 : i32
        %add3A_1168 = vector.broadcast %add3A_1167 : i32 to vector<16xi32>
        %add3A_1169 = arith.addi %and3A_1140, %add3A_1168 : vector<16xi32>
        %select_n3A_1170 = arith.select %lt3A_1166, %add3A_1169, %and3A_1140 : vector<16xi1>, vector<16xi32>
        %broadcast_in_dim3A_1171 = vector.shape_cast %select_n3A_1170 : vector<16xi32> to vector<16x1xi32>
        %gather3A_1172 = vector.shape_cast %broadcast_in_dim3A_1171 : vector<16x1xi32> to vector<16xi32>
        %gather3A_1173 = tpu.dynamic_gather %get3A_1150[%gather3A_1172] in [0] : vector<16xf32>, vector<16xi32> -> vector<16xf32>
        %lt3A_1174 = arith.constant 0 : i32
        %lt3A_1175 = vector.broadcast %lt3A_1174 : i32 to vector<16xi32>
        %lt3A_1176 = arith.cmpi slt, %and3A_1140, %lt3A_1175 : vector<16xi32>
        %add3A_1177 = arith.constant 16 : i32
        %add3A_1178 = vector.broadcast %add3A_1177 : i32 to vector<16xi32>
        %add3A_1179 = arith.addi %and3A_1140, %add3A_1178 : vector<16xi32>
        %select_n3A_1180 = arith.select %lt3A_1176, %add3A_1179, %and3A_1140 : vector<16xi1>, vector<16xi32>
        %broadcast_in_dim3A_1181 = vector.shape_cast %select_n3A_1180 : vector<16xi32> to vector<16x1xi32>
        %gather3A_1182 = vector.shape_cast %broadcast_in_dim3A_1181 : vector<16x1xi32> to vector<16xi32>
        %gather3A_1183 = tpu.dynamic_gather %get3A_1155[%gather3A_1182] in [0] : vector<16xf32>, vector<16xi32> -> vector<16xf32>
        %gather3A_1184 = tpu.vector_load_idx %arg12[%add3A_100, %add3A_1142] : memref<208x128xf32, #tpu.memory_space<vmem>>[vector<16xi32>, vector<16xi32>], vector<16xf32>,
        %mul3A_1185 = arith.mulf %gather3A_1184, %gather3A_1163 : vector<16xf32>
        %add3A_1186 = arith.addf %scan3A_1114, %mul3A_1185 : vector<16xf32>
        %mul3A_1187 = arith.mulf %gather3A_1184, %gather3A_1173 : vector<16xf32>
        %add3A_1188 = arith.addf %scan3A_1115, %mul3A_1187 : vector<16xf32>
        %mul3A_1189 = arith.mulf %gather3A_1184, %gather3A_1183 : vector<16xf32>
        %add3A_1190 = arith.addf %scan3A_1116, %mul3A_1189 : vector<16xf32>
        %gather3A_1191 = tpu.vector_load_idx %arg12[%add3A_103, %add3A_1142] : memref<208x128xf32, #tpu.memory_space<vmem>>[vector<16xi32>, vector<16xi32>], vector<16xf32>,
        %mul3A_1192 = arith.mulf %gather3A_1191, %gather3A_1163 : vector<16xf32>
        %add3A_1193 = arith.addf %scan3A_1117, %mul3A_1192 : vector<16xf32>
        %mul3A_1194 = arith.mulf %gather3A_1191, %gather3A_1173 : vector<16xf32>
        %add3A_1195 = arith.addf %scan3A_1118, %mul3A_1194 : vector<16xf32>
        %mul3A_1196 = arith.mulf %gather3A_1191, %gather3A_1183 : vector<16xf32>
        %add3A_1197 = arith.addf %scan3A_1119, %mul3A_1196 : vector<16xf32>
        %gather3A_1198 = tpu.vector_load_idx %arg12[%add3A_106, %add3A_1142] : memref<208x128xf32, #tpu.memory_space<vmem>>[vector<16xi32>, vector<16xi32>], vector<16xf32>,
        %mul3A_1199 = arith.mulf %gather3A_1198, %gather3A_1163 : vector<16xf32>
        %add3A_1200 = arith.addf %scan3A_1120, %mul3A_1199 : vector<16xf32>
        %mul3A_1201 = arith.mulf %gather3A_1198, %gather3A_1173 : vector<16xf32>
        %add3A_1202 = arith.addf %scan3A_1121, %mul3A_1201 : vector<16xf32>
        %mul3A_1203 = arith.mulf %gather3A_1198, %gather3A_1183 : vector<16xf32>
        %add3A_1204 = arith.addf %scan3A_1122, %mul3A_1203 : vector<16xf32>
        %gather3A_1205 = tpu.vector_load_idx %arg12[%add3A_109, %add3A_1142] : memref<208x128xf32, #tpu.memory_space<vmem>>[vector<16xi32>, vector<16xi32>], vector<16xf32>,
        %mul3A_1206 = arith.mulf %gather3A_1205, %gather3A_1163 : vector<16xf32>
        %add3A_1207 = arith.addf %scan3A_1123, %mul3A_1206 : vector<16xf32>
        %mul3A_1208 = arith.mulf %gather3A_1205, %gather3A_1173 : vector<16xf32>
        %add3A_1209 = arith.addf %scan3A_1124, %mul3A_1208 : vector<16xf32>
        %mul3A_1210 = arith.mulf %gather3A_1205, %gather3A_1183 : vector<16xf32>
        %add3A_1211 = arith.addf %scan3A_1125, %mul3A_1210 : vector<16xf32>
        %gather3A_1212 = tpu.vector_load_idx %arg12[%add3A_112, %add3A_1142] : memref<208x128xf32, #tpu.memory_space<vmem>>[vector<16xi32>, vector<16xi32>], vector<16xf32>,
        %mul3A_1213 = arith.mulf %gather3A_1212, %gather3A_1163 : vector<16xf32>
        %add3A_1214 = arith.addf %scan3A_1126, %mul3A_1213 : vector<16xf32>
        %mul3A_1215 = arith.mulf %gather3A_1212, %gather3A_1173 : vector<16xf32>
        %add3A_1216 = arith.addf %scan3A_1127, %mul3A_1215 : vector<16xf32>
        %mul3A_1217 = arith.mulf %gather3A_1212, %gather3A_1183 : vector<16xf32>
        %add3A_1218 = arith.addf %scan3A_1128, %mul3A_1217 : vector<16xf32>
        %gather3A_1219 = tpu.vector_load_idx %arg12[%add3A_115, %add3A_1142] : memref<208x128xf32, #tpu.memory_space<vmem>>[vector<16xi32>, vector<16xi32>], vector<16xf32>,
        %mul3A_1220 = arith.mulf %gather3A_1219, %gather3A_1163 : vector<16xf32>
        %add3A_1221 = arith.addf %scan3A_1129, %mul3A_1220 : vector<16xf32>
        %mul3A_1222 = arith.mulf %gather3A_1219, %gather3A_1173 : vector<16xf32>
        %add3A_1223 = arith.addf %scan3A_1130, %mul3A_1222 : vector<16xf32>
        %mul3A_1224 = arith.mulf %gather3A_1219, %gather3A_1183 : vector<16xf32>
        %add3A_1225 = arith.addf %scan3A_1131, %mul3A_1224 : vector<16xf32>
        %gather3A_1226 = tpu.vector_load_idx %arg12[%add3A_118, %add3A_1142] : memref<208x128xf32, #tpu.memory_space<vmem>>[vector<16xi32>, vector<16xi32>], vector<16xf32>,
        %mul3A_1227 = arith.mulf %gather3A_1226, %gather3A_1163 : vector<16xf32>
        %add3A_1228 = arith.addf %scan3A_1132, %mul3A_1227 : vector<16xf32>
        %mul3A_1229 = arith.mulf %gather3A_1226, %gather3A_1173 : vector<16xf32>
        %add3A_1230 = arith.addf %scan3A_1133, %mul3A_1229 : vector<16xf32>
        %mul3A_1231 = arith.mulf %gather3A_1226, %gather3A_1183 : vector<16xf32>
        %add3A_1232 = arith.addf %scan3A_1134, %mul3A_1231 : vector<16xf32>
        %scan3A_1233 = arith.constant 1 : i32
        %scan3A_1234 = arith.addi %scan3A_1113, %scan3A_1233 : i32
        %and3A_1235 = arith.constant -16 : i32
        %and3A_1236 = arith.andi %scan3A_1234, %and3A_1235 : i32
        %add3A_1237 = vector.broadcast %scan3A_1234 : i32 to vector<16xi32>
        %add3A_1238 = arith.addi %iota3A, %add3A_1237 : vector<16xi32>
        %and3A_1239 = arith.constant 15 : i32
        %and3A_1240 = vector.broadcast %and3A_1239 : i32 to vector<16xi32>
        %and3A_1241 = arith.andi %add3A_1238, %and3A_1240 : vector<16xi32>
        %add3A_1242 = vector.broadcast %and3A_1236 : i32 to vector<16xi32>
        %add3A_1243 = arith.addi %and3A_1241, %add3A_1242 : vector<16xi32>
        %add3A_1244 = arith.addi %mul3A_97, %and3A_1236 : i32
        %get3A_1245 = arith.index_cast %add3A_1244 : i32 to index
        %get3A_1246 = tpu.vector_load %arg11[%get3A_1245] {strides = array<i32>} : memref<12288xf32, #tpu.memory_space<vmem>>, vector<16xf32>,
        %add3A_1247 = arith.constant 128 : i32
        %add3A_1248 = arith.addi %mul3A_97, %add3A_1247 : i32
        %add3A_1249 = arith.addi %add3A_1248, %and3A_1236 : i32
        %get3A_1250 = arith.index_cast %add3A_1249 : i32 to index
        %get3A_1251 = tpu.vector_load %arg11[%get3A_1250] {strides = array<i32>} : memref<12288xf32, #tpu.memory_space<vmem>>, vector<16xf32>,
        %add3A_1252 = arith.constant 256 : i32
        %add3A_1253 = arith.addi %mul3A_97, %add3A_1252 : i32
        %add3A_1254 = arith.addi %add3A_1253, %and3A_1236 : i32
        %get3A_1255 = arith.index_cast %add3A_1254 : i32 to index
        %get3A_1256 = tpu.vector_load %arg11[%get3A_1255] {strides = array<i32>} : memref<12288xf32, #tpu.memory_space<vmem>>, vector<16xf32>,
        %lt3A_1257 = arith.constant 0 : i32
        %lt3A_1258 = vector.broadcast %lt3A_1257 : i32 to vector<16xi32>
        %lt3A_1259 = arith.cmpi slt, %and3A_1241, %lt3A_1258 : vector<16xi32>
        %add3A_1260 = arith.constant 16 : i32
        %add3A_1261 = vector.broadcast %add3A_1260 : i32 to vector<16xi32>
        %add3A_1262 = arith.addi %and3A_1241, %add3A_1261 : vector<16xi32>
        %select_n3A_1263 = arith.select %lt3A_1259, %add3A_1262, %and3A_1241 : vector<16xi1>, vector<16xi32>
        %broadcast_in_dim3A_1264 = vector.shape_cast %select_n3A_1263 : vector<16xi32> to vector<16x1xi32>
        %gather3A_1265 = vector.shape_cast %broadcast_in_dim3A_1264 : vector<16x1xi32> to vector<16xi32>
        %gather3A_1266 = tpu.dynamic_gather %get3A_1246[%gather3A_1265] in [0] : vector<16xf32>, vector<16xi32> -> vector<16xf32>
        %lt3A_1267 = arith.constant 0 : i32
        %lt3A_1268 = vector.broadcast %lt3A_1267 : i32 to vector<16xi32>
        %lt3A_1269 = arith.cmpi slt, %and3A_1241, %lt3A_1268 : vector<16xi32>
        %add3A_1270 = arith.constant 16 : i32
        %add3A_1271 = vector.broadcast %add3A_1270 : i32 to vector<16xi32>
        %add3A_1272 = arith.addi %and3A_1241, %add3A_1271 : vector<16xi32>
        %select_n3A_1273 = arith.select %lt3A_1269, %add3A_1272, %and3A_1241 : vector<16xi1>, vector<16xi32>
        %broadcast_in_dim3A_1274 = vector.shape_cast %select_n3A_1273 : vector<16xi32> to vector<16x1xi32>
        %gather3A_1275 = vector.shape_cast %broadcast_in_dim3A_1274 : vector<16x1xi32> to vector<16xi32>
        %gather3A_1276 = tpu.dynamic_gather %get3A_1251[%gather3A_1275] in [0] : vector<16xf32>, vector<16xi32> -> vector<16xf32>
        %lt3A_1277 = arith.constant 0 : i32
        %lt3A_1278 = vector.broadcast %lt3A_1277 : i32 to vector<16xi32>
        %lt3A_1279 = arith.cmpi slt, %and3A_1241, %lt3A_1278 : vector<16xi32>
        %add3A_1280 = arith.constant 16 : i32
        %add3A_1281 = vector.broadcast %add3A_1280 : i32 to vector<16xi32>
        %add3A_1282 = arith.addi %and3A_1241, %add3A_1281 : vector<16xi32>
        %select_n3A_1283 = arith.select %lt3A_1279, %add3A_1282, %and3A_1241 : vector<16xi1>, vector<16xi32>
        %broadcast_in_dim3A_1284 = vector.shape_cast %select_n3A_1283 : vector<16xi32> to vector<16x1xi32>
        %gather3A_1285 = vector.shape_cast %broadcast_in_dim3A_1284 : vector<16x1xi32> to vector<16xi32>
        %gather3A_1286 = tpu.dynamic_gather %get3A_1256[%gather3A_1285] in [0] : vector<16xf32>, vector<16xi32> -> vector<16xf32>
        %gather3A_1287 = tpu.vector_load_idx %arg12[%add3A_100, %add3A_1243] : memref<208x128xf32, #tpu.memory_space<vmem>>[vector<16xi32>, vector<16xi32>], vector<16xf32>,
        %mul3A_1288 = arith.mulf %gather3A_1287, %gather3A_1266 : vector<16xf32>
        %add3A_1289 = arith.addf %add3A_1186, %mul3A_1288 : vector<16xf32>
        %mul3A_1290 = arith.mulf %gather3A_1287, %gather3A_1276 : vector<16xf32>
        %add3A_1291 = arith.addf %add3A_1188, %mul3A_1290 : vector<16xf32>
        %mul3A_1292 = arith.mulf %gather3A_1287, %gather3A_1286 : vector<16xf32>
        %add3A_1293 = arith.addf %add3A_1190, %mul3A_1292 : vector<16xf32>
        %gather3A_1294 = tpu.vector_load_idx %arg12[%add3A_103, %add3A_1243] : memref<208x128xf32, #tpu.memory_space<vmem>>[vector<16xi32>, vector<16xi32>], vector<16xf32>,
        %mul3A_1295 = arith.mulf %gather3A_1294, %gather3A_1266 : vector<16xf32>
        %add3A_1296 = arith.addf %add3A_1193, %mul3A_1295 : vector<16xf32>
        %mul3A_1297 = arith.mulf %gather3A_1294, %gather3A_1276 : vector<16xf32>
        %add3A_1298 = arith.addf %add3A_1195, %mul3A_1297 : vector<16xf32>
        %mul3A_1299 = arith.mulf %gather3A_1294, %gather3A_1286 : vector<16xf32>
        %add3A_1300 = arith.addf %add3A_1197, %mul3A_1299 : vector<16xf32>
        %gather3A_1301 = tpu.vector_load_idx %arg12[%add3A_106, %add3A_1243] : memref<208x128xf32, #tpu.memory_space<vmem>>[vector<16xi32>, vector<16xi32>], vector<16xf32>,
        %mul3A_1302 = arith.mulf %gather3A_1301, %gather3A_1266 : vector<16xf32>
        %add3A_1303 = arith.addf %add3A_1200, %mul3A_1302 : vector<16xf32>
        %mul3A_1304 = arith.mulf %gather3A_1301, %gather3A_1276 : vector<16xf32>
        %add3A_1305 = arith.addf %add3A_1202, %mul3A_1304 : vector<16xf32>
        %mul3A_1306 = arith.mulf %gather3A_1301, %gather3A_1286 : vector<16xf32>
        %add3A_1307 = arith.addf %add3A_1204, %mul3A_1306 : vector<16xf32>
        %gather3A_1308 = tpu.vector_load_idx %arg12[%add3A_109, %add3A_1243] : memref<208x128xf32, #tpu.memory_space<vmem>>[vector<16xi32>, vector<16xi32>], vector<16xf32>,
        %mul3A_1309 = arith.mulf %gather3A_1308, %gather3A_1266 : vector<16xf32>
        %add3A_1310 = arith.addf %add3A_1207, %mul3A_1309 : vector<16xf32>
        %mul3A_1311 = arith.mulf %gather3A_1308, %gather3A_1276 : vector<16xf32>
        %add3A_1312 = arith.addf %add3A_1209, %mul3A_1311 : vector<16xf32>
        %mul3A_1313 = arith.mulf %gather3A_1308, %gather3A_1286 : vector<16xf32>
        %add3A_1314 = arith.addf %add3A_1211, %mul3A_1313 : vector<16xf32>
        %gather3A_1315 = tpu.vector_load_idx %arg12[%add3A_112, %add3A_1243] : memref<208x128xf32, #tpu.memory_space<vmem>>[vector<16xi32>, vector<16xi32>], vector<16xf32>,
        %mul3A_1316 = arith.mulf %gather3A_1315, %gather3A_1266 : vector<16xf32>
        %add3A_1317 = arith.addf %add3A_1214, %mul3A_1316 : vector<16xf32>
        %mul3A_1318 = arith.mulf %gather3A_1315, %gather3A_1276 : vector<16xf32>
        %add3A_1319 = arith.addf %add3A_1216, %mul3A_1318 : vector<16xf32>
        %mul3A_1320 = arith.mulf %gather3A_1315, %gather3A_1286 : vector<16xf32>
        %add3A_1321 = arith.addf %add3A_1218, %mul3A_1320 : vector<16xf32>
        %gather3A_1322 = tpu.vector_load_idx %arg12[%add3A_115, %add3A_1243] : memref<208x128xf32, #tpu.memory_space<vmem>>[vector<16xi32>, vector<16xi32>], vector<16xf32>,
        %mul3A_1323 = arith.mulf %gather3A_1322, %gather3A_1266 : vector<16xf32>
        %add3A_1324 = arith.addf %add3A_1221, %mul3A_1323 : vector<16xf32>
        %mul3A_1325 = arith.mulf %gather3A_1322, %gather3A_1276 : vector<16xf32>
        %add3A_1326 = arith.addf %add3A_1223, %mul3A_1325 : vector<16xf32>
        %mul3A_1327 = arith.mulf %gather3A_1322, %gather3A_1286 : vector<16xf32>
        %add3A_1328 = arith.addf %add3A_1225, %mul3A_1327 : vector<16xf32>
        %gather3A_1329 = tpu.vector_load_idx %arg12[%add3A_118, %add3A_1243] : memref<208x128xf32, #tpu.memory_space<vmem>>[vector<16xi32>, vector<16xi32>], vector<16xf32>,
        %mul3A_1330 = arith.mulf %gather3A_1329, %gather3A_1266 : vector<16xf32>
        %add3A_1331 = arith.addf %add3A_1228, %mul3A_1330 : vector<16xf32>
        %mul3A_1332 = arith.mulf %gather3A_1329, %gather3A_1276 : vector<16xf32>
        %add3A_1333 = arith.addf %add3A_1230, %mul3A_1332 : vector<16xf32>
        %mul3A_1334 = arith.mulf %gather3A_1329, %gather3A_1286 : vector<16xf32>
        %add3A_1335 = arith.addf %add3A_1232, %mul3A_1334 : vector<16xf32>
        scf.yield %add3A_1289, %add3A_1291, %add3A_1293, %add3A_1296, %add3A_1298, %add3A_1300, %add3A_1303, %add3A_1305, %add3A_1307, %add3A_1310, %add3A_1312, %add3A_1314, %add3A_1317, %add3A_1319, %add3A_1321, %add3A_1324, %add3A_1326, %add3A_1328, %add3A_1331, %add3A_1333, %add3A_1335 : vector<16xf32>, vector<16xf32>, vector<16xf32>, vector<16xf32>, vector<16xf32>, vector<16xf32>, vector<16xf32>, vector<16xf32>, vector<16xf32>, vector<16xf32>, vector<16xf32>, vector<16xf32>, vector<16xf32>, vector<16xf32>, vector<16xf32>, vector<16xf32>, vector<16xf32>, vector<16xf32>, vector<16xf32>, vector<16xf32>, vector<16xf32>
      }
      %scan3A_166 = arith.constant 128 : i32
      %get3A = arith.constant 0 : index
      %get3A_167 = tpu.vector_load %arg14[%get3A] {strides = array<i32>} : memref<208xf32, #tpu.memory_space<vmem>>, vector<16xf32>,
      %get3A_168 = arith.constant 0 : index
      %get3A_169 = tpu.vector_load %arg16[%get3A_168] {strides = array<i32>} : memref<208xf32, #tpu.memory_space<vmem>>, vector<16xf32>,
      %get3A_170 = arith.constant 0 : index
      %get3A_171 = tpu.vector_load %arg18[%get3A_170] {strides = array<i32>} : memref<208xf32, #tpu.memory_space<vmem>>, vector<16xf32>,
      %max3A = arith.maximumf %get3A_167, %get3A_169 : vector<16xf32>
      %max3A_172 = arith.maximumf %max3A, %get3A_171 : vector<16xf32>
      %sub3A = arith.subf %get3A_167, %max3A_172 : vector<16xf32>
      %exp3A = math.exp %sub3A : vector<16xf32>
      %sub3A_173 = arith.subf %get3A_169, %max3A_172 : vector<16xf32>
      %exp3A_174 = math.exp %sub3A_173 : vector<16xf32>
      %sub3A_175 = arith.subf %get3A_171, %max3A_172 : vector<16xf32>
      %exp3A_176 = math.exp %sub3A_175 : vector<16xf32>
      %add3A_177 = arith.addf %exp3A, %exp3A_174 : vector<16xf32>
      %add3A_178 = arith.addf %add3A_177, %exp3A_176 : vector<16xf32>
      %mul3A_179 = arith.mulf %scan3A_165#0, %exp3A : vector<16xf32>
      %mul3A_180 = arith.mulf %scan3A_165#1, %exp3A_174 : vector<16xf32>
      %add3A_181 = arith.addf %mul3A_179, %mul3A_180 : vector<16xf32>
      %mul3A_182 = arith.mulf %scan3A_165#2, %exp3A_176 : vector<16xf32>
      %add3A_183 = arith.addf %add3A_181, %mul3A_182 : vector<16xf32>
      %div3A = arith.divf %add3A_183, %add3A_178 : vector<16xf32>
      %get3A_184 = arith.constant 0 : index
      %get3A_185 = tpu.vector_load %arg20[%get3A_184] {strides = array<i32>} : memref<208xf32, #tpu.memory_space<vmem>>, vector<16xf32>,
      %add3A_186 = arith.addf %div3A, %get3A_185 : vector<16xf32>
      %swap3A_187 = arith.constant 0 : index
      %swap3A_188 = tpu.vector_load %arg22[%swap3A_187] {strides = array<i32>} : memref<208xf32, #tpu.memory_space<vmem>>, vector<16xf32>,
      tpu.vector_store %arg22[%swap3A_187], %add3A_186 {strides = array<i32>} : memref<208xf32, #tpu.memory_space<vmem>>, vector<16xf32>,
      %get3A_189 = arith.constant 16 : index
      %get3A_190 = tpu.vector_load %arg14[%get3A_189] {strides = array<i32>} : memref<208xf32, #tpu.memory_space<vmem>>, vector<16xf32>,
      %get3A_191 = arith.constant 16 : index
      %get3A_192 = tpu.vector_load %arg16[%get3A_191] {strides = array<i32>} : memref<208xf32, #tpu.memory_space<vmem>>, vector<16xf32>,
      %get3A_193 = arith.constant 16 : index
      %get3A_194 = tpu.vector_load %arg18[%get3A_193] {strides = array<i32>} : memref<208xf32, #tpu.memory_space<vmem>>, vector<16xf32>,
      %max3A_195 = arith.maximumf %get3A_190, %get3A_192 : vector<16xf32>
      %max3A_196 = arith.maximumf %max3A_195, %get3A_194 : vector<16xf32>
      %sub3A_197 = arith.subf %get3A_190, %max3A_196 : vector<16xf32>
      %exp3A_198 = math.exp %sub3A_197 : vector<16xf32>
      %sub3A_199 = arith.subf %get3A_192, %max3A_196 : vector<16xf32>
      %exp3A_200 = math.exp %sub3A_199 : vector<16xf32>
      %sub3A_201 = arith.subf %get3A_194, %max3A_196 : vector<16xf32>
      %exp3A_202 = math.exp %sub3A_201 : vector<16xf32>
      %add3A_203 = arith.addf %exp3A_198, %exp3A_200 : vector<16xf32>
      %add3A_204 = arith.addf %add3A_203, %exp3A_202 : vector<16xf32>
      %mul3A_205 = arith.mulf %scan3A_165#3, %exp3A_198 : vector<16xf32>
      %mul3A_206 = arith.mulf %scan3A_165#4, %exp3A_200 : vector<16xf32>
      %add3A_207 = arith.addf %mul3A_205, %mul3A_206 : vector<16xf32>
      %mul3A_208 = arith.mulf %scan3A_165#5, %exp3A_202 : vector<16xf32>
      %add3A_209 = arith.addf %add3A_207, %mul3A_208 : vector<16xf32>
      %div3A_210 = arith.divf %add3A_209, %add3A_204 : vector<16xf32>
      %get3A_211 = arith.constant 16 : index
      %get3A_212 = tpu.vector_load %arg20[%get3A_211] {strides = array<i32>} : memref<208xf32, #tpu.memory_space<vmem>>, vector<16xf32>,
      %add3A_213 = arith.addf %div3A_210, %get3A_212 : vector<16xf32>
      %swap3A_214 = arith.constant 16 : index
      %swap3A_215 = tpu.vector_load %arg22[%swap3A_214] {strides = array<i32>} : memref<208xf32, #tpu.memory_space<vmem>>, vector<16xf32>,
      tpu.vector_store %arg22[%swap3A_214], %add3A_213 {strides = array<i32>} : memref<208xf32, #tpu.memory_space<vmem>>, vector<16xf32>,
      %get3A_216 = arith.constant 32 : index
      %get3A_217 = tpu.vector_load %arg14[%get3A_216] {strides = array<i32>} : memref<208xf32, #tpu.memory_space<vmem>>, vector<16xf32>,
      %get3A_218 = arith.constant 32 : index
      %get3A_219 = tpu.vector_load %arg16[%get3A_218] {strides = array<i32>} : memref<208xf32, #tpu.memory_space<vmem>>, vector<16xf32>,
      %get3A_220 = arith.constant 32 : index
      %get3A_221 = tpu.vector_load %arg18[%get3A_220] {strides = array<i32>} : memref<208xf32, #tpu.memory_space<vmem>>, vector<16xf32>,
      %max3A_222 = arith.maximumf %get3A_217, %get3A_219 : vector<16xf32>
      %max3A_223 = arith.maximumf %max3A_222, %get3A_221 : vector<16xf32>
      %sub3A_224 = arith.subf %get3A_217, %max3A_223 : vector<16xf32>
      %exp3A_225 = math.exp %sub3A_224 : vector<16xf32>
      %sub3A_226 = arith.subf %get3A_219, %max3A_223 : vector<16xf32>
      %exp3A_227 = math.exp %sub3A_226 : vector<16xf32>
      %sub3A_228 = arith.subf %get3A_221, %max3A_223 : vector<16xf32>
      %exp3A_229 = math.exp %sub3A_228 : vector<16xf32>
      %add3A_230 = arith.addf %exp3A_225, %exp3A_227 : vector<16xf32>
      %add3A_231 = arith.addf %add3A_230, %exp3A_229 : vector<16xf32>
      %mul3A_232 = arith.mulf %scan3A_165#6, %exp3A_225 : vector<16xf32>
      %mul3A_233 = arith.mulf %scan3A_165#7, %exp3A_227 : vector<16xf32>
      %add3A_234 = arith.addf %mul3A_232, %mul3A_233 : vector<16xf32>
      %mul3A_235 = arith.mulf %scan3A_165#8, %exp3A_229 : vector<16xf32>
      %add3A_236 = arith.addf %add3A_234, %mul3A_235 : vector<16xf32>
      %div3A_237 = arith.divf %add3A_236, %add3A_231 : vector<16xf32>
      %get3A_238 = arith.constant 32 : index
      %get3A_239 = tpu.vector_load %arg20[%get3A_238] {strides = array<i32>} : memref<208xf32, #tpu.memory_space<vmem>>, vector<16xf32>,
      %add3A_240 = arith.addf %div3A_237, %get3A_239 : vector<16xf32>
      %swap3A_241 = arith.constant 32 : index
      %swap3A_242 = tpu.vector_load %arg22[%swap3A_241] {strides = array<i32>} : memref<208xf32, #tpu.memory_space<vmem>>, vector<16xf32>,
      tpu.vector_store %arg22[%swap3A_241], %add3A_240 {strides = array<i32>} : memref<208xf32, #tpu.memory_space<vmem>>, vector<16xf32>,
      %get3A_243 = arith.constant 48 : index
      %get3A_244 = tpu.vector_load %arg14[%get3A_243] {strides = array<i32>} : memref<208xf32, #tpu.memory_space<vmem>>, vector<16xf32>,
      %get3A_245 = arith.constant 48 : index
      %get3A_246 = tpu.vector_load %arg16[%get3A_245] {strides = array<i32>} : memref<208xf32, #tpu.memory_space<vmem>>, vector<16xf32>,
      %get3A_247 = arith.constant 48 : index
      %get3A_248 = tpu.vector_load %arg18[%get3A_247] {strides = array<i32>} : memref<208xf32, #tpu.memory_space<vmem>>, vector<16xf32>,
      %max3A_249 = arith.maximumf %get3A_244, %get3A_246 : vector<16xf32>
      %max3A_250 = arith.maximumf %max3A_249, %get3A_248 : vector<16xf32>
      %sub3A_251 = arith.subf %get3A_244, %max3A_250 : vector<16xf32>
      %exp3A_252 = math.exp %sub3A_251 : vector<16xf32>
      %sub3A_253 = arith.subf %get3A_246, %max3A_250 : vector<16xf32>
      %exp3A_254 = math.exp %sub3A_253 : vector<16xf32>
      %sub3A_255 = arith.subf %get3A_248, %max3A_250 : vector<16xf32>
      %exp3A_256 = math.exp %sub3A_255 : vector<16xf32>
      %add3A_257 = arith.addf %exp3A_252, %exp3A_254 : vector<16xf32>
      %add3A_258 = arith.addf %add3A_257, %exp3A_256 : vector<16xf32>
      %mul3A_259 = arith.mulf %scan3A_165#9, %exp3A_252 : vector<16xf32>
      %mul3A_260 = arith.mulf %scan3A_165#10, %exp3A_254 : vector<16xf32>
      %add3A_261 = arith.addf %mul3A_259, %mul3A_260 : vector<16xf32>
      %mul3A_262 = arith.mulf %scan3A_165#11, %exp3A_256 : vector<16xf32>
      %add3A_263 = arith.addf %add3A_261, %mul3A_262 : vector<16xf32>
      %div3A_264 = arith.divf %add3A_263, %add3A_258 : vector<16xf32>
      %get3A_265 = arith.constant 48 : index
      %get3A_266 = tpu.vector_load %arg20[%get3A_265] {strides = array<i32>} : memref<208xf32, #tpu.memory_space<vmem>>, vector<16xf32>,
      %add3A_267 = arith.addf %div3A_264, %get3A_266 : vector<16xf32>
      %swap3A_268 = arith.constant 48 : index
      %swap3A_269 = tpu.vector_load %arg22[%swap3A_268] {strides = array<i32>} : memref<208xf32, #tpu.memory_space<vmem>>, vector<16xf32>,
      tpu.vector_store %arg22[%swap3A_268], %add3A_267 {strides = array<i32>} : memref<208xf32, #tpu.memory_space<vmem>>, vector<16xf32>,
      %get3A_270 = arith.constant 64 : index
      %get3A_271 = tpu.vector_load %arg14[%get3A_270] {strides = array<i32>} : memref<208xf32, #tpu.memory_space<vmem>>, vector<16xf32>,
      %get3A_272 = arith.constant 64 : index
      %get3A_273 = tpu.vector_load %arg16[%get3A_272] {strides = array<i32>} : memref<208xf32, #tpu.memory_space<vmem>>, vector<16xf32>,
      %get3A_274 = arith.constant 64 : index
      %get3A_275 = tpu.vector_load %arg18[%get3A_274] {strides = array<i32>} : memref<208xf32, #tpu.memory_space<vmem>>, vector<16xf32>,
      %max3A_276 = arith.maximumf %get3A_271, %get3A_273 : vector<16xf32>
      %max3A_277 = arith.maximumf %max3A_276, %get3A_275 : vector<16xf32>
      %sub3A_278 = arith.subf %get3A_271, %max3A_277 : vector<16xf32>
      %exp3A_279 = math.exp %sub3A_278 : vector<16xf32>
      %sub3A_280 = arith.subf %get3A_273, %max3A_277 : vector<16xf32>
      %exp3A_281 = math.exp %sub3A_280 : vector<16xf32>
      %sub3A_282 = arith.subf %get3A_275, %max3A_277 : vector<16xf32>
      %exp3A_283 = math.exp %sub3A_282 : vector<16xf32>
      %add3A_284 = arith.addf %exp3A_279, %exp3A_281 : vector<16xf32>
      %add3A_285 = arith.addf %add3A_284, %exp3A_283 : vector<16xf32>
      %mul3A_286 = arith.mulf %scan3A_165#12, %exp3A_279 : vector<16xf32>
      %mul3A_287 = arith.mulf %scan3A_165#13, %exp3A_281 : vector<16xf32>
      %add3A_288 = arith.addf %mul3A_286, %mul3A_287 : vector<16xf32>
      %mul3A_289 = arith.mulf %scan3A_165#14, %exp3A_283 : vector<16xf32>
      %add3A_290 = arith.addf %add3A_288, %mul3A_289 : vector<16xf32>
      %div3A_291 = arith.divf %add3A_290, %add3A_285 : vector<16xf32>
      %get3A_292 = arith.constant 64 : index
      %get3A_293 = tpu.vector_load %arg20[%get3A_292] {strides = array<i32>} : memref<208xf32, #tpu.memory_space<vmem>>, vector<16xf32>,
      %add3A_294 = arith.addf %div3A_291, %get3A_293 : vector<16xf32>
      %swap3A_295 = arith.constant 64 : index
      %swap3A_296 = tpu.vector_load %arg22[%swap3A_295] {strides = array<i32>} : memref<208xf32, #tpu.memory_space<vmem>>, vector<16xf32>,
      tpu.vector_store %arg22[%swap3A_295], %add3A_294 {strides = array<i32>} : memref<208xf32, #tpu.memory_space<vmem>>, vector<16xf32>,
      %get3A_297 = arith.constant 80 : index
      %get3A_298 = tpu.vector_load %arg14[%get3A_297] {strides = array<i32>} : memref<208xf32, #tpu.memory_space<vmem>>, vector<16xf32>,
      %get3A_299 = arith.constant 80 : index
      %get3A_300 = tpu.vector_load %arg16[%get3A_299] {strides = array<i32>} : memref<208xf32, #tpu.memory_space<vmem>>, vector<16xf32>,
      %get3A_301 = arith.constant 80 : index
      %get3A_302 = tpu.vector_load %arg18[%get3A_301] {strides = array<i32>} : memref<208xf32, #tpu.memory_space<vmem>>, vector<16xf32>,
      %max3A_303 = arith.maximumf %get3A_298, %get3A_300 : vector<16xf32>
      %max3A_304 = arith.maximumf %max3A_303, %get3A_302 : vector<16xf32>
      %sub3A_305 = arith.subf %get3A_298, %max3A_304 : vector<16xf32>
      %exp3A_306 = math.exp %sub3A_305 : vector<16xf32>
      %sub3A_307 = arith.subf %get3A_300, %max3A_304 : vector<16xf32>
      %exp3A_308 = math.exp %sub3A_307 : vector<16xf32>
      %sub3A_309 = arith.subf %get3A_302, %max3A_304 : vector<16xf32>
      %exp3A_310 = math.exp %sub3A_309 : vector<16xf32>
      %add3A_311 = arith.addf %exp3A_306, %exp3A_308 : vector<16xf32>
      %add3A_312 = arith.addf %add3A_311, %exp3A_310 : vector<16xf32>
      %mul3A_313 = arith.mulf %scan3A_165#15, %exp3A_306 : vector<16xf32>
      %mul3A_314 = arith.mulf %scan3A_165#16, %exp3A_308 : vector<16xf32>
      %add3A_315 = arith.addf %mul3A_313, %mul3A_314 : vector<16xf32>
      %mul3A_316 = arith.mulf %scan3A_165#17, %exp3A_310 : vector<16xf32>
      %add3A_317 = arith.addf %add3A_315, %mul3A_316 : vector<16xf32>
      %div3A_318 = arith.divf %add3A_317, %add3A_312 : vector<16xf32>
      %get3A_319 = arith.constant 80 : index
      %get3A_320 = tpu.vector_load %arg20[%get3A_319] {strides = array<i32>} : memref<208xf32, #tpu.memory_space<vmem>>, vector<16xf32>,
      %add3A_321 = arith.addf %div3A_318, %get3A_320 : vector<16xf32>
      %swap3A_322 = arith.constant 80 : index
      %swap3A_323 = tpu.vector_load %arg22[%swap3A_322] {strides = array<i32>} : memref<208xf32, #tpu.memory_space<vmem>>, vector<16xf32>,
      tpu.vector_store %arg22[%swap3A_322], %add3A_321 {strides = array<i32>} : memref<208xf32, #tpu.memory_space<vmem>>, vector<16xf32>,
      %get3A_324 = arith.constant 96 : index
      %get3A_325 = tpu.vector_load %arg14[%get3A_324] {strides = array<i32>} : memref<208xf32, #tpu.memory_space<vmem>>, vector<16xf32>,
      %get3A_326 = arith.constant 96 : index
      %get3A_327 = tpu.vector_load %arg16[%get3A_326] {strides = array<i32>} : memref<208xf32, #tpu.memory_space<vmem>>, vector<16xf32>,
      %get3A_328 = arith.constant 96 : index
      %get3A_329 = tpu.vector_load %arg18[%get3A_328] {strides = array<i32>} : memref<208xf32, #tpu.memory_space<vmem>>, vector<16xf32>,
      %max3A_330 = arith.maximumf %get3A_325, %get3A_327 : vector<16xf32>
      %max3A_331 = arith.maximumf %max3A_330, %get3A_329 : vector<16xf32>
      %sub3A_332 = arith.subf %get3A_325, %max3A_331 : vector<16xf32>
      %exp3A_333 = math.exp %sub3A_332 : vector<16xf32>
      %sub3A_334 = arith.subf %get3A_327, %max3A_331 : vector<16xf32>
      %exp3A_335 = math.exp %sub3A_334 : vector<16xf32>
      %sub3A_336 = arith.subf %get3A_329, %max3A_331 : vector<16xf32>
      %exp3A_337 = math.exp %sub3A_336 : vector<16xf32>
      %add3A_338 = arith.addf %exp3A_333, %exp3A_335 : vector<16xf32>
      %add3A_339 = arith.addf %add3A_338, %exp3A_337 : vector<16xf32>
      %mul3A_340 = arith.mulf %scan3A_165#18, %exp3A_333 : vector<16xf32>
      %mul3A_341 = arith.mulf %scan3A_165#19, %exp3A_335 : vector<16xf32>
      %add3A_342 = arith.addf %mul3A_340, %mul3A_341 : vector<16xf32>
      %mul3A_343 = arith.mulf %scan3A_165#20, %exp3A_337 : vector<16xf32>
      %add3A_344 = arith.addf %add3A_342, %mul3A_343 : vector<16xf32>
      %div3A_345 = arith.divf %add3A_344, %add3A_339 : vector<16xf32>
      %get3A_346 = arith.constant 96 : index
      %get3A_347 = tpu.vector_load %arg20[%get3A_346] {strides = array<i32>} : memref<208xf32, #tpu.memory_space<vmem>>, vector<16xf32>,
      %add3A_348 = arith.addf %div3A_345, %get3A_347 : vector<16xf32>
      %swap3A_349 = arith.constant 96 : index
      %swap3A_350 = tpu.vector_load %arg22[%swap3A_349] {strides = array<i32>} : memref<208xf32, #tpu.memory_space<vmem>>, vector<16xf32>,
      tpu.vector_store %arg22[%swap3A_349], %add3A_348 {strides = array<i32>} : memref<208xf32, #tpu.memory_space<vmem>>, vector<16xf32>,
      %add3A_351 = arith.constant 112 : i32
      %add3A_352 = vector.broadcast %add3A_351 : i32 to vector<16xi32>
      %add3A_353 = arith.addi %iota3A, %add3A_352 : vector<16xi32>
      %add3A_354 = arith.constant 128 : i32
      %add3A_355 = vector.broadcast %add3A_354 : i32 to vector<16xi32>
      %add3A_356 = arith.addi %iota3A, %add3A_355 : vector<16xi32>
      %add3A_357 = arith.constant 144 : i32
      %add3A_358 = vector.broadcast %add3A_357 : i32 to vector<16xi32>
      %add3A_359 = arith.addi %iota3A, %add3A_358 : vector<16xi32>
      %add3A_360 = arith.constant 160 : i32
      %add3A_361 = vector.broadcast %add3A_360 : i32 to vector<16xi32>
      %add3A_362 = arith.addi %iota3A, %add3A_361 : vector<16xi32>
      %add3A_363 = arith.constant 176 : i32
      %add3A_364 = vector.broadcast %add3A_363 : i32 to vector<16xi32>
      %add3A_365 = arith.addi %iota3A, %add3A_364 : vector<16xi32>
      %add3A_366 = arith.constant 192 : i32
      %add3A_367 = vector.broadcast %add3A_366 : i32 to vector<16xi32>
      %add3A_368 = arith.addi %iota3A, %add3A_367 : vector<16xi32>
      %broadcast_in_dim3A_369 = arith.constant 0.000000e+00 : f32
      %broadcast_in_dim3A_370 = vector.broadcast %broadcast_in_dim3A_369 : f32 to vector<16xf32>
      %broadcast_in_dim3A_371 = arith.constant 0.000000e+00 : f32
      %broadcast_in_dim3A_372 = vector.broadcast %broadcast_in_dim3A_371 : f32 to vector<16xf32>
      %broadcast_in_dim3A_373 = arith.constant 0.000000e+00 : f32
      %broadcast_in_dim3A_374 = vector.broadcast %broadcast_in_dim3A_373 : f32 to vector<16xf32>
      %broadcast_in_dim3A_375 = arith.constant 0.000000e+00 : f32
      %broadcast_in_dim3A_376 = vector.broadcast %broadcast_in_dim3A_375 : f32 to vector<16xf32>
      %broadcast_in_dim3A_377 = arith.constant 0.000000e+00 : f32
      %broadcast_in_dim3A_378 = vector.broadcast %broadcast_in_dim3A_377 : f32 to vector<16xf32>
      %broadcast_in_dim3A_379 = arith.constant 0.000000e+00 : f32
      %broadcast_in_dim3A_380 = vector.broadcast %broadcast_in_dim3A_379 : f32 to vector<16xf32>
      %broadcast_in_dim3A_381 = arith.constant 0.000000e+00 : f32
      %broadcast_in_dim3A_382 = vector.broadcast %broadcast_in_dim3A_381 : f32 to vector<16xf32>
      %broadcast_in_dim3A_383 = arith.constant 0.000000e+00 : f32
      %broadcast_in_dim3A_384 = vector.broadcast %broadcast_in_dim3A_383 : f32 to vector<16xf32>
      %broadcast_in_dim3A_385 = arith.constant 0.000000e+00 : f32
      %broadcast_in_dim3A_386 = vector.broadcast %broadcast_in_dim3A_385 : f32 to vector<16xf32>
      %broadcast_in_dim3A_387 = arith.constant 0.000000e+00 : f32
      %broadcast_in_dim3A_388 = vector.broadcast %broadcast_in_dim3A_387 : f32 to vector<16xf32>
      %broadcast_in_dim3A_389 = arith.constant 0.000000e+00 : f32
      %broadcast_in_dim3A_390 = vector.broadcast %broadcast_in_dim3A_389 : f32 to vector<16xf32>
      %broadcast_in_dim3A_391 = arith.constant 0.000000e+00 : f32
      %broadcast_in_dim3A_392 = vector.broadcast %broadcast_in_dim3A_391 : f32 to vector<16xf32>
      %broadcast_in_dim3A_393 = arith.constant 0.000000e+00 : f32
      %broadcast_in_dim3A_394 = vector.broadcast %broadcast_in_dim3A_393 : f32 to vector<16xf32>
      %broadcast_in_dim3A_395 = arith.constant 0.000000e+00 : f32
      %broadcast_in_dim3A_396 = vector.broadcast %broadcast_in_dim3A_395 : f32 to vector<16xf32>
      %broadcast_in_dim3A_397 = arith.constant 0.000000e+00 : f32
      %broadcast_in_dim3A_398 = vector.broadcast %broadcast_in_dim3A_397 : f32 to vector<16xf32>
      %broadcast_in_dim3A_399 = arith.constant 0.000000e+00 : f32
      %broadcast_in_dim3A_400 = vector.broadcast %broadcast_in_dim3A_399 : f32 to vector<16xf32>
      %broadcast_in_dim3A_401 = arith.constant 0.000000e+00 : f32
      %broadcast_in_dim3A_402 = vector.broadcast %broadcast_in_dim3A_401 : f32 to vector<16xf32>
      %broadcast_in_dim3A_403 = arith.constant 0.000000e+00 : f32
      %broadcast_in_dim3A_404 = vector.broadcast %broadcast_in_dim3A_403 : f32 to vector<16xf32>
      %scan3A_405 = arith.constant 0 : i32
      %scan3A_406 = arith.constant 128 : i32
      %scan3A_407 = arith.addi %scan3A_405, %scan3A_406 : i32
      %scan3A_408 = arith.constant 2 : i32
      %scan3A_409:18 = scf.for %scan3A_1113 = %scan3A_405 to %scan3A_407 step %scan3A_408 iter_args(%scan3A_1114 = %broadcast_in_dim3A_370, %scan3A_1115 = %broadcast_in_dim3A_372, %scan3A_1116 = %broadcast_in_dim3A_374, %scan3A_1117 = %broadcast_in_dim3A_376, %scan3A_1118 = %broadcast_in_dim3A_378, %scan3A_1119 = %broadcast_in_dim3A_380, %scan3A_1120 = %broadcast_in_dim3A_382, %scan3A_1121 = %broadcast_in_dim3A_384, %scan3A_1122 = %broadcast_in_dim3A_386, %scan3A_1123 = %broadcast_in_dim3A_388, %scan3A_1124 = %broadcast_in_dim3A_390, %scan3A_1125 = %broadcast_in_dim3A_392, %scan3A_1126 = %broadcast_in_dim3A_394, %scan3A_1127 = %broadcast_in_dim3A_396, %scan3A_1128 = %broadcast_in_dim3A_398, %scan3A_1129 = %broadcast_in_dim3A_400, %scan3A_1130 = %broadcast_in_dim3A_402, %scan3A_1131 = %broadcast_in_dim3A_404) -> (vector<16xf32>, vector<16xf32>, vector<16xf32>, vector<16xf32>, vector<16xf32>, vector<16xf32>, vector<16xf32>, vector<16xf32>, vector<16xf32>, vector<16xf32>, vector<16xf32>, vector<16xf32>, vector<16xf32>, vector<16xf32>, vector<16xf32>, vector<16xf32>, vector<16xf32>, vector<16xf32>)  : i32 {
        %and3A = arith.constant -16 : i32
        %and3A_1132 = arith.andi %scan3A_1113, %and3A : i32
        %add3A_1133 = vector.broadcast %scan3A_1113 : i32 to vector<16xi32>
        %add3A_1134 = arith.addi %iota3A, %add3A_1133 : vector<16xi32>
        %and3A_1135 = arith.constant 15 : i32
        %and3A_1136 = vector.broadcast %and3A_1135 : i32 to vector<16xi32>
        %and3A_1137 = arith.andi %add3A_1134, %and3A_1136 : vector<16xi32>
        %add3A_1138 = vector.broadcast %and3A_1132 : i32 to vector<16xi32>
        %add3A_1139 = arith.addi %and3A_1137, %add3A_1138 : vector<16xi32>
        %add3A_1140 = arith.addi %mul3A_97, %and3A_1132 : i32
        %get3A_1141 = arith.index_cast %add3A_1140 : i32 to index
        %get3A_1142 = tpu.vector_load %arg11[%get3A_1141] {strides = array<i32>} : memref<12288xf32, #tpu.memory_space<vmem>>, vector<16xf32>,
        %add3A_1143 = arith.constant 128 : i32
        %add3A_1144 = arith.addi %mul3A_97, %add3A_1143 : i32
        %add3A_1145 = arith.addi %add3A_1144, %and3A_1132 : i32
        %get3A_1146 = arith.index_cast %add3A_1145 : i32 to index
        %get3A_1147 = tpu.vector_load %arg11[%get3A_1146] {strides = array<i32>} : memref<12288xf32, #tpu.memory_space<vmem>>, vector<16xf32>,
        %add3A_1148 = arith.constant 256 : i32
        %add3A_1149 = arith.addi %mul3A_97, %add3A_1148 : i32
        %add3A_1150 = arith.addi %add3A_1149, %and3A_1132 : i32
        %get3A_1151 = arith.index_cast %add3A_1150 : i32 to index
        %get3A_1152 = tpu.vector_load %arg11[%get3A_1151] {strides = array<i32>} : memref<12288xf32, #tpu.memory_space<vmem>>, vector<16xf32>,
        %lt3A_1153 = arith.constant 0 : i32
        %lt3A_1154 = vector.broadcast %lt3A_1153 : i32 to vector<16xi32>
        %lt3A_1155 = arith.cmpi slt, %and3A_1137, %lt3A_1154 : vector<16xi32>
        %add3A_1156 = arith.constant 16 : i32
        %add3A_1157 = vector.broadcast %add3A_1156 : i32 to vector<16xi32>
        %add3A_1158 = arith.addi %and3A_1137, %add3A_1157 : vector<16xi32>
        %select_n3A = arith.select %lt3A_1155, %add3A_1158, %and3A_1137 : vector<16xi1>, vector<16xi32>
        %broadcast_in_dim3A_1159 = vector.shape_cast %select_n3A : vector<16xi32> to vector<16x1xi32>
        %gather3A = vector.shape_cast %broadcast_in_dim3A_1159 : vector<16x1xi32> to vector<16xi32>
        %gather3A_1160 = tpu.dynamic_gather %get3A_1142[%gather3A] in [0] : vector<16xf32>, vector<16xi32> -> vector<16xf32>
        %lt3A_1161 = arith.constant 0 : i32
        %lt3A_1162 = vector.broadcast %lt3A_1161 : i32 to vector<16xi32>
        %lt3A_1163 = arith.cmpi slt, %and3A_1137, %lt3A_1162 : vector<16xi32>
        %add3A_1164 = arith.constant 16 : i32
        %add3A_1165 = vector.broadcast %add3A_1164 : i32 to vector<16xi32>
        %add3A_1166 = arith.addi %and3A_1137, %add3A_1165 : vector<16xi32>
        %select_n3A_1167 = arith.select %lt3A_1163, %add3A_1166, %and3A_1137 : vector<16xi1>, vector<16xi32>
        %broadcast_in_dim3A_1168 = vector.shape_cast %select_n3A_1167 : vector<16xi32> to vector<16x1xi32>
        %gather3A_1169 = vector.shape_cast %broadcast_in_dim3A_1168 : vector<16x1xi32> to vector<16xi32>
        %gather3A_1170 = tpu.dynamic_gather %get3A_1147[%gather3A_1169] in [0] : vector<16xf32>, vector<16xi32> -> vector<16xf32>
        %lt3A_1171 = arith.constant 0 : i32
        %lt3A_1172 = vector.broadcast %lt3A_1171 : i32 to vector<16xi32>
        %lt3A_1173 = arith.cmpi slt, %and3A_1137, %lt3A_1172 : vector<16xi32>
        %add3A_1174 = arith.constant 16 : i32
        %add3A_1175 = vector.broadcast %add3A_1174 : i32 to vector<16xi32>
        %add3A_1176 = arith.addi %and3A_1137, %add3A_1175 : vector<16xi32>
        %select_n3A_1177 = arith.select %lt3A_1173, %add3A_1176, %and3A_1137 : vector<16xi1>, vector<16xi32>
        %broadcast_in_dim3A_1178 = vector.shape_cast %select_n3A_1177 : vector<16xi32> to vector<16x1xi32>
        %gather3A_1179 = vector.shape_cast %broadcast_in_dim3A_1178 : vector<16x1xi32> to vector<16xi32>
        %gather3A_1180 = tpu.dynamic_gather %get3A_1152[%gather3A_1179] in [0] : vector<16xf32>, vector<16xi32> -> vector<16xf32>
        %gather3A_1181 = tpu.vector_load_idx %arg12[%add3A_353, %add3A_1139] : memref<208x128xf32, #tpu.memory_space<vmem>>[vector<16xi32>, vector<16xi32>], vector<16xf32>,
        %mul3A_1182 = arith.mulf %gather3A_1181, %gather3A_1160 : vector<16xf32>
        %add3A_1183 = arith.addf %scan3A_1114, %mul3A_1182 : vector<16xf32>
        %mul3A_1184 = arith.mulf %gather3A_1181, %gather3A_1170 : vector<16xf32>
        %add3A_1185 = arith.addf %scan3A_1115, %mul3A_1184 : vector<16xf32>
        %mul3A_1186 = arith.mulf %gather3A_1181, %gather3A_1180 : vector<16xf32>
        %add3A_1187 = arith.addf %scan3A_1116, %mul3A_1186 : vector<16xf32>
        %gather3A_1188 = tpu.vector_load_idx %arg12[%add3A_356, %add3A_1139] : memref<208x128xf32, #tpu.memory_space<vmem>>[vector<16xi32>, vector<16xi32>], vector<16xf32>,
        %mul3A_1189 = arith.mulf %gather3A_1188, %gather3A_1160 : vector<16xf32>
        %add3A_1190 = arith.addf %scan3A_1117, %mul3A_1189 : vector<16xf32>
        %mul3A_1191 = arith.mulf %gather3A_1188, %gather3A_1170 : vector<16xf32>
        %add3A_1192 = arith.addf %scan3A_1118, %mul3A_1191 : vector<16xf32>
        %mul3A_1193 = arith.mulf %gather3A_1188, %gather3A_1180 : vector<16xf32>
        %add3A_1194 = arith.addf %scan3A_1119, %mul3A_1193 : vector<16xf32>
        %gather3A_1195 = tpu.vector_load_idx %arg12[%add3A_359, %add3A_1139] : memref<208x128xf32, #tpu.memory_space<vmem>>[vector<16xi32>, vector<16xi32>], vector<16xf32>,
        %mul3A_1196 = arith.mulf %gather3A_1195, %gather3A_1160 : vector<16xf32>
        %add3A_1197 = arith.addf %scan3A_1120, %mul3A_1196 : vector<16xf32>
        %mul3A_1198 = arith.mulf %gather3A_1195, %gather3A_1170 : vector<16xf32>
        %add3A_1199 = arith.addf %scan3A_1121, %mul3A_1198 : vector<16xf32>
        %mul3A_1200 = arith.mulf %gather3A_1195, %gather3A_1180 : vector<16xf32>
        %add3A_1201 = arith.addf %scan3A_1122, %mul3A_1200 : vector<16xf32>
        %gather3A_1202 = tpu.vector_load_idx %arg12[%add3A_362, %add3A_1139] : memref<208x128xf32, #tpu.memory_space<vmem>>[vector<16xi32>, vector<16xi32>], vector<16xf32>,
        %mul3A_1203 = arith.mulf %gather3A_1202, %gather3A_1160 : vector<16xf32>
        %add3A_1204 = arith.addf %scan3A_1123, %mul3A_1203 : vector<16xf32>
        %mul3A_1205 = arith.mulf %gather3A_1202, %gather3A_1170 : vector<16xf32>
        %add3A_1206 = arith.addf %scan3A_1124, %mul3A_1205 : vector<16xf32>
        %mul3A_1207 = arith.mulf %gather3A_1202, %gather3A_1180 : vector<16xf32>
        %add3A_1208 = arith.addf %scan3A_1125, %mul3A_1207 : vector<16xf32>
        %gather3A_1209 = tpu.vector_load_idx %arg12[%add3A_365, %add3A_1139] : memref<208x128xf32, #tpu.memory_space<vmem>>[vector<16xi32>, vector<16xi32>], vector<16xf32>,
        %mul3A_1210 = arith.mulf %gather3A_1209, %gather3A_1160 : vector<16xf32>
        %add3A_1211 = arith.addf %scan3A_1126, %mul3A_1210 : vector<16xf32>
        %mul3A_1212 = arith.mulf %gather3A_1209, %gather3A_1170 : vector<16xf32>
        %add3A_1213 = arith.addf %scan3A_1127, %mul3A_1212 : vector<16xf32>
        %mul3A_1214 = arith.mulf %gather3A_1209, %gather3A_1180 : vector<16xf32>
        %add3A_1215 = arith.addf %scan3A_1128, %mul3A_1214 : vector<16xf32>
        %gather3A_1216 = tpu.vector_load_idx %arg12[%add3A_368, %add3A_1139] : memref<208x128xf32, #tpu.memory_space<vmem>>[vector<16xi32>, vector<16xi32>], vector<16xf32>,
        %mul3A_1217 = arith.mulf %gather3A_1216, %gather3A_1160 : vector<16xf32>
        %add3A_1218 = arith.addf %scan3A_1129, %mul3A_1217 : vector<16xf32>
        %mul3A_1219 = arith.mulf %gather3A_1216, %gather3A_1170 : vector<16xf32>
        %add3A_1220 = arith.addf %scan3A_1130, %mul3A_1219 : vector<16xf32>
        %mul3A_1221 = arith.mulf %gather3A_1216, %gather3A_1180 : vector<16xf32>
        %add3A_1222 = arith.addf %scan3A_1131, %mul3A_1221 : vector<16xf32>
        %scan3A_1223 = arith.constant 1 : i32
        %scan3A_1224 = arith.addi %scan3A_1113, %scan3A_1223 : i32
        %and3A_1225 = arith.constant -16 : i32
        %and3A_1226 = arith.andi %scan3A_1224, %and3A_1225 : i32
        %add3A_1227 = vector.broadcast %scan3A_1224 : i32 to vector<16xi32>
        %add3A_1228 = arith.addi %iota3A, %add3A_1227 : vector<16xi32>
        %and3A_1229 = arith.constant 15 : i32
        %and3A_1230 = vector.broadcast %and3A_1229 : i32 to vector<16xi32>
        %and3A_1231 = arith.andi %add3A_1228, %and3A_1230 : vector<16xi32>
        %add3A_1232 = vector.broadcast %and3A_1226 : i32 to vector<16xi32>
        %add3A_1233 = arith.addi %and3A_1231, %add3A_1232 : vector<16xi32>
        %add3A_1234 = arith.addi %mul3A_97, %and3A_1226 : i32
        %get3A_1235 = arith.index_cast %add3A_1234 : i32 to index
        %get3A_1236 = tpu.vector_load %arg11[%get3A_1235] {strides = array<i32>} : memref<12288xf32, #tpu.memory_space<vmem>>, vector<16xf32>,
        %add3A_1237 = arith.constant 128 : i32
        %add3A_1238 = arith.addi %mul3A_97, %add3A_1237 : i32
        %add3A_1239 = arith.addi %add3A_1238, %and3A_1226 : i32
        %get3A_1240 = arith.index_cast %add3A_1239 : i32 to index
        %get3A_1241 = tpu.vector_load %arg11[%get3A_1240] {strides = array<i32>} : memref<12288xf32, #tpu.memory_space<vmem>>, vector<16xf32>,
        %add3A_1242 = arith.constant 256 : i32
        %add3A_1243 = arith.addi %mul3A_97, %add3A_1242 : i32
        %add3A_1244 = arith.addi %add3A_1243, %and3A_1226 : i32
        %get3A_1245 = arith.index_cast %add3A_1244 : i32 to index
        %get3A_1246 = tpu.vector_load %arg11[%get3A_1245] {strides = array<i32>} : memref<12288xf32, #tpu.memory_space<vmem>>, vector<16xf32>,
        %lt3A_1247 = arith.constant 0 : i32
        %lt3A_1248 = vector.broadcast %lt3A_1247 : i32 to vector<16xi32>
        %lt3A_1249 = arith.cmpi slt, %and3A_1231, %lt3A_1248 : vector<16xi32>
        %add3A_1250 = arith.constant 16 : i32
        %add3A_1251 = vector.broadcast %add3A_1250 : i32 to vector<16xi32>
        %add3A_1252 = arith.addi %and3A_1231, %add3A_1251 : vector<16xi32>
        %select_n3A_1253 = arith.select %lt3A_1249, %add3A_1252, %and3A_1231 : vector<16xi1>, vector<16xi32>
        %broadcast_in_dim3A_1254 = vector.shape_cast %select_n3A_1253 : vector<16xi32> to vector<16x1xi32>
        %gather3A_1255 = vector.shape_cast %broadcast_in_dim3A_1254 : vector<16x1xi32> to vector<16xi32>
        %gather3A_1256 = tpu.dynamic_gather %get3A_1236[%gather3A_1255] in [0] : vector<16xf32>, vector<16xi32> -> vector<16xf32>
        %lt3A_1257 = arith.constant 0 : i32
        %lt3A_1258 = vector.broadcast %lt3A_1257 : i32 to vector<16xi32>
        %lt3A_1259 = arith.cmpi slt, %and3A_1231, %lt3A_1258 : vector<16xi32>
        %add3A_1260 = arith.constant 16 : i32
        %add3A_1261 = vector.broadcast %add3A_1260 : i32 to vector<16xi32>
        %add3A_1262 = arith.addi %and3A_1231, %add3A_1261 : vector<16xi32>
        %select_n3A_1263 = arith.select %lt3A_1259, %add3A_1262, %and3A_1231 : vector<16xi1>, vector<16xi32>
        %broadcast_in_dim3A_1264 = vector.shape_cast %select_n3A_1263 : vector<16xi32> to vector<16x1xi32>
        %gather3A_1265 = vector.shape_cast %broadcast_in_dim3A_1264 : vector<16x1xi32> to vector<16xi32>
        %gather3A_1266 = tpu.dynamic_gather %get3A_1241[%gather3A_1265] in [0] : vector<16xf32>, vector<16xi32> -> vector<16xf32>
        %lt3A_1267 = arith.constant 0 : i32
        %lt3A_1268 = vector.broadcast %lt3A_1267 : i32 to vector<16xi32>
        %lt3A_1269 = arith.cmpi slt, %and3A_1231, %lt3A_1268 : vector<16xi32>
        %add3A_1270 = arith.constant 16 : i32
        %add3A_1271 = vector.broadcast %add3A_1270 : i32 to vector<16xi32>
        %add3A_1272 = arith.addi %and3A_1231, %add3A_1271 : vector<16xi32>
        %select_n3A_1273 = arith.select %lt3A_1269, %add3A_1272, %and3A_1231 : vector<16xi1>, vector<16xi32>
        %broadcast_in_dim3A_1274 = vector.shape_cast %select_n3A_1273 : vector<16xi32> to vector<16x1xi32>
        %gather3A_1275 = vector.shape_cast %broadcast_in_dim3A_1274 : vector<16x1xi32> to vector<16xi32>
        %gather3A_1276 = tpu.dynamic_gather %get3A_1246[%gather3A_1275] in [0] : vector<16xf32>, vector<16xi32> -> vector<16xf32>
        %gather3A_1277 = tpu.vector_load_idx %arg12[%add3A_353, %add3A_1233] : memref<208x128xf32, #tpu.memory_space<vmem>>[vector<16xi32>, vector<16xi32>], vector<16xf32>,
        %mul3A_1278 = arith.mulf %gather3A_1277, %gather3A_1256 : vector<16xf32>
        %add3A_1279 = arith.addf %add3A_1183, %mul3A_1278 : vector<16xf32>
        %mul3A_1280 = arith.mulf %gather3A_1277, %gather3A_1266 : vector<16xf32>
        %add3A_1281 = arith.addf %add3A_1185, %mul3A_1280 : vector<16xf32>
        %mul3A_1282 = arith.mulf %gather3A_1277, %gather3A_1276 : vector<16xf32>
        %add3A_1283 = arith.addf %add3A_1187, %mul3A_1282 : vector<16xf32>
        %gather3A_1284 = tpu.vector_load_idx %arg12[%add3A_356, %add3A_1233] : memref<208x128xf32, #tpu.memory_space<vmem>>[vector<16xi32>, vector<16xi32>], vector<16xf32>,
        %mul3A_1285 = arith.mulf %gather3A_1284, %gather3A_1256 : vector<16xf32>
        %add3A_1286 = arith.addf %add3A_1190, %mul3A_1285 : vector<16xf32>
        %mul3A_1287 = arith.mulf %gather3A_1284, %gather3A_1266 : vector<16xf32>
        %add3A_1288 = arith.addf %add3A_1192, %mul3A_1287 : vector<16xf32>
        %mul3A_1289 = arith.mulf %gather3A_1284, %gather3A_1276 : vector<16xf32>
        %add3A_1290 = arith.addf %add3A_1194, %mul3A_1289 : vector<16xf32>
        %gather3A_1291 = tpu.vector_load_idx %arg12[%add3A_359, %add3A_1233] : memref<208x128xf32, #tpu.memory_space<vmem>>[vector<16xi32>, vector<16xi32>], vector<16xf32>,
        %mul3A_1292 = arith.mulf %gather3A_1291, %gather3A_1256 : vector<16xf32>
        %add3A_1293 = arith.addf %add3A_1197, %mul3A_1292 : vector<16xf32>
        %mul3A_1294 = arith.mulf %gather3A_1291, %gather3A_1266 : vector<16xf32>
        %add3A_1295 = arith.addf %add3A_1199, %mul3A_1294 : vector<16xf32>
        %mul3A_1296 = arith.mulf %gather3A_1291, %gather3A_1276 : vector<16xf32>
        %add3A_1297 = arith.addf %add3A_1201, %mul3A_1296 : vector<16xf32>
        %gather3A_1298 = tpu.vector_load_idx %arg12[%add3A_362, %add3A_1233] : memref<208x128xf32, #tpu.memory_space<vmem>>[vector<16xi32>, vector<16xi32>], vector<16xf32>,
        %mul3A_1299 = arith.mulf %gather3A_1298, %gather3A_1256 : vector<16xf32>
        %add3A_1300 = arith.addf %add3A_1204, %mul3A_1299 : vector<16xf32>
        %mul3A_1301 = arith.mulf %gather3A_1298, %gather3A_1266 : vector<16xf32>
        %add3A_1302 = arith.addf %add3A_1206, %mul3A_1301 : vector<16xf32>
        %mul3A_1303 = arith.mulf %gather3A_1298, %gather3A_1276 : vector<16xf32>
        %add3A_1304 = arith.addf %add3A_1208, %mul3A_1303 : vector<16xf32>
        %gather3A_1305 = tpu.vector_load_idx %arg12[%add3A_365, %add3A_1233] : memref<208x128xf32, #tpu.memory_space<vmem>>[vector<16xi32>, vector<16xi32>], vector<16xf32>,
        %mul3A_1306 = arith.mulf %gather3A_1305, %gather3A_1256 : vector<16xf32>
        %add3A_1307 = arith.addf %add3A_1211, %mul3A_1306 : vector<16xf32>
        %mul3A_1308 = arith.mulf %gather3A_1305, %gather3A_1266 : vector<16xf32>
        %add3A_1309 = arith.addf %add3A_1213, %mul3A_1308 : vector<16xf32>
        %mul3A_1310 = arith.mulf %gather3A_1305, %gather3A_1276 : vector<16xf32>
        %add3A_1311 = arith.addf %add3A_1215, %mul3A_1310 : vector<16xf32>
        %gather3A_1312 = tpu.vector_load_idx %arg12[%add3A_368, %add3A_1233] : memref<208x128xf32, #tpu.memory_space<vmem>>[vector<16xi32>, vector<16xi32>], vector<16xf32>,
        %mul3A_1313 = arith.mulf %gather3A_1312, %gather3A_1256 : vector<16xf32>
        %add3A_1314 = arith.addf %add3A_1218, %mul3A_1313 : vector<16xf32>
        %mul3A_1315 = arith.mulf %gather3A_1312, %gather3A_1266 : vector<16xf32>
        %add3A_1316 = arith.addf %add3A_1220, %mul3A_1315 : vector<16xf32>
        %mul3A_1317 = arith.mulf %gather3A_1312, %gather3A_1276 : vector<16xf32>
        %add3A_1318 = arith.addf %add3A_1222, %mul3A_1317 : vector<16xf32>
        scf.yield %add3A_1279, %add3A_1281, %add3A_1283, %add3A_1286, %add3A_1288, %add3A_1290, %add3A_1293, %add3A_1295, %add3A_1297, %add3A_1300, %add3A_1302, %add3A_1304, %add3A_1307, %add3A_1309, %add3A_1311, %add3A_1314, %add3A_1316, %add3A_1318 : vector<16xf32>, vector<16xf32>, vector<16xf32>, vector<16xf32>, vector<16xf32>, vector<16xf32>, vector<16xf32>, vector<16xf32>, vector<16xf32>, vector<16xf32>, vector<16xf32>, vector<16xf32>, vector<16xf32>, vector<16xf32>, vector<16xf32>, vector<16xf32>, vector<16xf32>, vector<16xf32>
      }
      %scan3A_410 = arith.constant 128 : i32
      %get3A_411 = arith.constant 112 : index
      %get3A_412 = tpu.vector_load %arg14[%get3A_411] {strides = array<i32>} : memref<208xf32, #tpu.memory_space<vmem>>, vector<16xf32>,
      %get3A_413 = arith.constant 112 : index
      %get3A_414 = tpu.vector_load %arg16[%get3A_413] {strides = array<i32>} : memref<208xf32, #tpu.memory_space<vmem>>, vector<16xf32>,
      %get3A_415 = arith.constant 112 : index
      %get3A_416 = tpu.vector_load %arg18[%get3A_415] {strides = array<i32>} : memref<208xf32, #tpu.memory_space<vmem>>, vector<16xf32>,
      %max3A_417 = arith.maximumf %get3A_412, %get3A_414 : vector<16xf32>
      %max3A_418 = arith.maximumf %max3A_417, %get3A_416 : vector<16xf32>
      %sub3A_419 = arith.subf %get3A_412, %max3A_418 : vector<16xf32>
      %exp3A_420 = math.exp %sub3A_419 : vector<16xf32>
      %sub3A_421 = arith.subf %get3A_414, %max3A_418 : vector<16xf32>
      %exp3A_422 = math.exp %sub3A_421 : vector<16xf32>
      %sub3A_423 = arith.subf %get3A_416, %max3A_418 : vector<16xf32>
      %exp3A_424 = math.exp %sub3A_423 : vector<16xf32>
      %add3A_425 = arith.addf %exp3A_420, %exp3A_422 : vector<16xf32>
      %add3A_426 = arith.addf %add3A_425, %exp3A_424 : vector<16xf32>
      %mul3A_427 = arith.mulf %scan3A_409#0, %exp3A_420 : vector<16xf32>
      %mul3A_428 = arith.mulf %scan3A_409#1, %exp3A_422 : vector<16xf32>
      %add3A_429 = arith.addf %mul3A_427, %mul3A_428 : vector<16xf32>
      %mul3A_430 = arith.mulf %scan3A_409#2, %exp3A_424 : vector<16xf32>
      %add3A_431 = arith.addf %add3A_429, %mul3A_430 : vector<16xf32>
      %div3A_432 = arith.divf %add3A_431, %add3A_426 : vector<16xf32>
      %get3A_433 = arith.constant 112 : index
      %get3A_434 = tpu.vector_load %arg20[%get3A_433] {strides = array<i32>} : memref<208xf32, #tpu.memory_space<vmem>>, vector<16xf32>,
      %add3A_435 = arith.addf %div3A_432, %get3A_434 : vector<16xf32>
      %swap3A_436 = arith.constant 112 : index
      %swap3A_437 = tpu.vector_load %arg22[%swap3A_436] {strides = array<i32>} : memref<208xf32, #tpu.memory_space<vmem>>, vector<16xf32>,
      tpu.vector_store %arg22[%swap3A_436], %add3A_435 {strides = array<i32>} : memref<208xf32, #tpu.memory_space<vmem>>, vector<16xf32>,
      %get3A_438 = arith.constant 128 : index
      %get3A_439 = tpu.vector_load %arg14[%get3A_438] {strides = array<i32>} : memref<208xf32, #tpu.memory_space<vmem>>, vector<16xf32>,
      %get3A_440 = arith.constant 128 : index
      %get3A_441 = tpu.vector_load %arg16[%get3A_440] {strides = array<i32>} : memref<208xf32, #tpu.memory_space<vmem>>, vector<16xf32>,
      %get3A_442 = arith.constant 128 : index
      %get3A_443 = tpu.vector_load %arg18[%get3A_442] {strides = array<i32>} : memref<208xf32, #tpu.memory_space<vmem>>, vector<16xf32>,
      %max3A_444 = arith.maximumf %get3A_439, %get3A_441 : vector<16xf32>
      %max3A_445 = arith.maximumf %max3A_444, %get3A_443 : vector<16xf32>
      %sub3A_446 = arith.subf %get3A_439, %max3A_445 : vector<16xf32>
      %exp3A_447 = math.exp %sub3A_446 : vector<16xf32>
      %sub3A_448 = arith.subf %get3A_441, %max3A_445 : vector<16xf32>
      %exp3A_449 = math.exp %sub3A_448 : vector<16xf32>
      %sub3A_450 = arith.subf %get3A_443, %max3A_445 : vector<16xf32>
      %exp3A_451 = math.exp %sub3A_450 : vector<16xf32>
      %add3A_452 = arith.addf %exp3A_447, %exp3A_449 : vector<16xf32>
      %add3A_453 = arith.addf %add3A_452, %exp3A_451 : vector<16xf32>
      %mul3A_454 = arith.mulf %scan3A_409#3, %exp3A_447 : vector<16xf32>
      %mul3A_455 = arith.mulf %scan3A_409#4, %exp3A_449 : vector<16xf32>
      %add3A_456 = arith.addf %mul3A_454, %mul3A_455 : vector<16xf32>
      %mul3A_457 = arith.mulf %scan3A_409#5, %exp3A_451 : vector<16xf32>
      %add3A_458 = arith.addf %add3A_456, %mul3A_457 : vector<16xf32>
      %div3A_459 = arith.divf %add3A_458, %add3A_453 : vector<16xf32>
      %get3A_460 = arith.constant 128 : index
      %get3A_461 = tpu.vector_load %arg20[%get3A_460] {strides = array<i32>} : memref<208xf32, #tpu.memory_space<vmem>>, vector<16xf32>,
      %add3A_462 = arith.addf %div3A_459, %get3A_461 : vector<16xf32>
      %swap3A_463 = arith.constant 128 : index
      %swap3A_464 = tpu.vector_load %arg22[%swap3A_463] {strides = array<i32>} : memref<208xf32, #tpu.memory_space<vmem>>, vector<16xf32>,
      tpu.vector_store %arg22[%swap3A_463], %add3A_462 {strides = array<i32>} : memref<208xf32, #tpu.memory_space<vmem>>, vector<16xf32>,
      %get3A_465 = arith.constant 144 : index
      %get3A_466 = tpu.vector_load %arg14[%get3A_465] {strides = array<i32>} : memref<208xf32, #tpu.memory_space<vmem>>, vector<16xf32>,
      %get3A_467 = arith.constant 144 : index
      %get3A_468 = tpu.vector_load %arg16[%get3A_467] {strides = array<i32>} : memref<208xf32, #tpu.memory_space<vmem>>, vector<16xf32>,
      %get3A_469 = arith.constant 144 : index
      %get3A_470 = tpu.vector_load %arg18[%get3A_469] {strides = array<i32>} : memref<208xf32, #tpu.memory_space<vmem>>, vector<16xf32>,
      %max3A_471 = arith.maximumf %get3A_466, %get3A_468 : vector<16xf32>
      %max3A_472 = arith.maximumf %max3A_471, %get3A_470 : vector<16xf32>
      %sub3A_473 = arith.subf %get3A_466, %max3A_472 : vector<16xf32>
      %exp3A_474 = math.exp %sub3A_473 : vector<16xf32>
      %sub3A_475 = arith.subf %get3A_468, %max3A_472 : vector<16xf32>
      %exp3A_476 = math.exp %sub3A_475 : vector<16xf32>
      %sub3A_477 = arith.subf %get3A_470, %max3A_472 : vector<16xf32>
      %exp3A_478 = math.exp %sub3A_477 : vector<16xf32>
      %add3A_479 = arith.addf %exp3A_474, %exp3A_476 : vector<16xf32>
      %add3A_480 = arith.addf %add3A_479, %exp3A_478 : vector<16xf32>
      %mul3A_481 = arith.mulf %scan3A_409#6, %exp3A_474 : vector<16xf32>
      %mul3A_482 = arith.mulf %scan3A_409#7, %exp3A_476 : vector<16xf32>
      %add3A_483 = arith.addf %mul3A_481, %mul3A_482 : vector<16xf32>
      %mul3A_484 = arith.mulf %scan3A_409#8, %exp3A_478 : vector<16xf32>
      %add3A_485 = arith.addf %add3A_483, %mul3A_484 : vector<16xf32>
      %div3A_486 = arith.divf %add3A_485, %add3A_480 : vector<16xf32>
      %get3A_487 = arith.constant 144 : index
      %get3A_488 = tpu.vector_load %arg20[%get3A_487] {strides = array<i32>} : memref<208xf32, #tpu.memory_space<vmem>>, vector<16xf32>,
      %add3A_489 = arith.addf %div3A_486, %get3A_488 : vector<16xf32>
      %swap3A_490 = arith.constant 144 : index
      %swap3A_491 = tpu.vector_load %arg22[%swap3A_490] {strides = array<i32>} : memref<208xf32, #tpu.memory_space<vmem>>, vector<16xf32>,
      tpu.vector_store %arg22[%swap3A_490], %add3A_489 {strides = array<i32>} : memref<208xf32, #tpu.memory_space<vmem>>, vector<16xf32>,
      %get3A_492 = arith.constant 160 : index
      %get3A_493 = tpu.vector_load %arg14[%get3A_492] {strides = array<i32>} : memref<208xf32, #tpu.memory_space<vmem>>, vector<16xf32>,
      %get3A_494 = arith.constant 160 : index
      %get3A_495 = tpu.vector_load %arg16[%get3A_494] {strides = array<i32>} : memref<208xf32, #tpu.memory_space<vmem>>, vector<16xf32>,
      %get3A_496 = arith.constant 160 : index
      %get3A_497 = tpu.vector_load %arg18[%get3A_496] {strides = array<i32>} : memref<208xf32, #tpu.memory_space<vmem>>, vector<16xf32>,
      %max3A_498 = arith.maximumf %get3A_493, %get3A_495 : vector<16xf32>
      %max3A_499 = arith.maximumf %max3A_498, %get3A_497 : vector<16xf32>
      %sub3A_500 = arith.subf %get3A_493, %max3A_499 : vector<16xf32>
      %exp3A_501 = math.exp %sub3A_500 : vector<16xf32>
      %sub3A_502 = arith.subf %get3A_495, %max3A_499 : vector<16xf32>
      %exp3A_503 = math.exp %sub3A_502 : vector<16xf32>
      %sub3A_504 = arith.subf %get3A_497, %max3A_499 : vector<16xf32>
      %exp3A_505 = math.exp %sub3A_504 : vector<16xf32>
      %add3A_506 = arith.addf %exp3A_501, %exp3A_503 : vector<16xf32>
      %add3A_507 = arith.addf %add3A_506, %exp3A_505 : vector<16xf32>
      %mul3A_508 = arith.mulf %scan3A_409#9, %exp3A_501 : vector<16xf32>
      %mul3A_509 = arith.mulf %scan3A_409#10, %exp3A_503 : vector<16xf32>
      %add3A_510 = arith.addf %mul3A_508, %mul3A_509 : vector<16xf32>
      %mul3A_511 = arith.mulf %scan3A_409#11, %exp3A_505 : vector<16xf32>
      %add3A_512 = arith.addf %add3A_510, %mul3A_511 : vector<16xf32>
      %div3A_513 = arith.divf %add3A_512, %add3A_507 : vector<16xf32>
      %get3A_514 = arith.constant 160 : index
      %get3A_515 = tpu.vector_load %arg20[%get3A_514] {strides = array<i32>} : memref<208xf32, #tpu.memory_space<vmem>>, vector<16xf32>,
      %add3A_516 = arith.addf %div3A_513, %get3A_515 : vector<16xf32>
      %swap3A_517 = arith.constant 160 : index
      %swap3A_518 = tpu.vector_load %arg22[%swap3A_517] {strides = array<i32>} : memref<208xf32, #tpu.memory_space<vmem>>, vector<16xf32>,
      tpu.vector_store %arg22[%swap3A_517], %add3A_516 {strides = array<i32>} : memref<208xf32, #tpu.memory_space<vmem>>, vector<16xf32>,
      %get3A_519 = arith.constant 176 : index
      %get3A_520 = tpu.vector_load %arg14[%get3A_519] {strides = array<i32>} : memref<208xf32, #tpu.memory_space<vmem>>, vector<16xf32>,
      %get3A_521 = arith.constant 176 : index
      %get3A_522 = tpu.vector_load %arg16[%get3A_521] {strides = array<i32>} : memref<208xf32, #tpu.memory_space<vmem>>, vector<16xf32>,
      %get3A_523 = arith.constant 176 : index
      %get3A_524 = tpu.vector_load %arg18[%get3A_523] {strides = array<i32>} : memref<208xf32, #tpu.memory_space<vmem>>, vector<16xf32>,
      %max3A_525 = arith.maximumf %get3A_520, %get3A_522 : vector<16xf32>
      %max3A_526 = arith.maximumf %max3A_525, %get3A_524 : vector<16xf32>
      %sub3A_527 = arith.subf %get3A_520, %max3A_526 : vector<16xf32>
      %exp3A_528 = math.exp %sub3A_527 : vector<16xf32>
      %sub3A_529 = arith.subf %get3A_522, %max3A_526 : vector<16xf32>
      %exp3A_530 = math.exp %sub3A_529 : vector<16xf32>
      %sub3A_531 = arith.subf %get3A_524, %max3A_526 : vector<16xf32>
      %exp3A_532 = math.exp %sub3A_531 : vector<16xf32>
      %add3A_533 = arith.addf %exp3A_528, %exp3A_530 : vector<16xf32>
      %add3A_534 = arith.addf %add3A_533, %exp3A_532 : vector<16xf32>
      %mul3A_535 = arith.mulf %scan3A_409#12, %exp3A_528 : vector<16xf32>
      %mul3A_536 = arith.mulf %scan3A_409#13, %exp3A_530 : vector<16xf32>
      %add3A_537 = arith.addf %mul3A_535, %mul3A_536 : vector<16xf32>
      %mul3A_538 = arith.mulf %scan3A_409#14, %exp3A_532 : vector<16xf32>
      %add3A_539 = arith.addf %add3A_537, %mul3A_538 : vector<16xf32>
      %div3A_540 = arith.divf %add3A_539, %add3A_534 : vector<16xf32>
      %get3A_541 = arith.constant 176 : index
      %get3A_542 = tpu.vector_load %arg20[%get3A_541] {strides = array<i32>} : memref<208xf32, #tpu.memory_space<vmem>>, vector<16xf32>,
      %add3A_543 = arith.addf %div3A_540, %get3A_542 : vector<16xf32>
      %swap3A_544 = arith.constant 176 : index
      %swap3A_545 = tpu.vector_load %arg22[%swap3A_544] {strides = array<i32>} : memref<208xf32, #tpu.memory_space<vmem>>, vector<16xf32>,
      tpu.vector_store %arg22[%swap3A_544], %add3A_543 {strides = array<i32>} : memref<208xf32, #tpu.memory_space<vmem>>, vector<16xf32>,
      %get3A_546 = arith.constant 192 : index
      %get3A_547 = tpu.vector_load %arg14[%get3A_546] {strides = array<i32>} : memref<208xf32, #tpu.memory_space<vmem>>, vector<16xf32>,
      %get3A_548 = arith.constant 192 : index
      %get3A_549 = tpu.vector_load %arg16[%get3A_548] {strides = array<i32>} : memref<208xf32, #tpu.memory_space<vmem>>, vector<16xf32>,
      %get3A_550 = arith.constant 192 : index
      %get3A_551 = tpu.vector_load %arg18[%get3A_550] {strides = array<i32>} : memref<208xf32, #tpu.memory_space<vmem>>, vector<16xf32>,
      %max3A_552 = arith.maximumf %get3A_547, %get3A_549 : vector<16xf32>
      %max3A_553 = arith.maximumf %max3A_552, %get3A_551 : vector<16xf32>
      %sub3A_554 = arith.subf %get3A_547, %max3A_553 : vector<16xf32>
      %exp3A_555 = math.exp %sub3A_554 : vector<16xf32>
      %sub3A_556 = arith.subf %get3A_549, %max3A_553 : vector<16xf32>
      %exp3A_557 = math.exp %sub3A_556 : vector<16xf32>
      %sub3A_558 = arith.subf %get3A_551, %max3A_553 : vector<16xf32>
      %exp3A_559 = math.exp %sub3A_558 : vector<16xf32>
      %add3A_560 = arith.addf %exp3A_555, %exp3A_557 : vector<16xf32>
      %add3A_561 = arith.addf %add3A_560, %exp3A_559 : vector<16xf32>
      %mul3A_562 = arith.mulf %scan3A_409#15, %exp3A_555 : vector<16xf32>
      %mul3A_563 = arith.mulf %scan3A_409#16, %exp3A_557 : vector<16xf32>
      %add3A_564 = arith.addf %mul3A_562, %mul3A_563 : vector<16xf32>
      %mul3A_565 = arith.mulf %scan3A_409#17, %exp3A_559 : vector<16xf32>
      %add3A_566 = arith.addf %add3A_564, %mul3A_565 : vector<16xf32>
      %div3A_567 = arith.divf %add3A_566, %add3A_561 : vector<16xf32>
      %get3A_568 = arith.constant 192 : index
      %get3A_569 = tpu.vector_load %arg20[%get3A_568] {strides = array<i32>} : memref<208xf32, #tpu.memory_space<vmem>>, vector<16xf32>,
      %add3A_570 = arith.addf %div3A_567, %get3A_569 : vector<16xf32>
      %swap3A_571 = arith.constant 192 : index
      %swap3A_572 = tpu.vector_load %arg22[%swap3A_571] {strides = array<i32>} : memref<208xf32, #tpu.memory_space<vmem>>, vector<16xf32>,
      tpu.vector_store %arg22[%swap3A_571], %add3A_570 {strides = array<i32>} : memref<208xf32, #tpu.memory_space<vmem>>, vector<16xf32>,
      %mul3A_573 = arith.constant 200 : i32
      %mul3A_574 = arith.muli %add3A_75, %mul3A_573 : i32
      %add3A_575 = arith.addi %mul3A_2, %mul3A_574 : i32
      %dma_start3A_576 = arith.constant 0 : i32
      %dma_start3A_577 = tpu.memref_slice %arg22[%dma_start3A_576] : memref<208xf32, #tpu.memory_space<vmem>> -> memref<200xf32, #tpu.memory_space<vmem>>
      %dma_start3A_578 = tpu.memref_slice %arg9[%add3A_575] : memref<204800xf32, #tpu.memory_space<hbm>> -> memref<200xf32, #tpu.memory_space<hbm>>
      %dma_start3A_579 = tpu.memref_slice %arg9[%add3A_575] : memref<204800xf32, #tpu.memory_space<hbm>> -> memref<200xf32, #tpu.memory_space<hbm>>
      %dma_start3A_580 = arith.constant 0 : i32
      %dma_start3A_581 = tpu.memref_slice %arg22[%dma_start3A_580] : memref<208xf32, #tpu.memory_space<vmem>> -> memref<200xf32, #tpu.memory_space<vmem>>
      tpu.enqueue_dma source(%dma_start3A_581 : memref<200xf32, #tpu.memory_space<vmem>>) target(%dma_start3A_579 : memref<200xf32, #tpu.memory_space<hbm>>) target_semaphore(%arg26 : memref<!tpu.dma_semaphore, #tpu.memory_space<semaphore_mem>>)
      %add3A_582 = arith.constant 2 : i32
      %add3A_583 = arith.addi %add3A_75, %add3A_582 : i32
      %lt3A = arith.constant 32 : i32
      %lt3A_584 = arith.cmpi slt, %add3A_583, %lt3A : i32
      %convert_element_type3A_585 = arith.extui %lt3A_584 : i1 to i32
      %cond3A_586 = arith.constant 0 : i32
      %cond3A_587 = arith.cmpi ne, %convert_element_type3A_585, %cond3A_586 : i32
      scf.if %cond3A_587 {
        %add3A_1113 = arith.constant 2 : i32
        %add3A_1114 = arith.addi %add3A_75, %add3A_1113 : i32
        %mul3A_1115 = arith.constant 200 : i32
        %mul3A_1116 = arith.muli %add3A_1114, %mul3A_1115 : i32
        %dma_start3A_1117 = tpu.memref_slice %arg10[%mul3A_1116] : memref<6416xi32, #tpu.memory_space<vmem>> -> memref<208xi32, #tpu.memory_space<vmem>>
        %dma_start3A_1118 = arith.constant 0 : i32
        %dma_start3A_1119 = arith.constant 0 : i32
        %dma_start3A_1120 = tpu.memref_slice %arg4[%dma_start3A_1118, %dma_start3A_1119] : memref<1000000x128xf32, #tpu.memory_space<hbm>> -> memref<1000000x128xf32, #tpu.memory_space<hbm>>
        tpu.enqueue_indirect_dma source(%dma_start3A_1120 : memref<1000000x128xf32, #tpu.memory_space<hbm>>) target(%arg12 : memref<208x128xf32, #tpu.memory_space<vmem>>) offsets(%dma_start3A_1117 : memref<208xi32, #tpu.memory_space<vmem>>) semaphore(%arg24 : memref<!tpu.dma_semaphore, #tpu.memory_space<semaphore_mem>>)
        %dma_start3A_1121 = tpu.memref_slice %arg10[%mul3A_1116] : memref<6416xi32, #tpu.memory_space<vmem>> -> memref<208xi32, #tpu.memory_space<vmem>>
        %dma_start3A_1122 = arith.constant 0 : i32
        %dma_start3A_1123 = tpu.memref_slice %arg6[%dma_start3A_1122] : memref<1000000xf32, #tpu.memory_space<hbm>> -> memref<1000000xf32, #tpu.memory_space<hbm>>
        tpu.enqueue_indirect_dma source(%dma_start3A_1123 : memref<1000000xf32, #tpu.memory_space<hbm>>) target(%arg14 : memref<208xf32, #tpu.memory_space<vmem>>) offsets(%dma_start3A_1121 : memref<208xi32, #tpu.memory_space<vmem>>) semaphore(%arg24 : memref<!tpu.dma_semaphore, #tpu.memory_space<semaphore_mem>>)
        %dma_start3A_1124 = tpu.memref_slice %arg10[%mul3A_1116] : memref<6416xi32, #tpu.memory_space<vmem>> -> memref<208xi32, #tpu.memory_space<vmem>>
        %dma_start3A_1125 = arith.constant 0 : i32
        %dma_start3A_1126 = tpu.memref_slice %arg7[%dma_start3A_1125] : memref<1000000xf32, #tpu.memory_space<hbm>> -> memref<1000000xf32, #tpu.memory_space<hbm>>
        tpu.enqueue_indirect_dma source(%dma_start3A_1126 : memref<1000000xf32, #tpu.memory_space<hbm>>) target(%arg16 : memref<208xf32, #tpu.memory_space<vmem>>) offsets(%dma_start3A_1124 : memref<208xi32, #tpu.memory_space<vmem>>) semaphore(%arg24 : memref<!tpu.dma_semaphore, #tpu.memory_space<semaphore_mem>>)
        %dma_start3A_1127 = tpu.memref_slice %arg10[%mul3A_1116] : memref<6416xi32, #tpu.memory_space<vmem>> -> memref<208xi32, #tpu.memory_space<vmem>>
        %dma_start3A_1128 = arith.constant 0 : i32
        %dma_start3A_1129 = tpu.memref_slice %arg8[%dma_start3A_1128] : memref<1000000xf32, #tpu.memory_space<hbm>> -> memref<1000000xf32, #tpu.memory_space<hbm>>
        tpu.enqueue_indirect_dma source(%dma_start3A_1129 : memref<1000000xf32, #tpu.memory_space<hbm>>) target(%arg18 : memref<208xf32, #tpu.memory_space<vmem>>) offsets(%dma_start3A_1127 : memref<208xi32, #tpu.memory_space<vmem>>) semaphore(%arg24 : memref<!tpu.dma_semaphore, #tpu.memory_space<semaphore_mem>>)
        %dma_start3A_1130 = tpu.memref_slice %arg10[%mul3A_1116] : memref<6416xi32, #tpu.memory_space<vmem>> -> memref<208xi32, #tpu.memory_space<vmem>>
        %dma_start3A_1131 = arith.constant 0 : i32
        %dma_start3A_1132 = tpu.memref_slice %arg5[%dma_start3A_1131] : memref<1000000xf32, #tpu.memory_space<hbm>> -> memref<1000000xf32, #tpu.memory_space<hbm>>
        tpu.enqueue_indirect_dma source(%dma_start3A_1132 : memref<1000000xf32, #tpu.memory_space<hbm>>) target(%arg20 : memref<208xf32, #tpu.memory_space<vmem>>) offsets(%dma_start3A_1130 : memref<208xi32, #tpu.memory_space<vmem>>) semaphore(%arg24 : memref<!tpu.dma_semaphore, #tpu.memory_space<semaphore_mem>>)
      } else {
      }
      %mul3A_588 = arith.constant 2 : i32
      %mul3A_589 = arith.muli %mul3A_588, %add3A_71 : i32
      %add3A_590 = arith.constant 1 : i32
      %add3A_591 = arith.addi %mul3A_589, %add3A_590 : i32
      %mul3A_592 = arith.constant 200 : i32
      %mul3A_593 = arith.muli %add3A_591, %mul3A_592 : i32
      %dma_wait3A_594 = tpu.memref_slice %arg10[%mul3A_593] : memref<6416xi32, #tpu.memory_space<vmem>> -> memref<208xi32, #tpu.memory_space<vmem>>
      %dma_wait3A_595 = arith.constant 0 : i32
      %dma_wait3A_596 = arith.constant 0 : i32
      %dma_wait3A_597 = tpu.memref_slice %arg4[%dma_wait3A_595, %dma_wait3A_596] : memref<1000000x128xf32, #tpu.memory_space<hbm>> -> memref<1000000x128xf32, #tpu.memory_space<hbm>>
      tpu.wait_indirect_dma semaphore(%arg25 : memref<!tpu.dma_semaphore, #tpu.memory_space<semaphore_mem>>) src(%dma_wait3A_597 : memref<1000000x128xf32, #tpu.memory_space<hbm>>) dst(%arg13 : memref<208x128xf32, #tpu.memory_space<vmem>>)
      %dma_wait3A_598 = tpu.memref_slice %arg10[%mul3A_593] : memref<6416xi32, #tpu.memory_space<vmem>> -> memref<208xi32, #tpu.memory_space<vmem>>
      %dma_wait3A_599 = arith.constant 0 : i32
      %dma_wait3A_600 = tpu.memref_slice %arg6[%dma_wait3A_599] : memref<1000000xf32, #tpu.memory_space<hbm>> -> memref<1000000xf32, #tpu.memory_space<hbm>>
      tpu.wait_indirect_dma semaphore(%arg25 : memref<!tpu.dma_semaphore, #tpu.memory_space<semaphore_mem>>) src(%dma_wait3A_600 : memref<1000000xf32, #tpu.memory_space<hbm>>) dst(%arg15 : memref<208xf32, #tpu.memory_space<vmem>>)
      %dma_wait3A_601 = tpu.memref_slice %arg10[%mul3A_593] : memref<6416xi32, #tpu.memory_space<vmem>> -> memref<208xi32, #tpu.memory_space<vmem>>
      %dma_wait3A_602 = arith.constant 0 : i32
      %dma_wait3A_603 = tpu.memref_slice %arg7[%dma_wait3A_602] : memref<1000000xf32, #tpu.memory_space<hbm>> -> memref<1000000xf32, #tpu.memory_space<hbm>>
      tpu.wait_indirect_dma semaphore(%arg25 : memref<!tpu.dma_semaphore, #tpu.memory_space<semaphore_mem>>) src(%dma_wait3A_603 : memref<1000000xf32, #tpu.memory_space<hbm>>) dst(%arg17 : memref<208xf32, #tpu.memory_space<vmem>>)
      %dma_wait3A_604 = tpu.memref_slice %arg10[%mul3A_593] : memref<6416xi32, #tpu.memory_space<vmem>> -> memref<208xi32, #tpu.memory_space<vmem>>
      %dma_wait3A_605 = arith.constant 0 : i32
      %dma_wait3A_606 = tpu.memref_slice %arg8[%dma_wait3A_605] : memref<1000000xf32, #tpu.memory_space<hbm>> -> memref<1000000xf32, #tpu.memory_space<hbm>>
      tpu.wait_indirect_dma semaphore(%arg25 : memref<!tpu.dma_semaphore, #tpu.memory_space<semaphore_mem>>) src(%dma_wait3A_606 : memref<1000000xf32, #tpu.memory_space<hbm>>) dst(%arg19 : memref<208xf32, #tpu.memory_space<vmem>>)
      %dma_wait3A_607 = tpu.memref_slice %arg10[%mul3A_593] : memref<6416xi32, #tpu.memory_space<vmem>> -> memref<208xi32, #tpu.memory_space<vmem>>
      %dma_wait3A_608 = arith.constant 0 : i32
      %dma_wait3A_609 = tpu.memref_slice %arg5[%dma_wait3A_608] : memref<1000000xf32, #tpu.memory_space<hbm>> -> memref<1000000xf32, #tpu.memory_space<hbm>>
      tpu.wait_indirect_dma semaphore(%arg25 : memref<!tpu.dma_semaphore, #tpu.memory_space<semaphore_mem>>) src(%dma_wait3A_609 : memref<1000000xf32, #tpu.memory_space<hbm>>) dst(%arg21 : memref<208xf32, #tpu.memory_space<vmem>>)
      %ge3A_610 = arith.constant 2 : i32
      %ge3A_611 = arith.cmpi sge, %add3A_591, %ge3A_610 : i32
      %convert_element_type3A_612 = arith.extui %ge3A_611 : i1 to i32
      %cond3A_613 = arith.constant 0 : i32
      %cond3A_614 = arith.cmpi ne, %convert_element_type3A_612, %cond3A_613 : i32
      scf.if %cond3A_614 {
        %sub3A_1113 = arith.constant 2 : i32
        %sub3A_1114 = arith.subi %add3A_591, %sub3A_1113 : i32
        %mul3A_1115 = arith.constant 200 : i32
        %mul3A_1116 = arith.muli %sub3A_1114, %mul3A_1115 : i32
        %add3A_1117 = arith.addi %mul3A_2, %mul3A_1116 : i32
        %dma_wait3A_1118 = arith.constant 0 : i32
        %dma_wait3A_1119 = tpu.memref_slice %arg23[%dma_wait3A_1118] : memref<208xf32, #tpu.memory_space<vmem>> -> memref<200xf32, #tpu.memory_space<vmem>>
        %dma_wait3A_1120 = tpu.memref_slice %arg9[%add3A_1117] : memref<204800xf32, #tpu.memory_space<hbm>> -> memref<200xf32, #tpu.memory_space<hbm>>
        %dma_wait3A_1121 = tpu.memref_slice %arg9[%add3A_1117] : memref<204800xf32, #tpu.memory_space<hbm>> -> memref<200xf32, #tpu.memory_space<hbm>>
        %dma_wait3A_1122 = arith.constant 0 : i32
        %dma_wait3A_1123 = tpu.memref_slice %arg23[%dma_wait3A_1122] : memref<208xf32, #tpu.memory_space<vmem>> -> memref<200xf32, #tpu.memory_space<vmem>>
        tpu.wait_dma2 semaphore(%arg27 : memref<!tpu.dma_semaphore, #tpu.memory_space<semaphore_mem>>) src(%dma_wait3A_1123 : memref<200xf32, #tpu.memory_space<vmem>>) dst(%dma_wait3A_1121 : memref<200xf32, #tpu.memory_space<hbm>>)
      } else {
      }
      %mul3A_615 = arith.constant 384 : i32
      %mul3A_616 = arith.muli %add3A_591, %mul3A_615 : i32
      %add3A_617 = arith.constant 0 : i32
      %add3A_618 = vector.broadcast %add3A_617 : i32 to vector<16xi32>
      %add3A_619 = arith.addi %iota3A, %add3A_618 : vector<16xi32>
      %add3A_620 = arith.constant 16 : i32
      %add3A_621 = vector.broadcast %add3A_620 : i32 to vector<16xi32>
      %add3A_622 = arith.addi %iota3A, %add3A_621 : vector<16xi32>
      %add3A_623 = arith.constant 32 : i32
      %add3A_624 = vector.broadcast %add3A_623 : i32 to vector<16xi32>
      %add3A_625 = arith.addi %iota3A, %add3A_624 : vector<16xi32>
      %add3A_626 = arith.constant 48 : i32
      %add3A_627 = vector.broadcast %add3A_626 : i32 to vector<16xi32>
      %add3A_628 = arith.addi %iota3A, %add3A_627 : vector<16xi32>
      %add3A_629 = arith.constant 64 : i32
      %add3A_630 = vector.broadcast %add3A_629 : i32 to vector<16xi32>
      %add3A_631 = arith.addi %iota3A, %add3A_630 : vector<16xi32>
      %add3A_632 = arith.constant 80 : i32
      %add3A_633 = vector.broadcast %add3A_632 : i32 to vector<16xi32>
      %add3A_634 = arith.addi %iota3A, %add3A_633 : vector<16xi32>
      %add3A_635 = arith.constant 96 : i32
      %add3A_636 = vector.broadcast %add3A_635 : i32 to vector<16xi32>
      %add3A_637 = arith.addi %iota3A, %add3A_636 : vector<16xi32>
      %broadcast_in_dim3A_638 = arith.constant 0.000000e+00 : f32
      %broadcast_in_dim3A_639 = vector.broadcast %broadcast_in_dim3A_638 : f32 to vector<16xf32>
      %broadcast_in_dim3A_640 = arith.constant 0.000000e+00 : f32
      %broadcast_in_dim3A_641 = vector.broadcast %broadcast_in_dim3A_640 : f32 to vector<16xf32>
      %broadcast_in_dim3A_642 = arith.constant 0.000000e+00 : f32
      %broadcast_in_dim3A_643 = vector.broadcast %broadcast_in_dim3A_642 : f32 to vector<16xf32>
      %broadcast_in_dim3A_644 = arith.constant 0.000000e+00 : f32
      %broadcast_in_dim3A_645 = vector.broadcast %broadcast_in_dim3A_644 : f32 to vector<16xf32>
      %broadcast_in_dim3A_646 = arith.constant 0.000000e+00 : f32
      %broadcast_in_dim3A_647 = vector.broadcast %broadcast_in_dim3A_646 : f32 to vector<16xf32>
      %broadcast_in_dim3A_648 = arith.constant 0.000000e+00 : f32
      %broadcast_in_dim3A_649 = vector.broadcast %broadcast_in_dim3A_648 : f32 to vector<16xf32>
      %broadcast_in_dim3A_650 = arith.constant 0.000000e+00 : f32
      %broadcast_in_dim3A_651 = vector.broadcast %broadcast_in_dim3A_650 : f32 to vector<16xf32>
      %broadcast_in_dim3A_652 = arith.constant 0.000000e+00 : f32
      %broadcast_in_dim3A_653 = vector.broadcast %broadcast_in_dim3A_652 : f32 to vector<16xf32>
      %broadcast_in_dim3A_654 = arith.constant 0.000000e+00 : f32
      %broadcast_in_dim3A_655 = vector.broadcast %broadcast_in_dim3A_654 : f32 to vector<16xf32>
      %broadcast_in_dim3A_656 = arith.constant 0.000000e+00 : f32
      %broadcast_in_dim3A_657 = vector.broadcast %broadcast_in_dim3A_656 : f32 to vector<16xf32>
      %broadcast_in_dim3A_658 = arith.constant 0.000000e+00 : f32
      %broadcast_in_dim3A_659 = vector.broadcast %broadcast_in_dim3A_658 : f32 to vector<16xf32>
      %broadcast_in_dim3A_660 = arith.constant 0.000000e+00 : f32
      %broadcast_in_dim3A_661 = vector.broadcast %broadcast_in_dim3A_660 : f32 to vector<16xf32>
      %broadcast_in_dim3A_662 = arith.constant 0.000000e+00 : f32
      %broadcast_in_dim3A_663 = vector.broadcast %broadcast_in_dim3A_662 : f32 to vector<16xf32>
      %broadcast_in_dim3A_664 = arith.constant 0.000000e+00 : f32
      %broadcast_in_dim3A_665 = vector.broadcast %broadcast_in_dim3A_664 : f32 to vector<16xf32>
      %broadcast_in_dim3A_666 = arith.constant 0.000000e+00 : f32
      %broadcast_in_dim3A_667 = vector.broadcast %broadcast_in_dim3A_666 : f32 to vector<16xf32>
      %broadcast_in_dim3A_668 = arith.constant 0.000000e+00 : f32
      %broadcast_in_dim3A_669 = vector.broadcast %broadcast_in_dim3A_668 : f32 to vector<16xf32>
      %broadcast_in_dim3A_670 = arith.constant 0.000000e+00 : f32
      %broadcast_in_dim3A_671 = vector.broadcast %broadcast_in_dim3A_670 : f32 to vector<16xf32>
      %broadcast_in_dim3A_672 = arith.constant 0.000000e+00 : f32
      %broadcast_in_dim3A_673 = vector.broadcast %broadcast_in_dim3A_672 : f32 to vector<16xf32>
      %broadcast_in_dim3A_674 = arith.constant 0.000000e+00 : f32
      %broadcast_in_dim3A_675 = vector.broadcast %broadcast_in_dim3A_674 : f32 to vector<16xf32>
      %broadcast_in_dim3A_676 = arith.constant 0.000000e+00 : f32
      %broadcast_in_dim3A_677 = vector.broadcast %broadcast_in_dim3A_676 : f32 to vector<16xf32>
      %broadcast_in_dim3A_678 = arith.constant 0.000000e+00 : f32
      %broadcast_in_dim3A_679 = vector.broadcast %broadcast_in_dim3A_678 : f32 to vector<16xf32>
      %scan3A_680 = arith.constant 0 : i32
      %scan3A_681 = arith.constant 128 : i32
      %scan3A_682 = arith.addi %scan3A_680, %scan3A_681 : i32
      %scan3A_683 = arith.constant 2 : i32
      %scan3A_684:21 = scf.for %scan3A_1113 = %scan3A_680 to %scan3A_682 step %scan3A_683 iter_args(%scan3A_1114 = %broadcast_in_dim3A_639, %scan3A_1115 = %broadcast_in_dim3A_641, %scan3A_1116 = %broadcast_in_dim3A_643, %scan3A_1117 = %broadcast_in_dim3A_645, %scan3A_1118 = %broadcast_in_dim3A_647, %scan3A_1119 = %broadcast_in_dim3A_649, %scan3A_1120 = %broadcast_in_dim3A_651, %scan3A_1121 = %broadcast_in_dim3A_653, %scan3A_1122 = %broadcast_in_dim3A_655, %scan3A_1123 = %broadcast_in_dim3A_657, %scan3A_1124 = %broadcast_in_dim3A_659, %scan3A_1125 = %broadcast_in_dim3A_661, %scan3A_1126 = %broadcast_in_dim3A_663, %scan3A_1127 = %broadcast_in_dim3A_665, %scan3A_1128 = %broadcast_in_dim3A_667, %scan3A_1129 = %broadcast_in_dim3A_669, %scan3A_1130 = %broadcast_in_dim3A_671, %scan3A_1131 = %broadcast_in_dim3A_673, %scan3A_1132 = %broadcast_in_dim3A_675, %scan3A_1133 = %broadcast_in_dim3A_677, %scan3A_1134 = %broadcast_in_dim3A_679) -> (vector<16xf32>, vector<16xf32>, vector<16xf32>, vector<16xf32>, vector<16xf32>, vector<16xf32>, vector<16xf32>, vector<16xf32>, vector<16xf32>, vector<16xf32>, vector<16xf32>, vector<16xf32>, vector<16xf32>, vector<16xf32>, vector<16xf32>, vector<16xf32>, vector<16xf32>, vector<16xf32>, vector<16xf32>, vector<16xf32>, vector<16xf32>)  : i32 {
        %and3A = arith.constant -16 : i32
        %and3A_1135 = arith.andi %scan3A_1113, %and3A : i32
        %add3A_1136 = vector.broadcast %scan3A_1113 : i32 to vector<16xi32>
        %add3A_1137 = arith.addi %iota3A, %add3A_1136 : vector<16xi32>
        %and3A_1138 = arith.constant 15 : i32
        %and3A_1139 = vector.broadcast %and3A_1138 : i32 to vector<16xi32>
        %and3A_1140 = arith.andi %add3A_1137, %and3A_1139 : vector<16xi32>
        %add3A_1141 = vector.broadcast %and3A_1135 : i32 to vector<16xi32>
        %add3A_1142 = arith.addi %and3A_1140, %add3A_1141 : vector<16xi32>
        %add3A_1143 = arith.addi %mul3A_616, %and3A_1135 : i32
        %get3A_1144 = arith.index_cast %add3A_1143 : i32 to index
        %get3A_1145 = tpu.vector_load %arg11[%get3A_1144] {strides = array<i32>} : memref<12288xf32, #tpu.memory_space<vmem>>, vector<16xf32>,
        %add3A_1146 = arith.constant 128 : i32
        %add3A_1147 = arith.addi %mul3A_616, %add3A_1146 : i32
        %add3A_1148 = arith.addi %add3A_1147, %and3A_1135 : i32
        %get3A_1149 = arith.index_cast %add3A_1148 : i32 to index
        %get3A_1150 = tpu.vector_load %arg11[%get3A_1149] {strides = array<i32>} : memref<12288xf32, #tpu.memory_space<vmem>>, vector<16xf32>,
        %add3A_1151 = arith.constant 256 : i32
        %add3A_1152 = arith.addi %mul3A_616, %add3A_1151 : i32
        %add3A_1153 = arith.addi %add3A_1152, %and3A_1135 : i32
        %get3A_1154 = arith.index_cast %add3A_1153 : i32 to index
        %get3A_1155 = tpu.vector_load %arg11[%get3A_1154] {strides = array<i32>} : memref<12288xf32, #tpu.memory_space<vmem>>, vector<16xf32>,
        %lt3A_1156 = arith.constant 0 : i32
        %lt3A_1157 = vector.broadcast %lt3A_1156 : i32 to vector<16xi32>
        %lt3A_1158 = arith.cmpi slt, %and3A_1140, %lt3A_1157 : vector<16xi32>
        %add3A_1159 = arith.constant 16 : i32
        %add3A_1160 = vector.broadcast %add3A_1159 : i32 to vector<16xi32>
        %add3A_1161 = arith.addi %and3A_1140, %add3A_1160 : vector<16xi32>
        %select_n3A = arith.select %lt3A_1158, %add3A_1161, %and3A_1140 : vector<16xi1>, vector<16xi32>
        %broadcast_in_dim3A_1162 = vector.shape_cast %select_n3A : vector<16xi32> to vector<16x1xi32>
        %gather3A = vector.shape_cast %broadcast_in_dim3A_1162 : vector<16x1xi32> to vector<16xi32>
        %gather3A_1163 = tpu.dynamic_gather %get3A_1145[%gather3A] in [0] : vector<16xf32>, vector<16xi32> -> vector<16xf32>
        %lt3A_1164 = arith.constant 0 : i32
        %lt3A_1165 = vector.broadcast %lt3A_1164 : i32 to vector<16xi32>
        %lt3A_1166 = arith.cmpi slt, %and3A_1140, %lt3A_1165 : vector<16xi32>
        %add3A_1167 = arith.constant 16 : i32
        %add3A_1168 = vector.broadcast %add3A_1167 : i32 to vector<16xi32>
        %add3A_1169 = arith.addi %and3A_1140, %add3A_1168 : vector<16xi32>
        %select_n3A_1170 = arith.select %lt3A_1166, %add3A_1169, %and3A_1140 : vector<16xi1>, vector<16xi32>
        %broadcast_in_dim3A_1171 = vector.shape_cast %select_n3A_1170 : vector<16xi32> to vector<16x1xi32>
        %gather3A_1172 = vector.shape_cast %broadcast_in_dim3A_1171 : vector<16x1xi32> to vector<16xi32>
        %gather3A_1173 = tpu.dynamic_gather %get3A_1150[%gather3A_1172] in [0] : vector<16xf32>, vector<16xi32> -> vector<16xf32>
        %lt3A_1174 = arith.constant 0 : i32
        %lt3A_1175 = vector.broadcast %lt3A_1174 : i32 to vector<16xi32>
        %lt3A_1176 = arith.cmpi slt, %and3A_1140, %lt3A_1175 : vector<16xi32>
        %add3A_1177 = arith.constant 16 : i32
        %add3A_1178 = vector.broadcast %add3A_1177 : i32 to vector<16xi32>
        %add3A_1179 = arith.addi %and3A_1140, %add3A_1178 : vector<16xi32>
        %select_n3A_1180 = arith.select %lt3A_1176, %add3A_1179, %and3A_1140 : vector<16xi1>, vector<16xi32>
        %broadcast_in_dim3A_1181 = vector.shape_cast %select_n3A_1180 : vector<16xi32> to vector<16x1xi32>
        %gather3A_1182 = vector.shape_cast %broadcast_in_dim3A_1181 : vector<16x1xi32> to vector<16xi32>
        %gather3A_1183 = tpu.dynamic_gather %get3A_1155[%gather3A_1182] in [0] : vector<16xf32>, vector<16xi32> -> vector<16xf32>
        %gather3A_1184 = tpu.vector_load_idx %arg13[%add3A_619, %add3A_1142] : memref<208x128xf32, #tpu.memory_space<vmem>>[vector<16xi32>, vector<16xi32>], vector<16xf32>,
        %mul3A_1185 = arith.mulf %gather3A_1184, %gather3A_1163 : vector<16xf32>
        %add3A_1186 = arith.addf %scan3A_1114, %mul3A_1185 : vector<16xf32>
        %mul3A_1187 = arith.mulf %gather3A_1184, %gather3A_1173 : vector<16xf32>
        %add3A_1188 = arith.addf %scan3A_1115, %mul3A_1187 : vector<16xf32>
        %mul3A_1189 = arith.mulf %gather3A_1184, %gather3A_1183 : vector<16xf32>
        %add3A_1190 = arith.addf %scan3A_1116, %mul3A_1189 : vector<16xf32>
        %gather3A_1191 = tpu.vector_load_idx %arg13[%add3A_622, %add3A_1142] : memref<208x128xf32, #tpu.memory_space<vmem>>[vector<16xi32>, vector<16xi32>], vector<16xf32>,
        %mul3A_1192 = arith.mulf %gather3A_1191, %gather3A_1163 : vector<16xf32>
        %add3A_1193 = arith.addf %scan3A_1117, %mul3A_1192 : vector<16xf32>
        %mul3A_1194 = arith.mulf %gather3A_1191, %gather3A_1173 : vector<16xf32>
        %add3A_1195 = arith.addf %scan3A_1118, %mul3A_1194 : vector<16xf32>
        %mul3A_1196 = arith.mulf %gather3A_1191, %gather3A_1183 : vector<16xf32>
        %add3A_1197 = arith.addf %scan3A_1119, %mul3A_1196 : vector<16xf32>
        %gather3A_1198 = tpu.vector_load_idx %arg13[%add3A_625, %add3A_1142] : memref<208x128xf32, #tpu.memory_space<vmem>>[vector<16xi32>, vector<16xi32>], vector<16xf32>,
        %mul3A_1199 = arith.mulf %gather3A_1198, %gather3A_1163 : vector<16xf32>
        %add3A_1200 = arith.addf %scan3A_1120, %mul3A_1199 : vector<16xf32>
        %mul3A_1201 = arith.mulf %gather3A_1198, %gather3A_1173 : vector<16xf32>
        %add3A_1202 = arith.addf %scan3A_1121, %mul3A_1201 : vector<16xf32>
        %mul3A_1203 = arith.mulf %gather3A_1198, %gather3A_1183 : vector<16xf32>
        %add3A_1204 = arith.addf %scan3A_1122, %mul3A_1203 : vector<16xf32>
        %gather3A_1205 = tpu.vector_load_idx %arg13[%add3A_628, %add3A_1142] : memref<208x128xf32, #tpu.memory_space<vmem>>[vector<16xi32>, vector<16xi32>], vector<16xf32>,
        %mul3A_1206 = arith.mulf %gather3A_1205, %gather3A_1163 : vector<16xf32>
        %add3A_1207 = arith.addf %scan3A_1123, %mul3A_1206 : vector<16xf32>
        %mul3A_1208 = arith.mulf %gather3A_1205, %gather3A_1173 : vector<16xf32>
        %add3A_1209 = arith.addf %scan3A_1124, %mul3A_1208 : vector<16xf32>
        %mul3A_1210 = arith.mulf %gather3A_1205, %gather3A_1183 : vector<16xf32>
        %add3A_1211 = arith.addf %scan3A_1125, %mul3A_1210 : vector<16xf32>
        %gather3A_1212 = tpu.vector_load_idx %arg13[%add3A_631, %add3A_1142] : memref<208x128xf32, #tpu.memory_space<vmem>>[vector<16xi32>, vector<16xi32>], vector<16xf32>,
        %mul3A_1213 = arith.mulf %gather3A_1212, %gather3A_1163 : vector<16xf32>
        %add3A_1214 = arith.addf %scan3A_1126, %mul3A_1213 : vector<16xf32>
        %mul3A_1215 = arith.mulf %gather3A_1212, %gather3A_1173 : vector<16xf32>
        %add3A_1216 = arith.addf %scan3A_1127, %mul3A_1215 : vector<16xf32>
        %mul3A_1217 = arith.mulf %gather3A_1212, %gather3A_1183 : vector<16xf32>
        %add3A_1218 = arith.addf %scan3A_1128, %mul3A_1217 : vector<16xf32>
        %gather3A_1219 = tpu.vector_load_idx %arg13[%add3A_634, %add3A_1142] : memref<208x128xf32, #tpu.memory_space<vmem>>[vector<16xi32>, vector<16xi32>], vector<16xf32>,
        %mul3A_1220 = arith.mulf %gather3A_1219, %gather3A_1163 : vector<16xf32>
        %add3A_1221 = arith.addf %scan3A_1129, %mul3A_1220 : vector<16xf32>
        %mul3A_1222 = arith.mulf %gather3A_1219, %gather3A_1173 : vector<16xf32>
        %add3A_1223 = arith.addf %scan3A_1130, %mul3A_1222 : vector<16xf32>
        %mul3A_1224 = arith.mulf %gather3A_1219, %gather3A_1183 : vector<16xf32>
        %add3A_1225 = arith.addf %scan3A_1131, %mul3A_1224 : vector<16xf32>
        %gather3A_1226 = tpu.vector_load_idx %arg13[%add3A_637, %add3A_1142] : memref<208x128xf32, #tpu.memory_space<vmem>>[vector<16xi32>, vector<16xi32>], vector<16xf32>,
        %mul3A_1227 = arith.mulf %gather3A_1226, %gather3A_1163 : vector<16xf32>
        %add3A_1228 = arith.addf %scan3A_1132, %mul3A_1227 : vector<16xf32>
        %mul3A_1229 = arith.mulf %gather3A_1226, %gather3A_1173 : vector<16xf32>
        %add3A_1230 = arith.addf %scan3A_1133, %mul3A_1229 : vector<16xf32>
        %mul3A_1231 = arith.mulf %gather3A_1226, %gather3A_1183 : vector<16xf32>
        %add3A_1232 = arith.addf %scan3A_1134, %mul3A_1231 : vector<16xf32>
        %scan3A_1233 = arith.constant 1 : i32
        %scan3A_1234 = arith.addi %scan3A_1113, %scan3A_1233 : i32
        %and3A_1235 = arith.constant -16 : i32
        %and3A_1236 = arith.andi %scan3A_1234, %and3A_1235 : i32
        %add3A_1237 = vector.broadcast %scan3A_1234 : i32 to vector<16xi32>
        %add3A_1238 = arith.addi %iota3A, %add3A_1237 : vector<16xi32>
        %and3A_1239 = arith.constant 15 : i32
        %and3A_1240 = vector.broadcast %and3A_1239 : i32 to vector<16xi32>
        %and3A_1241 = arith.andi %add3A_1238, %and3A_1240 : vector<16xi32>
        %add3A_1242 = vector.broadcast %and3A_1236 : i32 to vector<16xi32>
        %add3A_1243 = arith.addi %and3A_1241, %add3A_1242 : vector<16xi32>
        %add3A_1244 = arith.addi %mul3A_616, %and3A_1236 : i32
        %get3A_1245 = arith.index_cast %add3A_1244 : i32 to index
        %get3A_1246 = tpu.vector_load %arg11[%get3A_1245] {strides = array<i32>} : memref<12288xf32, #tpu.memory_space<vmem>>, vector<16xf32>,
        %add3A_1247 = arith.constant 128 : i32
        %add3A_1248 = arith.addi %mul3A_616, %add3A_1247 : i32
        %add3A_1249 = arith.addi %add3A_1248, %and3A_1236 : i32
        %get3A_1250 = arith.index_cast %add3A_1249 : i32 to index
        %get3A_1251 = tpu.vector_load %arg11[%get3A_1250] {strides = array<i32>} : memref<12288xf32, #tpu.memory_space<vmem>>, vector<16xf32>,
        %add3A_1252 = arith.constant 256 : i32
        %add3A_1253 = arith.addi %mul3A_616, %add3A_1252 : i32
        %add3A_1254 = arith.addi %add3A_1253, %and3A_1236 : i32
        %get3A_1255 = arith.index_cast %add3A_1254 : i32 to index
        %get3A_1256 = tpu.vector_load %arg11[%get3A_1255] {strides = array<i32>} : memref<12288xf32, #tpu.memory_space<vmem>>, vector<16xf32>,
        %lt3A_1257 = arith.constant 0 : i32
        %lt3A_1258 = vector.broadcast %lt3A_1257 : i32 to vector<16xi32>
        %lt3A_1259 = arith.cmpi slt, %and3A_1241, %lt3A_1258 : vector<16xi32>
        %add3A_1260 = arith.constant 16 : i32
        %add3A_1261 = vector.broadcast %add3A_1260 : i32 to vector<16xi32>
        %add3A_1262 = arith.addi %and3A_1241, %add3A_1261 : vector<16xi32>
        %select_n3A_1263 = arith.select %lt3A_1259, %add3A_1262, %and3A_1241 : vector<16xi1>, vector<16xi32>
        %broadcast_in_dim3A_1264 = vector.shape_cast %select_n3A_1263 : vector<16xi32> to vector<16x1xi32>
        %gather3A_1265 = vector.shape_cast %broadcast_in_dim3A_1264 : vector<16x1xi32> to vector<16xi32>
        %gather3A_1266 = tpu.dynamic_gather %get3A_1246[%gather3A_1265] in [0] : vector<16xf32>, vector<16xi32> -> vector<16xf32>
        %lt3A_1267 = arith.constant 0 : i32
        %lt3A_1268 = vector.broadcast %lt3A_1267 : i32 to vector<16xi32>
        %lt3A_1269 = arith.cmpi slt, %and3A_1241, %lt3A_1268 : vector<16xi32>
        %add3A_1270 = arith.constant 16 : i32
        %add3A_1271 = vector.broadcast %add3A_1270 : i32 to vector<16xi32>
        %add3A_1272 = arith.addi %and3A_1241, %add3A_1271 : vector<16xi32>
        %select_n3A_1273 = arith.select %lt3A_1269, %add3A_1272, %and3A_1241 : vector<16xi1>, vector<16xi32>
        %broadcast_in_dim3A_1274 = vector.shape_cast %select_n3A_1273 : vector<16xi32> to vector<16x1xi32>
        %gather3A_1275 = vector.shape_cast %broadcast_in_dim3A_1274 : vector<16x1xi32> to vector<16xi32>
        %gather3A_1276 = tpu.dynamic_gather %get3A_1251[%gather3A_1275] in [0] : vector<16xf32>, vector<16xi32> -> vector<16xf32>
        %lt3A_1277 = arith.constant 0 : i32
        %lt3A_1278 = vector.broadcast %lt3A_1277 : i32 to vector<16xi32>
        %lt3A_1279 = arith.cmpi slt, %and3A_1241, %lt3A_1278 : vector<16xi32>
        %add3A_1280 = arith.constant 16 : i32
        %add3A_1281 = vector.broadcast %add3A_1280 : i32 to vector<16xi32>
        %add3A_1282 = arith.addi %and3A_1241, %add3A_1281 : vector<16xi32>
        %select_n3A_1283 = arith.select %lt3A_1279, %add3A_1282, %and3A_1241 : vector<16xi1>, vector<16xi32>
        %broadcast_in_dim3A_1284 = vector.shape_cast %select_n3A_1283 : vector<16xi32> to vector<16x1xi32>
        %gather3A_1285 = vector.shape_cast %broadcast_in_dim3A_1284 : vector<16x1xi32> to vector<16xi32>
        %gather3A_1286 = tpu.dynamic_gather %get3A_1256[%gather3A_1285] in [0] : vector<16xf32>, vector<16xi32> -> vector<16xf32>
        %gather3A_1287 = tpu.vector_load_idx %arg13[%add3A_619, %add3A_1243] : memref<208x128xf32, #tpu.memory_space<vmem>>[vector<16xi32>, vector<16xi32>], vector<16xf32>,
        %mul3A_1288 = arith.mulf %gather3A_1287, %gather3A_1266 : vector<16xf32>
        %add3A_1289 = arith.addf %add3A_1186, %mul3A_1288 : vector<16xf32>
        %mul3A_1290 = arith.mulf %gather3A_1287, %gather3A_1276 : vector<16xf32>
        %add3A_1291 = arith.addf %add3A_1188, %mul3A_1290 : vector<16xf32>
        %mul3A_1292 = arith.mulf %gather3A_1287, %gather3A_1286 : vector<16xf32>
        %add3A_1293 = arith.addf %add3A_1190, %mul3A_1292 : vector<16xf32>
        %gather3A_1294 = tpu.vector_load_idx %arg13[%add3A_622, %add3A_1243] : memref<208x128xf32, #tpu.memory_space<vmem>>[vector<16xi32>, vector<16xi32>], vector<16xf32>,
        %mul3A_1295 = arith.mulf %gather3A_1294, %gather3A_1266 : vector<16xf32>
        %add3A_1296 = arith.addf %add3A_1193, %mul3A_1295 : vector<16xf32>
        %mul3A_1297 = arith.mulf %gather3A_1294, %gather3A_1276 : vector<16xf32>
        %add3A_1298 = arith.addf %add3A_1195, %mul3A_1297 : vector<16xf32>
        %mul3A_1299 = arith.mulf %gather3A_1294, %gather3A_1286 : vector<16xf32>
        %add3A_1300 = arith.addf %add3A_1197, %mul3A_1299 : vector<16xf32>
        %gather3A_1301 = tpu.vector_load_idx %arg13[%add3A_625, %add3A_1243] : memref<208x128xf32, #tpu.memory_space<vmem>>[vector<16xi32>, vector<16xi32>], vector<16xf32>,
        %mul3A_1302 = arith.mulf %gather3A_1301, %gather3A_1266 : vector<16xf32>
        %add3A_1303 = arith.addf %add3A_1200, %mul3A_1302 : vector<16xf32>
        %mul3A_1304 = arith.mulf %gather3A_1301, %gather3A_1276 : vector<16xf32>
        %add3A_1305 = arith.addf %add3A_1202, %mul3A_1304 : vector<16xf32>
        %mul3A_1306 = arith.mulf %gather3A_1301, %gather3A_1286 : vector<16xf32>
        %add3A_1307 = arith.addf %add3A_1204, %mul3A_1306 : vector<16xf32>
        %gather3A_1308 = tpu.vector_load_idx %arg13[%add3A_628, %add3A_1243] : memref<208x128xf32, #tpu.memory_space<vmem>>[vector<16xi32>, vector<16xi32>], vector<16xf32>,
        %mul3A_1309 = arith.mulf %gather3A_1308, %gather3A_1266 : vector<16xf32>
        %add3A_1310 = arith.addf %add3A_1207, %mul3A_1309 : vector<16xf32>
        %mul3A_1311 = arith.mulf %gather3A_1308, %gather3A_1276 : vector<16xf32>
        %add3A_1312 = arith.addf %add3A_1209, %mul3A_1311 : vector<16xf32>
        %mul3A_1313 = arith.mulf %gather3A_1308, %gather3A_1286 : vector<16xf32>
        %add3A_1314 = arith.addf %add3A_1211, %mul3A_1313 : vector<16xf32>
        %gather3A_1315 = tpu.vector_load_idx %arg13[%add3A_631, %add3A_1243] : memref<208x128xf32, #tpu.memory_space<vmem>>[vector<16xi32>, vector<16xi32>], vector<16xf32>,
        %mul3A_1316 = arith.mulf %gather3A_1315, %gather3A_1266 : vector<16xf32>
        %add3A_1317 = arith.addf %add3A_1214, %mul3A_1316 : vector<16xf32>
        %mul3A_1318 = arith.mulf %gather3A_1315, %gather3A_1276 : vector<16xf32>
        %add3A_1319 = arith.addf %add3A_1216, %mul3A_1318 : vector<16xf32>
        %mul3A_1320 = arith.mulf %gather3A_1315, %gather3A_1286 : vector<16xf32>
        %add3A_1321 = arith.addf %add3A_1218, %mul3A_1320 : vector<16xf32>
        %gather3A_1322 = tpu.vector_load_idx %arg13[%add3A_634, %add3A_1243] : memref<208x128xf32, #tpu.memory_space<vmem>>[vector<16xi32>, vector<16xi32>], vector<16xf32>,
        %mul3A_1323 = arith.mulf %gather3A_1322, %gather3A_1266 : vector<16xf32>
        %add3A_1324 = arith.addf %add3A_1221, %mul3A_1323 : vector<16xf32>
        %mul3A_1325 = arith.mulf %gather3A_1322, %gather3A_1276 : vector<16xf32>
        %add3A_1326 = arith.addf %add3A_1223, %mul3A_1325 : vector<16xf32>
        %mul3A_1327 = arith.mulf %gather3A_1322, %gather3A_1286 : vector<16xf32>
        %add3A_1328 = arith.addf %add3A_1225, %mul3A_1327 : vector<16xf32>
        %gather3A_1329 = tpu.vector_load_idx %arg13[%add3A_637, %add3A_1243] : memref<208x128xf32, #tpu.memory_space<vmem>>[vector<16xi32>, vector<16xi32>], vector<16xf32>,
        %mul3A_1330 = arith.mulf %gather3A_1329, %gather3A_1266 : vector<16xf32>
        %add3A_1331 = arith.addf %add3A_1228, %mul3A_1330 : vector<16xf32>
        %mul3A_1332 = arith.mulf %gather3A_1329, %gather3A_1276 : vector<16xf32>
        %add3A_1333 = arith.addf %add3A_1230, %mul3A_1332 : vector<16xf32>
        %mul3A_1334 = arith.mulf %gather3A_1329, %gather3A_1286 : vector<16xf32>
        %add3A_1335 = arith.addf %add3A_1232, %mul3A_1334 : vector<16xf32>
        scf.yield %add3A_1289, %add3A_1291, %add3A_1293, %add3A_1296, %add3A_1298, %add3A_1300, %add3A_1303, %add3A_1305, %add3A_1307, %add3A_1310, %add3A_1312, %add3A_1314, %add3A_1317, %add3A_1319, %add3A_1321, %add3A_1324, %add3A_1326, %add3A_1328, %add3A_1331, %add3A_1333, %add3A_1335 : vector<16xf32>, vector<16xf32>, vector<16xf32>, vector<16xf32>, vector<16xf32>, vector<16xf32>, vector<16xf32>, vector<16xf32>, vector<16xf32>, vector<16xf32>, vector<16xf32>, vector<16xf32>, vector<16xf32>, vector<16xf32>, vector<16xf32>, vector<16xf32>, vector<16xf32>, vector<16xf32>, vector<16xf32>, vector<16xf32>, vector<16xf32>
      }
      %scan3A_685 = arith.constant 128 : i32
      %get3A_686 = arith.constant 0 : index
      %get3A_687 = tpu.vector_load %arg15[%get3A_686] {strides = array<i32>} : memref<208xf32, #tpu.memory_space<vmem>>, vector<16xf32>,
      %get3A_688 = arith.constant 0 : index
      %get3A_689 = tpu.vector_load %arg17[%get3A_688] {strides = array<i32>} : memref<208xf32, #tpu.memory_space<vmem>>, vector<16xf32>,
      %get3A_690 = arith.constant 0 : index
      %get3A_691 = tpu.vector_load %arg19[%get3A_690] {strides = array<i32>} : memref<208xf32, #tpu.memory_space<vmem>>, vector<16xf32>,
      %max3A_692 = arith.maximumf %get3A_687, %get3A_689 : vector<16xf32>
      %max3A_693 = arith.maximumf %max3A_692, %get3A_691 : vector<16xf32>
      %sub3A_694 = arith.subf %get3A_687, %max3A_693 : vector<16xf32>
      %exp3A_695 = math.exp %sub3A_694 : vector<16xf32>
      %sub3A_696 = arith.subf %get3A_689, %max3A_693 : vector<16xf32>
      %exp3A_697 = math.exp %sub3A_696 : vector<16xf32>
      %sub3A_698 = arith.subf %get3A_691, %max3A_693 : vector<16xf32>
      %exp3A_699 = math.exp %sub3A_698 : vector<16xf32>
      %add3A_700 = arith.addf %exp3A_695, %exp3A_697 : vector<16xf32>
      %add3A_701 = arith.addf %add3A_700, %exp3A_699 : vector<16xf32>
      %mul3A_702 = arith.mulf %scan3A_684#0, %exp3A_695 : vector<16xf32>
      %mul3A_703 = arith.mulf %scan3A_684#1, %exp3A_697 : vector<16xf32>
      %add3A_704 = arith.addf %mul3A_702, %mul3A_703 : vector<16xf32>
      %mul3A_705 = arith.mulf %scan3A_684#2, %exp3A_699 : vector<16xf32>
      %add3A_706 = arith.addf %add3A_704, %mul3A_705 : vector<16xf32>
      %div3A_707 = arith.divf %add3A_706, %add3A_701 : vector<16xf32>
      %get3A_708 = arith.constant 0 : index
      %get3A_709 = tpu.vector_load %arg21[%get3A_708] {strides = array<i32>} : memref<208xf32, #tpu.memory_space<vmem>>, vector<16xf32>,
      %add3A_710 = arith.addf %div3A_707, %get3A_709 : vector<16xf32>
      %swap3A_711 = arith.constant 0 : index
      %swap3A_712 = tpu.vector_load %arg23[%swap3A_711] {strides = array<i32>} : memref<208xf32, #tpu.memory_space<vmem>>, vector<16xf32>,
      tpu.vector_store %arg23[%swap3A_711], %add3A_710 {strides = array<i32>} : memref<208xf32, #tpu.memory_space<vmem>>, vector<16xf32>,
      %get3A_713 = arith.constant 16 : index
      %get3A_714 = tpu.vector_load %arg15[%get3A_713] {strides = array<i32>} : memref<208xf32, #tpu.memory_space<vmem>>, vector<16xf32>,
      %get3A_715 = arith.constant 16 : index
      %get3A_716 = tpu.vector_load %arg17[%get3A_715] {strides = array<i32>} : memref<208xf32, #tpu.memory_space<vmem>>, vector<16xf32>,
      %get3A_717 = arith.constant 16 : index
      %get3A_718 = tpu.vector_load %arg19[%get3A_717] {strides = array<i32>} : memref<208xf32, #tpu.memory_space<vmem>>, vector<16xf32>,
      %max3A_719 = arith.maximumf %get3A_714, %get3A_716 : vector<16xf32>
      %max3A_720 = arith.maximumf %max3A_719, %get3A_718 : vector<16xf32>
      %sub3A_721 = arith.subf %get3A_714, %max3A_720 : vector<16xf32>
      %exp3A_722 = math.exp %sub3A_721 : vector<16xf32>
      %sub3A_723 = arith.subf %get3A_716, %max3A_720 : vector<16xf32>
      %exp3A_724 = math.exp %sub3A_723 : vector<16xf32>
      %sub3A_725 = arith.subf %get3A_718, %max3A_720 : vector<16xf32>
      %exp3A_726 = math.exp %sub3A_725 : vector<16xf32>
      %add3A_727 = arith.addf %exp3A_722, %exp3A_724 : vector<16xf32>
      %add3A_728 = arith.addf %add3A_727, %exp3A_726 : vector<16xf32>
      %mul3A_729 = arith.mulf %scan3A_684#3, %exp3A_722 : vector<16xf32>
      %mul3A_730 = arith.mulf %scan3A_684#4, %exp3A_724 : vector<16xf32>
      %add3A_731 = arith.addf %mul3A_729, %mul3A_730 : vector<16xf32>
      %mul3A_732 = arith.mulf %scan3A_684#5, %exp3A_726 : vector<16xf32>
      %add3A_733 = arith.addf %add3A_731, %mul3A_732 : vector<16xf32>
      %div3A_734 = arith.divf %add3A_733, %add3A_728 : vector<16xf32>
      %get3A_735 = arith.constant 16 : index
      %get3A_736 = tpu.vector_load %arg21[%get3A_735] {strides = array<i32>} : memref<208xf32, #tpu.memory_space<vmem>>, vector<16xf32>,
      %add3A_737 = arith.addf %div3A_734, %get3A_736 : vector<16xf32>
      %swap3A_738 = arith.constant 16 : index
      %swap3A_739 = tpu.vector_load %arg23[%swap3A_738] {strides = array<i32>} : memref<208xf32, #tpu.memory_space<vmem>>, vector<16xf32>,
      tpu.vector_store %arg23[%swap3A_738], %add3A_737 {strides = array<i32>} : memref<208xf32, #tpu.memory_space<vmem>>, vector<16xf32>,
      %get3A_740 = arith.constant 32 : index
      %get3A_741 = tpu.vector_load %arg15[%get3A_740] {strides = array<i32>} : memref<208xf32, #tpu.memory_space<vmem>>, vector<16xf32>,
      %get3A_742 = arith.constant 32 : index
      %get3A_743 = tpu.vector_load %arg17[%get3A_742] {strides = array<i32>} : memref<208xf32, #tpu.memory_space<vmem>>, vector<16xf32>,
      %get3A_744 = arith.constant 32 : index
      %get3A_745 = tpu.vector_load %arg19[%get3A_744] {strides = array<i32>} : memref<208xf32, #tpu.memory_space<vmem>>, vector<16xf32>,
      %max3A_746 = arith.maximumf %get3A_741, %get3A_743 : vector<16xf32>
      %max3A_747 = arith.maximumf %max3A_746, %get3A_745 : vector<16xf32>
      %sub3A_748 = arith.subf %get3A_741, %max3A_747 : vector<16xf32>
      %exp3A_749 = math.exp %sub3A_748 : vector<16xf32>
      %sub3A_750 = arith.subf %get3A_743, %max3A_747 : vector<16xf32>
      %exp3A_751 = math.exp %sub3A_750 : vector<16xf32>
      %sub3A_752 = arith.subf %get3A_745, %max3A_747 : vector<16xf32>
      %exp3A_753 = math.exp %sub3A_752 : vector<16xf32>
      %add3A_754 = arith.addf %exp3A_749, %exp3A_751 : vector<16xf32>
      %add3A_755 = arith.addf %add3A_754, %exp3A_753 : vector<16xf32>
      %mul3A_756 = arith.mulf %scan3A_684#6, %exp3A_749 : vector<16xf32>
      %mul3A_757 = arith.mulf %scan3A_684#7, %exp3A_751 : vector<16xf32>
      %add3A_758 = arith.addf %mul3A_756, %mul3A_757 : vector<16xf32>
      %mul3A_759 = arith.mulf %scan3A_684#8, %exp3A_753 : vector<16xf32>
      %add3A_760 = arith.addf %add3A_758, %mul3A_759 : vector<16xf32>
      %div3A_761 = arith.divf %add3A_760, %add3A_755 : vector<16xf32>
      %get3A_762 = arith.constant 32 : index
      %get3A_763 = tpu.vector_load %arg21[%get3A_762] {strides = array<i32>} : memref<208xf32, #tpu.memory_space<vmem>>, vector<16xf32>,
      %add3A_764 = arith.addf %div3A_761, %get3A_763 : vector<16xf32>
      %swap3A_765 = arith.constant 32 : index
      %swap3A_766 = tpu.vector_load %arg23[%swap3A_765] {strides = array<i32>} : memref<208xf32, #tpu.memory_space<vmem>>, vector<16xf32>,
      tpu.vector_store %arg23[%swap3A_765], %add3A_764 {strides = array<i32>} : memref<208xf32, #tpu.memory_space<vmem>>, vector<16xf32>,
      %get3A_767 = arith.constant 48 : index
      %get3A_768 = tpu.vector_load %arg15[%get3A_767] {strides = array<i32>} : memref<208xf32, #tpu.memory_space<vmem>>, vector<16xf32>,
      %get3A_769 = arith.constant 48 : index
      %get3A_770 = tpu.vector_load %arg17[%get3A_769] {strides = array<i32>} : memref<208xf32, #tpu.memory_space<vmem>>, vector<16xf32>,
      %get3A_771 = arith.constant 48 : index
      %get3A_772 = tpu.vector_load %arg19[%get3A_771] {strides = array<i32>} : memref<208xf32, #tpu.memory_space<vmem>>, vector<16xf32>,
      %max3A_773 = arith.maximumf %get3A_768, %get3A_770 : vector<16xf32>
      %max3A_774 = arith.maximumf %max3A_773, %get3A_772 : vector<16xf32>
      %sub3A_775 = arith.subf %get3A_768, %max3A_774 : vector<16xf32>
      %exp3A_776 = math.exp %sub3A_775 : vector<16xf32>
      %sub3A_777 = arith.subf %get3A_770, %max3A_774 : vector<16xf32>
      %exp3A_778 = math.exp %sub3A_777 : vector<16xf32>
      %sub3A_779 = arith.subf %get3A_772, %max3A_774 : vector<16xf32>
      %exp3A_780 = math.exp %sub3A_779 : vector<16xf32>
      %add3A_781 = arith.addf %exp3A_776, %exp3A_778 : vector<16xf32>
      %add3A_782 = arith.addf %add3A_781, %exp3A_780 : vector<16xf32>
      %mul3A_783 = arith.mulf %scan3A_684#9, %exp3A_776 : vector<16xf32>
      %mul3A_784 = arith.mulf %scan3A_684#10, %exp3A_778 : vector<16xf32>
      %add3A_785 = arith.addf %mul3A_783, %mul3A_784 : vector<16xf32>
      %mul3A_786 = arith.mulf %scan3A_684#11, %exp3A_780 : vector<16xf32>
      %add3A_787 = arith.addf %add3A_785, %mul3A_786 : vector<16xf32>
      %div3A_788 = arith.divf %add3A_787, %add3A_782 : vector<16xf32>
      %get3A_789 = arith.constant 48 : index
      %get3A_790 = tpu.vector_load %arg21[%get3A_789] {strides = array<i32>} : memref<208xf32, #tpu.memory_space<vmem>>, vector<16xf32>,
      %add3A_791 = arith.addf %div3A_788, %get3A_790 : vector<16xf32>
      %swap3A_792 = arith.constant 48 : index
      %swap3A_793 = tpu.vector_load %arg23[%swap3A_792] {strides = array<i32>} : memref<208xf32, #tpu.memory_space<vmem>>, vector<16xf32>,
      tpu.vector_store %arg23[%swap3A_792], %add3A_791 {strides = array<i32>} : memref<208xf32, #tpu.memory_space<vmem>>, vector<16xf32>,
      %get3A_794 = arith.constant 64 : index
      %get3A_795 = tpu.vector_load %arg15[%get3A_794] {strides = array<i32>} : memref<208xf32, #tpu.memory_space<vmem>>, vector<16xf32>,
      %get3A_796 = arith.constant 64 : index
      %get3A_797 = tpu.vector_load %arg17[%get3A_796] {strides = array<i32>} : memref<208xf32, #tpu.memory_space<vmem>>, vector<16xf32>,
      %get3A_798 = arith.constant 64 : index
      %get3A_799 = tpu.vector_load %arg19[%get3A_798] {strides = array<i32>} : memref<208xf32, #tpu.memory_space<vmem>>, vector<16xf32>,
      %max3A_800 = arith.maximumf %get3A_795, %get3A_797 : vector<16xf32>
      %max3A_801 = arith.maximumf %max3A_800, %get3A_799 : vector<16xf32>
      %sub3A_802 = arith.subf %get3A_795, %max3A_801 : vector<16xf32>
      %exp3A_803 = math.exp %sub3A_802 : vector<16xf32>
      %sub3A_804 = arith.subf %get3A_797, %max3A_801 : vector<16xf32>
      %exp3A_805 = math.exp %sub3A_804 : vector<16xf32>
      %sub3A_806 = arith.subf %get3A_799, %max3A_801 : vector<16xf32>
      %exp3A_807 = math.exp %sub3A_806 : vector<16xf32>
      %add3A_808 = arith.addf %exp3A_803, %exp3A_805 : vector<16xf32>
      %add3A_809 = arith.addf %add3A_808, %exp3A_807 : vector<16xf32>
      %mul3A_810 = arith.mulf %scan3A_684#12, %exp3A_803 : vector<16xf32>
      %mul3A_811 = arith.mulf %scan3A_684#13, %exp3A_805 : vector<16xf32>
      %add3A_812 = arith.addf %mul3A_810, %mul3A_811 : vector<16xf32>
      %mul3A_813 = arith.mulf %scan3A_684#14, %exp3A_807 : vector<16xf32>
      %add3A_814 = arith.addf %add3A_812, %mul3A_813 : vector<16xf32>
      %div3A_815 = arith.divf %add3A_814, %add3A_809 : vector<16xf32>
      %get3A_816 = arith.constant 64 : index
      %get3A_817 = tpu.vector_load %arg21[%get3A_816] {strides = array<i32>} : memref<208xf32, #tpu.memory_space<vmem>>, vector<16xf32>,
      %add3A_818 = arith.addf %div3A_815, %get3A_817 : vector<16xf32>
      %swap3A_819 = arith.constant 64 : index
      %swap3A_820 = tpu.vector_load %arg23[%swap3A_819] {strides = array<i32>} : memref<208xf32, #tpu.memory_space<vmem>>, vector<16xf32>,
      tpu.vector_store %arg23[%swap3A_819], %add3A_818 {strides = array<i32>} : memref<208xf32, #tpu.memory_space<vmem>>, vector<16xf32>,
      %get3A_821 = arith.constant 80 : index
      %get3A_822 = tpu.vector_load %arg15[%get3A_821] {strides = array<i32>} : memref<208xf32, #tpu.memory_space<vmem>>, vector<16xf32>,
      %get3A_823 = arith.constant 80 : index
      %get3A_824 = tpu.vector_load %arg17[%get3A_823] {strides = array<i32>} : memref<208xf32, #tpu.memory_space<vmem>>, vector<16xf32>,
      %get3A_825 = arith.constant 80 : index
      %get3A_826 = tpu.vector_load %arg19[%get3A_825] {strides = array<i32>} : memref<208xf32, #tpu.memory_space<vmem>>, vector<16xf32>,
      %max3A_827 = arith.maximumf %get3A_822, %get3A_824 : vector<16xf32>
      %max3A_828 = arith.maximumf %max3A_827, %get3A_826 : vector<16xf32>
      %sub3A_829 = arith.subf %get3A_822, %max3A_828 : vector<16xf32>
      %exp3A_830 = math.exp %sub3A_829 : vector<16xf32>
      %sub3A_831 = arith.subf %get3A_824, %max3A_828 : vector<16xf32>
      %exp3A_832 = math.exp %sub3A_831 : vector<16xf32>
      %sub3A_833 = arith.subf %get3A_826, %max3A_828 : vector<16xf32>
      %exp3A_834 = math.exp %sub3A_833 : vector<16xf32>
      %add3A_835 = arith.addf %exp3A_830, %exp3A_832 : vector<16xf32>
      %add3A_836 = arith.addf %add3A_835, %exp3A_834 : vector<16xf32>
      %mul3A_837 = arith.mulf %scan3A_684#15, %exp3A_830 : vector<16xf32>
      %mul3A_838 = arith.mulf %scan3A_684#16, %exp3A_832 : vector<16xf32>
      %add3A_839 = arith.addf %mul3A_837, %mul3A_838 : vector<16xf32>
      %mul3A_840 = arith.mulf %scan3A_684#17, %exp3A_834 : vector<16xf32>
      %add3A_841 = arith.addf %add3A_839, %mul3A_840 : vector<16xf32>
      %div3A_842 = arith.divf %add3A_841, %add3A_836 : vector<16xf32>
      %get3A_843 = arith.constant 80 : index
      %get3A_844 = tpu.vector_load %arg21[%get3A_843] {strides = array<i32>} : memref<208xf32, #tpu.memory_space<vmem>>, vector<16xf32>,
      %add3A_845 = arith.addf %div3A_842, %get3A_844 : vector<16xf32>
      %swap3A_846 = arith.constant 80 : index
      %swap3A_847 = tpu.vector_load %arg23[%swap3A_846] {strides = array<i32>} : memref<208xf32, #tpu.memory_space<vmem>>, vector<16xf32>,
      tpu.vector_store %arg23[%swap3A_846], %add3A_845 {strides = array<i32>} : memref<208xf32, #tpu.memory_space<vmem>>, vector<16xf32>,
      %get3A_848 = arith.constant 96 : index
      %get3A_849 = tpu.vector_load %arg15[%get3A_848] {strides = array<i32>} : memref<208xf32, #tpu.memory_space<vmem>>, vector<16xf32>,
      %get3A_850 = arith.constant 96 : index
      %get3A_851 = tpu.vector_load %arg17[%get3A_850] {strides = array<i32>} : memref<208xf32, #tpu.memory_space<vmem>>, vector<16xf32>,
      %get3A_852 = arith.constant 96 : index
      %get3A_853 = tpu.vector_load %arg19[%get3A_852] {strides = array<i32>} : memref<208xf32, #tpu.memory_space<vmem>>, vector<16xf32>,
      %max3A_854 = arith.maximumf %get3A_849, %get3A_851 : vector<16xf32>
      %max3A_855 = arith.maximumf %max3A_854, %get3A_853 : vector<16xf32>
      %sub3A_856 = arith.subf %get3A_849, %max3A_855 : vector<16xf32>
      %exp3A_857 = math.exp %sub3A_856 : vector<16xf32>
      %sub3A_858 = arith.subf %get3A_851, %max3A_855 : vector<16xf32>
      %exp3A_859 = math.exp %sub3A_858 : vector<16xf32>
      %sub3A_860 = arith.subf %get3A_853, %max3A_855 : vector<16xf32>
      %exp3A_861 = math.exp %sub3A_860 : vector<16xf32>
      %add3A_862 = arith.addf %exp3A_857, %exp3A_859 : vector<16xf32>
      %add3A_863 = arith.addf %add3A_862, %exp3A_861 : vector<16xf32>
      %mul3A_864 = arith.mulf %scan3A_684#18, %exp3A_857 : vector<16xf32>
      %mul3A_865 = arith.mulf %scan3A_684#19, %exp3A_859 : vector<16xf32>
      %add3A_866 = arith.addf %mul3A_864, %mul3A_865 : vector<16xf32>
      %mul3A_867 = arith.mulf %scan3A_684#20, %exp3A_861 : vector<16xf32>
      %add3A_868 = arith.addf %add3A_866, %mul3A_867 : vector<16xf32>
      %div3A_869 = arith.divf %add3A_868, %add3A_863 : vector<16xf32>
      %get3A_870 = arith.constant 96 : index
      %get3A_871 = tpu.vector_load %arg21[%get3A_870] {strides = array<i32>} : memref<208xf32, #tpu.memory_space<vmem>>, vector<16xf32>,
      %add3A_872 = arith.addf %div3A_869, %get3A_871 : vector<16xf32>
      %swap3A_873 = arith.constant 96 : index
      %swap3A_874 = tpu.vector_load %arg23[%swap3A_873] {strides = array<i32>} : memref<208xf32, #tpu.memory_space<vmem>>, vector<16xf32>,
      tpu.vector_store %arg23[%swap3A_873], %add3A_872 {strides = array<i32>} : memref<208xf32, #tpu.memory_space<vmem>>, vector<16xf32>,
      %add3A_875 = arith.constant 112 : i32
      %add3A_876 = vector.broadcast %add3A_875 : i32 to vector<16xi32>
      %add3A_877 = arith.addi %iota3A, %add3A_876 : vector<16xi32>
      %add3A_878 = arith.constant 128 : i32
      %add3A_879 = vector.broadcast %add3A_878 : i32 to vector<16xi32>
      %add3A_880 = arith.addi %iota3A, %add3A_879 : vector<16xi32>
      %add3A_881 = arith.constant 144 : i32
      %add3A_882 = vector.broadcast %add3A_881 : i32 to vector<16xi32>
      %add3A_883 = arith.addi %iota3A, %add3A_882 : vector<16xi32>
      %add3A_884 = arith.constant 160 : i32
      %add3A_885 = vector.broadcast %add3A_884 : i32 to vector<16xi32>
      %add3A_886 = arith.addi %iota3A, %add3A_885 : vector<16xi32>
      %add3A_887 = arith.constant 176 : i32
      %add3A_888 = vector.broadcast %add3A_887 : i32 to vector<16xi32>
      %add3A_889 = arith.addi %iota3A, %add3A_888 : vector<16xi32>
      %add3A_890 = arith.constant 192 : i32
      %add3A_891 = vector.broadcast %add3A_890 : i32 to vector<16xi32>
      %add3A_892 = arith.addi %iota3A, %add3A_891 : vector<16xi32>
      %broadcast_in_dim3A_893 = arith.constant 0.000000e+00 : f32
      %broadcast_in_dim3A_894 = vector.broadcast %broadcast_in_dim3A_893 : f32 to vector<16xf32>
      %broadcast_in_dim3A_895 = arith.constant 0.000000e+00 : f32
      %broadcast_in_dim3A_896 = vector.broadcast %broadcast_in_dim3A_895 : f32 to vector<16xf32>
      %broadcast_in_dim3A_897 = arith.constant 0.000000e+00 : f32
      %broadcast_in_dim3A_898 = vector.broadcast %broadcast_in_dim3A_897 : f32 to vector<16xf32>
      %broadcast_in_dim3A_899 = arith.constant 0.000000e+00 : f32
      %broadcast_in_dim3A_900 = vector.broadcast %broadcast_in_dim3A_899 : f32 to vector<16xf32>
      %broadcast_in_dim3A_901 = arith.constant 0.000000e+00 : f32
      %broadcast_in_dim3A_902 = vector.broadcast %broadcast_in_dim3A_901 : f32 to vector<16xf32>
      %broadcast_in_dim3A_903 = arith.constant 0.000000e+00 : f32
      %broadcast_in_dim3A_904 = vector.broadcast %broadcast_in_dim3A_903 : f32 to vector<16xf32>
      %broadcast_in_dim3A_905 = arith.constant 0.000000e+00 : f32
      %broadcast_in_dim3A_906 = vector.broadcast %broadcast_in_dim3A_905 : f32 to vector<16xf32>
      %broadcast_in_dim3A_907 = arith.constant 0.000000e+00 : f32
      %broadcast_in_dim3A_908 = vector.broadcast %broadcast_in_dim3A_907 : f32 to vector<16xf32>
      %broadcast_in_dim3A_909 = arith.constant 0.000000e+00 : f32
      %broadcast_in_dim3A_910 = vector.broadcast %broadcast_in_dim3A_909 : f32 to vector<16xf32>
      %broadcast_in_dim3A_911 = arith.constant 0.000000e+00 : f32
      %broadcast_in_dim3A_912 = vector.broadcast %broadcast_in_dim3A_911 : f32 to vector<16xf32>
      %broadcast_in_dim3A_913 = arith.constant 0.000000e+00 : f32
      %broadcast_in_dim3A_914 = vector.broadcast %broadcast_in_dim3A_913 : f32 to vector<16xf32>
      %broadcast_in_dim3A_915 = arith.constant 0.000000e+00 : f32
      %broadcast_in_dim3A_916 = vector.broadcast %broadcast_in_dim3A_915 : f32 to vector<16xf32>
      %broadcast_in_dim3A_917 = arith.constant 0.000000e+00 : f32
      %broadcast_in_dim3A_918 = vector.broadcast %broadcast_in_dim3A_917 : f32 to vector<16xf32>
      %broadcast_in_dim3A_919 = arith.constant 0.000000e+00 : f32
      %broadcast_in_dim3A_920 = vector.broadcast %broadcast_in_dim3A_919 : f32 to vector<16xf32>
      %broadcast_in_dim3A_921 = arith.constant 0.000000e+00 : f32
      %broadcast_in_dim3A_922 = vector.broadcast %broadcast_in_dim3A_921 : f32 to vector<16xf32>
      %broadcast_in_dim3A_923 = arith.constant 0.000000e+00 : f32
      %broadcast_in_dim3A_924 = vector.broadcast %broadcast_in_dim3A_923 : f32 to vector<16xf32>
      %broadcast_in_dim3A_925 = arith.constant 0.000000e+00 : f32
      %broadcast_in_dim3A_926 = vector.broadcast %broadcast_in_dim3A_925 : f32 to vector<16xf32>
      %broadcast_in_dim3A_927 = arith.constant 0.000000e+00 : f32
      %broadcast_in_dim3A_928 = vector.broadcast %broadcast_in_dim3A_927 : f32 to vector<16xf32>
      %scan3A_929 = arith.constant 0 : i32
      %scan3A_930 = arith.constant 128 : i32
      %scan3A_931 = arith.addi %scan3A_929, %scan3A_930 : i32
      %scan3A_932 = arith.constant 2 : i32
      %scan3A_933:18 = scf.for %scan3A_1113 = %scan3A_929 to %scan3A_931 step %scan3A_932 iter_args(%scan3A_1114 = %broadcast_in_dim3A_894, %scan3A_1115 = %broadcast_in_dim3A_896, %scan3A_1116 = %broadcast_in_dim3A_898, %scan3A_1117 = %broadcast_in_dim3A_900, %scan3A_1118 = %broadcast_in_dim3A_902, %scan3A_1119 = %broadcast_in_dim3A_904, %scan3A_1120 = %broadcast_in_dim3A_906, %scan3A_1121 = %broadcast_in_dim3A_908, %scan3A_1122 = %broadcast_in_dim3A_910, %scan3A_1123 = %broadcast_in_dim3A_912, %scan3A_1124 = %broadcast_in_dim3A_914, %scan3A_1125 = %broadcast_in_dim3A_916, %scan3A_1126 = %broadcast_in_dim3A_918, %scan3A_1127 = %broadcast_in_dim3A_920, %scan3A_1128 = %broadcast_in_dim3A_922, %scan3A_1129 = %broadcast_in_dim3A_924, %scan3A_1130 = %broadcast_in_dim3A_926, %scan3A_1131 = %broadcast_in_dim3A_928) -> (vector<16xf32>, vector<16xf32>, vector<16xf32>, vector<16xf32>, vector<16xf32>, vector<16xf32>, vector<16xf32>, vector<16xf32>, vector<16xf32>, vector<16xf32>, vector<16xf32>, vector<16xf32>, vector<16xf32>, vector<16xf32>, vector<16xf32>, vector<16xf32>, vector<16xf32>, vector<16xf32>)  : i32 {
        %and3A = arith.constant -16 : i32
        %and3A_1132 = arith.andi %scan3A_1113, %and3A : i32
        %add3A_1133 = vector.broadcast %scan3A_1113 : i32 to vector<16xi32>
        %add3A_1134 = arith.addi %iota3A, %add3A_1133 : vector<16xi32>
        %and3A_1135 = arith.constant 15 : i32
        %and3A_1136 = vector.broadcast %and3A_1135 : i32 to vector<16xi32>
        %and3A_1137 = arith.andi %add3A_1134, %and3A_1136 : vector<16xi32>
        %add3A_1138 = vector.broadcast %and3A_1132 : i32 to vector<16xi32>
        %add3A_1139 = arith.addi %and3A_1137, %add3A_1138 : vector<16xi32>
        %add3A_1140 = arith.addi %mul3A_616, %and3A_1132 : i32
        %get3A_1141 = arith.index_cast %add3A_1140 : i32 to index
        %get3A_1142 = tpu.vector_load %arg11[%get3A_1141] {strides = array<i32>} : memref<12288xf32, #tpu.memory_space<vmem>>, vector<16xf32>,
        %add3A_1143 = arith.constant 128 : i32
        %add3A_1144 = arith.addi %mul3A_616, %add3A_1143 : i32
        %add3A_1145 = arith.addi %add3A_1144, %and3A_1132 : i32
        %get3A_1146 = arith.index_cast %add3A_1145 : i32 to index
        %get3A_1147 = tpu.vector_load %arg11[%get3A_1146] {strides = array<i32>} : memref<12288xf32, #tpu.memory_space<vmem>>, vector<16xf32>,
        %add3A_1148 = arith.constant 256 : i32
        %add3A_1149 = arith.addi %mul3A_616, %add3A_1148 : i32
        %add3A_1150 = arith.addi %add3A_1149, %and3A_1132 : i32
        %get3A_1151 = arith.index_cast %add3A_1150 : i32 to index
        %get3A_1152 = tpu.vector_load %arg11[%get3A_1151] {strides = array<i32>} : memref<12288xf32, #tpu.memory_space<vmem>>, vector<16xf32>,
        %lt3A_1153 = arith.constant 0 : i32
        %lt3A_1154 = vector.broadcast %lt3A_1153 : i32 to vector<16xi32>
        %lt3A_1155 = arith.cmpi slt, %and3A_1137, %lt3A_1154 : vector<16xi32>
        %add3A_1156 = arith.constant 16 : i32
        %add3A_1157 = vector.broadcast %add3A_1156 : i32 to vector<16xi32>
        %add3A_1158 = arith.addi %and3A_1137, %add3A_1157 : vector<16xi32>
        %select_n3A = arith.select %lt3A_1155, %add3A_1158, %and3A_1137 : vector<16xi1>, vector<16xi32>
        %broadcast_in_dim3A_1159 = vector.shape_cast %select_n3A : vector<16xi32> to vector<16x1xi32>
        %gather3A = vector.shape_cast %broadcast_in_dim3A_1159 : vector<16x1xi32> to vector<16xi32>
        %gather3A_1160 = tpu.dynamic_gather %get3A_1142[%gather3A] in [0] : vector<16xf32>, vector<16xi32> -> vector<16xf32>
        %lt3A_1161 = arith.constant 0 : i32
        %lt3A_1162 = vector.broadcast %lt3A_1161 : i32 to vector<16xi32>
        %lt3A_1163 = arith.cmpi slt, %and3A_1137, %lt3A_1162 : vector<16xi32>
        %add3A_1164 = arith.constant 16 : i32
        %add3A_1165 = vector.broadcast %add3A_1164 : i32 to vector<16xi32>
        %add3A_1166 = arith.addi %and3A_1137, %add3A_1165 : vector<16xi32>
        %select_n3A_1167 = arith.select %lt3A_1163, %add3A_1166, %and3A_1137 : vector<16xi1>, vector<16xi32>
        %broadcast_in_dim3A_1168 = vector.shape_cast %select_n3A_1167 : vector<16xi32> to vector<16x1xi32>
        %gather3A_1169 = vector.shape_cast %broadcast_in_dim3A_1168 : vector<16x1xi32> to vector<16xi32>
        %gather3A_1170 = tpu.dynamic_gather %get3A_1147[%gather3A_1169] in [0] : vector<16xf32>, vector<16xi32> -> vector<16xf32>
        %lt3A_1171 = arith.constant 0 : i32
        %lt3A_1172 = vector.broadcast %lt3A_1171 : i32 to vector<16xi32>
        %lt3A_1173 = arith.cmpi slt, %and3A_1137, %lt3A_1172 : vector<16xi32>
        %add3A_1174 = arith.constant 16 : i32
        %add3A_1175 = vector.broadcast %add3A_1174 : i32 to vector<16xi32>
        %add3A_1176 = arith.addi %and3A_1137, %add3A_1175 : vector<16xi32>
        %select_n3A_1177 = arith.select %lt3A_1173, %add3A_1176, %and3A_1137 : vector<16xi1>, vector<16xi32>
        %broadcast_in_dim3A_1178 = vector.shape_cast %select_n3A_1177 : vector<16xi32> to vector<16x1xi32>
        %gather3A_1179 = vector.shape_cast %broadcast_in_dim3A_1178 : vector<16x1xi32> to vector<16xi32>
        %gather3A_1180 = tpu.dynamic_gather %get3A_1152[%gather3A_1179] in [0] : vector<16xf32>, vector<16xi32> -> vector<16xf32>
        %gather3A_1181 = tpu.vector_load_idx %arg13[%add3A_877, %add3A_1139] : memref<208x128xf32, #tpu.memory_space<vmem>>[vector<16xi32>, vector<16xi32>], vector<16xf32>,
        %mul3A_1182 = arith.mulf %gather3A_1181, %gather3A_1160 : vector<16xf32>
        %add3A_1183 = arith.addf %scan3A_1114, %mul3A_1182 : vector<16xf32>
        %mul3A_1184 = arith.mulf %gather3A_1181, %gather3A_1170 : vector<16xf32>
        %add3A_1185 = arith.addf %scan3A_1115, %mul3A_1184 : vector<16xf32>
        %mul3A_1186 = arith.mulf %gather3A_1181, %gather3A_1180 : vector<16xf32>
        %add3A_1187 = arith.addf %scan3A_1116, %mul3A_1186 : vector<16xf32>
        %gather3A_1188 = tpu.vector_load_idx %arg13[%add3A_880, %add3A_1139] : memref<208x128xf32, #tpu.memory_space<vmem>>[vector<16xi32>, vector<16xi32>], vector<16xf32>,
        %mul3A_1189 = arith.mulf %gather3A_1188, %gather3A_1160 : vector<16xf32>
        %add3A_1190 = arith.addf %scan3A_1117, %mul3A_1189 : vector<16xf32>
        %mul3A_1191 = arith.mulf %gather3A_1188, %gather3A_1170 : vector<16xf32>
        %add3A_1192 = arith.addf %scan3A_1118, %mul3A_1191 : vector<16xf32>
        %mul3A_1193 = arith.mulf %gather3A_1188, %gather3A_1180 : vector<16xf32>
        %add3A_1194 = arith.addf %scan3A_1119, %mul3A_1193 : vector<16xf32>
        %gather3A_1195 = tpu.vector_load_idx %arg13[%add3A_883, %add3A_1139] : memref<208x128xf32, #tpu.memory_space<vmem>>[vector<16xi32>, vector<16xi32>], vector<16xf32>,
        %mul3A_1196 = arith.mulf %gather3A_1195, %gather3A_1160 : vector<16xf32>
        %add3A_1197 = arith.addf %scan3A_1120, %mul3A_1196 : vector<16xf32>
        %mul3A_1198 = arith.mulf %gather3A_1195, %gather3A_1170 : vector<16xf32>
        %add3A_1199 = arith.addf %scan3A_1121, %mul3A_1198 : vector<16xf32>
        %mul3A_1200 = arith.mulf %gather3A_1195, %gather3A_1180 : vector<16xf32>
        %add3A_1201 = arith.addf %scan3A_1122, %mul3A_1200 : vector<16xf32>
        %gather3A_1202 = tpu.vector_load_idx %arg13[%add3A_886, %add3A_1139] : memref<208x128xf32, #tpu.memory_space<vmem>>[vector<16xi32>, vector<16xi32>], vector<16xf32>,
        %mul3A_1203 = arith.mulf %gather3A_1202, %gather3A_1160 : vector<16xf32>
        %add3A_1204 = arith.addf %scan3A_1123, %mul3A_1203 : vector<16xf32>
        %mul3A_1205 = arith.mulf %gather3A_1202, %gather3A_1170 : vector<16xf32>
        %add3A_1206 = arith.addf %scan3A_1124, %mul3A_1205 : vector<16xf32>
        %mul3A_1207 = arith.mulf %gather3A_1202, %gather3A_1180 : vector<16xf32>
        %add3A_1208 = arith.addf %scan3A_1125, %mul3A_1207 : vector<16xf32>
        %gather3A_1209 = tpu.vector_load_idx %arg13[%add3A_889, %add3A_1139] : memref<208x128xf32, #tpu.memory_space<vmem>>[vector<16xi32>, vector<16xi32>], vector<16xf32>,
        %mul3A_1210 = arith.mulf %gather3A_1209, %gather3A_1160 : vector<16xf32>
        %add3A_1211 = arith.addf %scan3A_1126, %mul3A_1210 : vector<16xf32>
        %mul3A_1212 = arith.mulf %gather3A_1209, %gather3A_1170 : vector<16xf32>
        %add3A_1213 = arith.addf %scan3A_1127, %mul3A_1212 : vector<16xf32>
        %mul3A_1214 = arith.mulf %gather3A_1209, %gather3A_1180 : vector<16xf32>
        %add3A_1215 = arith.addf %scan3A_1128, %mul3A_1214 : vector<16xf32>
        %gather3A_1216 = tpu.vector_load_idx %arg13[%add3A_892, %add3A_1139] : memref<208x128xf32, #tpu.memory_space<vmem>>[vector<16xi32>, vector<16xi32>], vector<16xf32>,
        %mul3A_1217 = arith.mulf %gather3A_1216, %gather3A_1160 : vector<16xf32>
        %add3A_1218 = arith.addf %scan3A_1129, %mul3A_1217 : vector<16xf32>
        %mul3A_1219 = arith.mulf %gather3A_1216, %gather3A_1170 : vector<16xf32>
        %add3A_1220 = arith.addf %scan3A_1130, %mul3A_1219 : vector<16xf32>
        %mul3A_1221 = arith.mulf %gather3A_1216, %gather3A_1180 : vector<16xf32>
        %add3A_1222 = arith.addf %scan3A_1131, %mul3A_1221 : vector<16xf32>
        %scan3A_1223 = arith.constant 1 : i32
        %scan3A_1224 = arith.addi %scan3A_1113, %scan3A_1223 : i32
        %and3A_1225 = arith.constant -16 : i32
        %and3A_1226 = arith.andi %scan3A_1224, %and3A_1225 : i32
        %add3A_1227 = vector.broadcast %scan3A_1224 : i32 to vector<16xi32>
        %add3A_1228 = arith.addi %iota3A, %add3A_1227 : vector<16xi32>
        %and3A_1229 = arith.constant 15 : i32
        %and3A_1230 = vector.broadcast %and3A_1229 : i32 to vector<16xi32>
        %and3A_1231 = arith.andi %add3A_1228, %and3A_1230 : vector<16xi32>
        %add3A_1232 = vector.broadcast %and3A_1226 : i32 to vector<16xi32>
        %add3A_1233 = arith.addi %and3A_1231, %add3A_1232 : vector<16xi32>
        %add3A_1234 = arith.addi %mul3A_616, %and3A_1226 : i32
        %get3A_1235 = arith.index_cast %add3A_1234 : i32 to index
        %get3A_1236 = tpu.vector_load %arg11[%get3A_1235] {strides = array<i32>} : memref<12288xf32, #tpu.memory_space<vmem>>, vector<16xf32>,
        %add3A_1237 = arith.constant 128 : i32
        %add3A_1238 = arith.addi %mul3A_616, %add3A_1237 : i32
        %add3A_1239 = arith.addi %add3A_1238, %and3A_1226 : i32
        %get3A_1240 = arith.index_cast %add3A_1239 : i32 to index
        %get3A_1241 = tpu.vector_load %arg11[%get3A_1240] {strides = array<i32>} : memref<12288xf32, #tpu.memory_space<vmem>>, vector<16xf32>,
        %add3A_1242 = arith.constant 256 : i32
        %add3A_1243 = arith.addi %mul3A_616, %add3A_1242 : i32
        %add3A_1244 = arith.addi %add3A_1243, %and3A_1226 : i32
        %get3A_1245 = arith.index_cast %add3A_1244 : i32 to index
        %get3A_1246 = tpu.vector_load %arg11[%get3A_1245] {strides = array<i32>} : memref<12288xf32, #tpu.memory_space<vmem>>, vector<16xf32>,
        %lt3A_1247 = arith.constant 0 : i32
        %lt3A_1248 = vector.broadcast %lt3A_1247 : i32 to vector<16xi32>
        %lt3A_1249 = arith.cmpi slt, %and3A_1231, %lt3A_1248 : vector<16xi32>
        %add3A_1250 = arith.constant 16 : i32
        %add3A_1251 = vector.broadcast %add3A_1250 : i32 to vector<16xi32>
        %add3A_1252 = arith.addi %and3A_1231, %add3A_1251 : vector<16xi32>
        %select_n3A_1253 = arith.select %lt3A_1249, %add3A_1252, %and3A_1231 : vector<16xi1>, vector<16xi32>
        %broadcast_in_dim3A_1254 = vector.shape_cast %select_n3A_1253 : vector<16xi32> to vector<16x1xi32>
        %gather3A_1255 = vector.shape_cast %broadcast_in_dim3A_1254 : vector<16x1xi32> to vector<16xi32>
        %gather3A_1256 = tpu.dynamic_gather %get3A_1236[%gather3A_1255] in [0] : vector<16xf32>, vector<16xi32> -> vector<16xf32>
        %lt3A_1257 = arith.constant 0 : i32
        %lt3A_1258 = vector.broadcast %lt3A_1257 : i32 to vector<16xi32>
        %lt3A_1259 = arith.cmpi slt, %and3A_1231, %lt3A_1258 : vector<16xi32>
        %add3A_1260 = arith.constant 16 : i32
        %add3A_1261 = vector.broadcast %add3A_1260 : i32 to vector<16xi32>
        %add3A_1262 = arith.addi %and3A_1231, %add3A_1261 : vector<16xi32>
        %select_n3A_1263 = arith.select %lt3A_1259, %add3A_1262, %and3A_1231 : vector<16xi1>, vector<16xi32>
        %broadcast_in_dim3A_1264 = vector.shape_cast %select_n3A_1263 : vector<16xi32> to vector<16x1xi32>
        %gather3A_1265 = vector.shape_cast %broadcast_in_dim3A_1264 : vector<16x1xi32> to vector<16xi32>
        %gather3A_1266 = tpu.dynamic_gather %get3A_1241[%gather3A_1265] in [0] : vector<16xf32>, vector<16xi32> -> vector<16xf32>
        %lt3A_1267 = arith.constant 0 : i32
        %lt3A_1268 = vector.broadcast %lt3A_1267 : i32 to vector<16xi32>
        %lt3A_1269 = arith.cmpi slt, %and3A_1231, %lt3A_1268 : vector<16xi32>
        %add3A_1270 = arith.constant 16 : i32
        %add3A_1271 = vector.broadcast %add3A_1270 : i32 to vector<16xi32>
        %add3A_1272 = arith.addi %and3A_1231, %add3A_1271 : vector<16xi32>
        %select_n3A_1273 = arith.select %lt3A_1269, %add3A_1272, %and3A_1231 : vector<16xi1>, vector<16xi32>
        %broadcast_in_dim3A_1274 = vector.shape_cast %select_n3A_1273 : vector<16xi32> to vector<16x1xi32>
        %gather3A_1275 = vector.shape_cast %broadcast_in_dim3A_1274 : vector<16x1xi32> to vector<16xi32>
        %gather3A_1276 = tpu.dynamic_gather %get3A_1246[%gather3A_1275] in [0] : vector<16xf32>, vector<16xi32> -> vector<16xf32>
        %gather3A_1277 = tpu.vector_load_idx %arg13[%add3A_877, %add3A_1233] : memref<208x128xf32, #tpu.memory_space<vmem>>[vector<16xi32>, vector<16xi32>], vector<16xf32>,
        %mul3A_1278 = arith.mulf %gather3A_1277, %gather3A_1256 : vector<16xf32>
        %add3A_1279 = arith.addf %add3A_1183, %mul3A_1278 : vector<16xf32>
        %mul3A_1280 = arith.mulf %gather3A_1277, %gather3A_1266 : vector<16xf32>
        %add3A_1281 = arith.addf %add3A_1185, %mul3A_1280 : vector<16xf32>
        %mul3A_1282 = arith.mulf %gather3A_1277, %gather3A_1276 : vector<16xf32>
        %add3A_1283 = arith.addf %add3A_1187, %mul3A_1282 : vector<16xf32>
        %gather3A_1284 = tpu.vector_load_idx %arg13[%add3A_880, %add3A_1233] : memref<208x128xf32, #tpu.memory_space<vmem>>[vector<16xi32>, vector<16xi32>], vector<16xf32>,
        %mul3A_1285 = arith.mulf %gather3A_1284, %gather3A_1256 : vector<16xf32>
        %add3A_1286 = arith.addf %add3A_1190, %mul3A_1285 : vector<16xf32>
        %mul3A_1287 = arith.mulf %gather3A_1284, %gather3A_1266 : vector<16xf32>
        %add3A_1288 = arith.addf %add3A_1192, %mul3A_1287 : vector<16xf32>
        %mul3A_1289 = arith.mulf %gather3A_1284, %gather3A_1276 : vector<16xf32>
        %add3A_1290 = arith.addf %add3A_1194, %mul3A_1289 : vector<16xf32>
        %gather3A_1291 = tpu.vector_load_idx %arg13[%add3A_883, %add3A_1233] : memref<208x128xf32, #tpu.memory_space<vmem>>[vector<16xi32>, vector<16xi32>], vector<16xf32>,
        %mul3A_1292 = arith.mulf %gather3A_1291, %gather3A_1256 : vector<16xf32>
        %add3A_1293 = arith.addf %add3A_1197, %mul3A_1292 : vector<16xf32>
        %mul3A_1294 = arith.mulf %gather3A_1291, %gather3A_1266 : vector<16xf32>
        %add3A_1295 = arith.addf %add3A_1199, %mul3A_1294 : vector<16xf32>
        %mul3A_1296 = arith.mulf %gather3A_1291, %gather3A_1276 : vector<16xf32>
        %add3A_1297 = arith.addf %add3A_1201, %mul3A_1296 : vector<16xf32>
        %gather3A_1298 = tpu.vector_load_idx %arg13[%add3A_886, %add3A_1233] : memref<208x128xf32, #tpu.memory_space<vmem>>[vector<16xi32>, vector<16xi32>], vector<16xf32>,
        %mul3A_1299 = arith.mulf %gather3A_1298, %gather3A_1256 : vector<16xf32>
        %add3A_1300 = arith.addf %add3A_1204, %mul3A_1299 : vector<16xf32>
        %mul3A_1301 = arith.mulf %gather3A_1298, %gather3A_1266 : vector<16xf32>
        %add3A_1302 = arith.addf %add3A_1206, %mul3A_1301 : vector<16xf32>
        %mul3A_1303 = arith.mulf %gather3A_1298, %gather3A_1276 : vector<16xf32>
        %add3A_1304 = arith.addf %add3A_1208, %mul3A_1303 : vector<16xf32>
        %gather3A_1305 = tpu.vector_load_idx %arg13[%add3A_889, %add3A_1233] : memref<208x128xf32, #tpu.memory_space<vmem>>[vector<16xi32>, vector<16xi32>], vector<16xf32>,
        %mul3A_1306 = arith.mulf %gather3A_1305, %gather3A_1256 : vector<16xf32>
        %add3A_1307 = arith.addf %add3A_1211, %mul3A_1306 : vector<16xf32>
        %mul3A_1308 = arith.mulf %gather3A_1305, %gather3A_1266 : vector<16xf32>
        %add3A_1309 = arith.addf %add3A_1213, %mul3A_1308 : vector<16xf32>
        %mul3A_1310 = arith.mulf %gather3A_1305, %gather3A_1276 : vector<16xf32>
        %add3A_1311 = arith.addf %add3A_1215, %mul3A_1310 : vector<16xf32>
        %gather3A_1312 = tpu.vector_load_idx %arg13[%add3A_892, %add3A_1233] : memref<208x128xf32, #tpu.memory_space<vmem>>[vector<16xi32>, vector<16xi32>], vector<16xf32>,
        %mul3A_1313 = arith.mulf %gather3A_1312, %gather3A_1256 : vector<16xf32>
        %add3A_1314 = arith.addf %add3A_1218, %mul3A_1313 : vector<16xf32>
        %mul3A_1315 = arith.mulf %gather3A_1312, %gather3A_1266 : vector<16xf32>
        %add3A_1316 = arith.addf %add3A_1220, %mul3A_1315 : vector<16xf32>
        %mul3A_1317 = arith.mulf %gather3A_1312, %gather3A_1276 : vector<16xf32>
        %add3A_1318 = arith.addf %add3A_1222, %mul3A_1317 : vector<16xf32>
        scf.yield %add3A_1279, %add3A_1281, %add3A_1283, %add3A_1286, %add3A_1288, %add3A_1290, %add3A_1293, %add3A_1295, %add3A_1297, %add3A_1300, %add3A_1302, %add3A_1304, %add3A_1307, %add3A_1309, %add3A_1311, %add3A_1314, %add3A_1316, %add3A_1318 : vector<16xf32>, vector<16xf32>, vector<16xf32>, vector<16xf32>, vector<16xf32>, vector<16xf32>, vector<16xf32>, vector<16xf32>, vector<16xf32>, vector<16xf32>, vector<16xf32>, vector<16xf32>, vector<16xf32>, vector<16xf32>, vector<16xf32>, vector<16xf32>, vector<16xf32>, vector<16xf32>
      }
      %scan3A_934 = arith.constant 128 : i32
      %get3A_935 = arith.constant 112 : index
      %get3A_936 = tpu.vector_load %arg15[%get3A_935] {strides = array<i32>} : memref<208xf32, #tpu.memory_space<vmem>>, vector<16xf32>,
      %get3A_937 = arith.constant 112 : index
      %get3A_938 = tpu.vector_load %arg17[%get3A_937] {strides = array<i32>} : memref<208xf32, #tpu.memory_space<vmem>>, vector<16xf32>,
      %get3A_939 = arith.constant 112 : index
      %get3A_940 = tpu.vector_load %arg19[%get3A_939] {strides = array<i32>} : memref<208xf32, #tpu.memory_space<vmem>>, vector<16xf32>,
      %max3A_941 = arith.maximumf %get3A_936, %get3A_938 : vector<16xf32>
      %max3A_942 = arith.maximumf %max3A_941, %get3A_940 : vector<16xf32>
      %sub3A_943 = arith.subf %get3A_936, %max3A_942 : vector<16xf32>
      %exp3A_944 = math.exp %sub3A_943 : vector<16xf32>
      %sub3A_945 = arith.subf %get3A_938, %max3A_942 : vector<16xf32>
      %exp3A_946 = math.exp %sub3A_945 : vector<16xf32>
      %sub3A_947 = arith.subf %get3A_940, %max3A_942 : vector<16xf32>
      %exp3A_948 = math.exp %sub3A_947 : vector<16xf32>
      %add3A_949 = arith.addf %exp3A_944, %exp3A_946 : vector<16xf32>
      %add3A_950 = arith.addf %add3A_949, %exp3A_948 : vector<16xf32>
      %mul3A_951 = arith.mulf %scan3A_933#0, %exp3A_944 : vector<16xf32>
      %mul3A_952 = arith.mulf %scan3A_933#1, %exp3A_946 : vector<16xf32>
      %add3A_953 = arith.addf %mul3A_951, %mul3A_952 : vector<16xf32>
      %mul3A_954 = arith.mulf %scan3A_933#2, %exp3A_948 : vector<16xf32>
      %add3A_955 = arith.addf %add3A_953, %mul3A_954 : vector<16xf32>
      %div3A_956 = arith.divf %add3A_955, %add3A_950 : vector<16xf32>
      %get3A_957 = arith.constant 112 : index
      %get3A_958 = tpu.vector_load %arg21[%get3A_957] {strides = array<i32>} : memref<208xf32, #tpu.memory_space<vmem>>, vector<16xf32>,
      %add3A_959 = arith.addf %div3A_956, %get3A_958 : vector<16xf32>
      %swap3A_960 = arith.constant 112 : index
      %swap3A_961 = tpu.vector_load %arg23[%swap3A_960] {strides = array<i32>} : memref<208xf32, #tpu.memory_space<vmem>>, vector<16xf32>,
      tpu.vector_store %arg23[%swap3A_960], %add3A_959 {strides = array<i32>} : memref<208xf32, #tpu.memory_space<vmem>>, vector<16xf32>,
      %get3A_962 = arith.constant 128 : index
      %get3A_963 = tpu.vector_load %arg15[%get3A_962] {strides = array<i32>} : memref<208xf32, #tpu.memory_space<vmem>>, vector<16xf32>,
      %get3A_964 = arith.constant 128 : index
      %get3A_965 = tpu.vector_load %arg17[%get3A_964] {strides = array<i32>} : memref<208xf32, #tpu.memory_space<vmem>>, vector<16xf32>,
      %get3A_966 = arith.constant 128 : index
      %get3A_967 = tpu.vector_load %arg19[%get3A_966] {strides = array<i32>} : memref<208xf32, #tpu.memory_space<vmem>>, vector<16xf32>,
      %max3A_968 = arith.maximumf %get3A_963, %get3A_965 : vector<16xf32>
      %max3A_969 = arith.maximumf %max3A_968, %get3A_967 : vector<16xf32>
      %sub3A_970 = arith.subf %get3A_963, %max3A_969 : vector<16xf32>
      %exp3A_971 = math.exp %sub3A_970 : vector<16xf32>
      %sub3A_972 = arith.subf %get3A_965, %max3A_969 : vector<16xf32>
      %exp3A_973 = math.exp %sub3A_972 : vector<16xf32>
      %sub3A_974 = arith.subf %get3A_967, %max3A_969 : vector<16xf32>
      %exp3A_975 = math.exp %sub3A_974 : vector<16xf32>
      %add3A_976 = arith.addf %exp3A_971, %exp3A_973 : vector<16xf32>
      %add3A_977 = arith.addf %add3A_976, %exp3A_975 : vector<16xf32>
      %mul3A_978 = arith.mulf %scan3A_933#3, %exp3A_971 : vector<16xf32>
      %mul3A_979 = arith.mulf %scan3A_933#4, %exp3A_973 : vector<16xf32>
      %add3A_980 = arith.addf %mul3A_978, %mul3A_979 : vector<16xf32>
      %mul3A_981 = arith.mulf %scan3A_933#5, %exp3A_975 : vector<16xf32>
      %add3A_982 = arith.addf %add3A_980, %mul3A_981 : vector<16xf32>
      %div3A_983 = arith.divf %add3A_982, %add3A_977 : vector<16xf32>
      %get3A_984 = arith.constant 128 : index
      %get3A_985 = tpu.vector_load %arg21[%get3A_984] {strides = array<i32>} : memref<208xf32, #tpu.memory_space<vmem>>, vector<16xf32>,
      %add3A_986 = arith.addf %div3A_983, %get3A_985 : vector<16xf32>
      %swap3A_987 = arith.constant 128 : index
      %swap3A_988 = tpu.vector_load %arg23[%swap3A_987] {strides = array<i32>} : memref<208xf32, #tpu.memory_space<vmem>>, vector<16xf32>,
      tpu.vector_store %arg23[%swap3A_987], %add3A_986 {strides = array<i32>} : memref<208xf32, #tpu.memory_space<vmem>>, vector<16xf32>,
      %get3A_989 = arith.constant 144 : index
      %get3A_990 = tpu.vector_load %arg15[%get3A_989] {strides = array<i32>} : memref<208xf32, #tpu.memory_space<vmem>>, vector<16xf32>,
      %get3A_991 = arith.constant 144 : index
      %get3A_992 = tpu.vector_load %arg17[%get3A_991] {strides = array<i32>} : memref<208xf32, #tpu.memory_space<vmem>>, vector<16xf32>,
      %get3A_993 = arith.constant 144 : index
      %get3A_994 = tpu.vector_load %arg19[%get3A_993] {strides = array<i32>} : memref<208xf32, #tpu.memory_space<vmem>>, vector<16xf32>,
      %max3A_995 = arith.maximumf %get3A_990, %get3A_992 : vector<16xf32>
      %max3A_996 = arith.maximumf %max3A_995, %get3A_994 : vector<16xf32>
      %sub3A_997 = arith.subf %get3A_990, %max3A_996 : vector<16xf32>
      %exp3A_998 = math.exp %sub3A_997 : vector<16xf32>
      %sub3A_999 = arith.subf %get3A_992, %max3A_996 : vector<16xf32>
      %exp3A_1000 = math.exp %sub3A_999 : vector<16xf32>
      %sub3A_1001 = arith.subf %get3A_994, %max3A_996 : vector<16xf32>
      %exp3A_1002 = math.exp %sub3A_1001 : vector<16xf32>
      %add3A_1003 = arith.addf %exp3A_998, %exp3A_1000 : vector<16xf32>
      %add3A_1004 = arith.addf %add3A_1003, %exp3A_1002 : vector<16xf32>
      %mul3A_1005 = arith.mulf %scan3A_933#6, %exp3A_998 : vector<16xf32>
      %mul3A_1006 = arith.mulf %scan3A_933#7, %exp3A_1000 : vector<16xf32>
      %add3A_1007 = arith.addf %mul3A_1005, %mul3A_1006 : vector<16xf32>
      %mul3A_1008 = arith.mulf %scan3A_933#8, %exp3A_1002 : vector<16xf32>
      %add3A_1009 = arith.addf %add3A_1007, %mul3A_1008 : vector<16xf32>
      %div3A_1010 = arith.divf %add3A_1009, %add3A_1004 : vector<16xf32>
      %get3A_1011 = arith.constant 144 : index
      %get3A_1012 = tpu.vector_load %arg21[%get3A_1011] {strides = array<i32>} : memref<208xf32, #tpu.memory_space<vmem>>, vector<16xf32>,
      %add3A_1013 = arith.addf %div3A_1010, %get3A_1012 : vector<16xf32>
      %swap3A_1014 = arith.constant 144 : index
      %swap3A_1015 = tpu.vector_load %arg23[%swap3A_1014] {strides = array<i32>} : memref<208xf32, #tpu.memory_space<vmem>>, vector<16xf32>,
      tpu.vector_store %arg23[%swap3A_1014], %add3A_1013 {strides = array<i32>} : memref<208xf32, #tpu.memory_space<vmem>>, vector<16xf32>,
      %get3A_1016 = arith.constant 160 : index
      %get3A_1017 = tpu.vector_load %arg15[%get3A_1016] {strides = array<i32>} : memref<208xf32, #tpu.memory_space<vmem>>, vector<16xf32>,
      %get3A_1018 = arith.constant 160 : index
      %get3A_1019 = tpu.vector_load %arg17[%get3A_1018] {strides = array<i32>} : memref<208xf32, #tpu.memory_space<vmem>>, vector<16xf32>,
      %get3A_1020 = arith.constant 160 : index
      %get3A_1021 = tpu.vector_load %arg19[%get3A_1020] {strides = array<i32>} : memref<208xf32, #tpu.memory_space<vmem>>, vector<16xf32>,
      %max3A_1022 = arith.maximumf %get3A_1017, %get3A_1019 : vector<16xf32>
      %max3A_1023 = arith.maximumf %max3A_1022, %get3A_1021 : vector<16xf32>
      %sub3A_1024 = arith.subf %get3A_1017, %max3A_1023 : vector<16xf32>
      %exp3A_1025 = math.exp %sub3A_1024 : vector<16xf32>
      %sub3A_1026 = arith.subf %get3A_1019, %max3A_1023 : vector<16xf32>
      %exp3A_1027 = math.exp %sub3A_1026 : vector<16xf32>
      %sub3A_1028 = arith.subf %get3A_1021, %max3A_1023 : vector<16xf32>
      %exp3A_1029 = math.exp %sub3A_1028 : vector<16xf32>
      %add3A_1030 = arith.addf %exp3A_1025, %exp3A_1027 : vector<16xf32>
      %add3A_1031 = arith.addf %add3A_1030, %exp3A_1029 : vector<16xf32>
      %mul3A_1032 = arith.mulf %scan3A_933#9, %exp3A_1025 : vector<16xf32>
      %mul3A_1033 = arith.mulf %scan3A_933#10, %exp3A_1027 : vector<16xf32>
      %add3A_1034 = arith.addf %mul3A_1032, %mul3A_1033 : vector<16xf32>
      %mul3A_1035 = arith.mulf %scan3A_933#11, %exp3A_1029 : vector<16xf32>
      %add3A_1036 = arith.addf %add3A_1034, %mul3A_1035 : vector<16xf32>
      %div3A_1037 = arith.divf %add3A_1036, %add3A_1031 : vector<16xf32>
      %get3A_1038 = arith.constant 160 : index
      %get3A_1039 = tpu.vector_load %arg21[%get3A_1038] {strides = array<i32>} : memref<208xf32, #tpu.memory_space<vmem>>, vector<16xf32>,
      %add3A_1040 = arith.addf %div3A_1037, %get3A_1039 : vector<16xf32>
      %swap3A_1041 = arith.constant 160 : index
      %swap3A_1042 = tpu.vector_load %arg23[%swap3A_1041] {strides = array<i32>} : memref<208xf32, #tpu.memory_space<vmem>>, vector<16xf32>,
      tpu.vector_store %arg23[%swap3A_1041], %add3A_1040 {strides = array<i32>} : memref<208xf32, #tpu.memory_space<vmem>>, vector<16xf32>,
      %get3A_1043 = arith.constant 176 : index
      %get3A_1044 = tpu.vector_load %arg15[%get3A_1043] {strides = array<i32>} : memref<208xf32, #tpu.memory_space<vmem>>, vector<16xf32>,
      %get3A_1045 = arith.constant 176 : index
      %get3A_1046 = tpu.vector_load %arg17[%get3A_1045] {strides = array<i32>} : memref<208xf32, #tpu.memory_space<vmem>>, vector<16xf32>,
      %get3A_1047 = arith.constant 176 : index
      %get3A_1048 = tpu.vector_load %arg19[%get3A_1047] {strides = array<i32>} : memref<208xf32, #tpu.memory_space<vmem>>, vector<16xf32>,
      %max3A_1049 = arith.maximumf %get3A_1044, %get3A_1046 : vector<16xf32>
      %max3A_1050 = arith.maximumf %max3A_1049, %get3A_1048 : vector<16xf32>
      %sub3A_1051 = arith.subf %get3A_1044, %max3A_1050 : vector<16xf32>
      %exp3A_1052 = math.exp %sub3A_1051 : vector<16xf32>
      %sub3A_1053 = arith.subf %get3A_1046, %max3A_1050 : vector<16xf32>
      %exp3A_1054 = math.exp %sub3A_1053 : vector<16xf32>
      %sub3A_1055 = arith.subf %get3A_1048, %max3A_1050 : vector<16xf32>
      %exp3A_1056 = math.exp %sub3A_1055 : vector<16xf32>
      %add3A_1057 = arith.addf %exp3A_1052, %exp3A_1054 : vector<16xf32>
      %add3A_1058 = arith.addf %add3A_1057, %exp3A_1056 : vector<16xf32>
      %mul3A_1059 = arith.mulf %scan3A_933#12, %exp3A_1052 : vector<16xf32>
      %mul3A_1060 = arith.mulf %scan3A_933#13, %exp3A_1054 : vector<16xf32>
      %add3A_1061 = arith.addf %mul3A_1059, %mul3A_1060 : vector<16xf32>
      %mul3A_1062 = arith.mulf %scan3A_933#14, %exp3A_1056 : vector<16xf32>
      %add3A_1063 = arith.addf %add3A_1061, %mul3A_1062 : vector<16xf32>
      %div3A_1064 = arith.divf %add3A_1063, %add3A_1058 : vector<16xf32>
      %get3A_1065 = arith.constant 176 : index
      %get3A_1066 = tpu.vector_load %arg21[%get3A_1065] {strides = array<i32>} : memref<208xf32, #tpu.memory_space<vmem>>, vector<16xf32>,
      %add3A_1067 = arith.addf %div3A_1064, %get3A_1066 : vector<16xf32>
      %swap3A_1068 = arith.constant 176 : index
      %swap3A_1069 = tpu.vector_load %arg23[%swap3A_1068] {strides = array<i32>} : memref<208xf32, #tpu.memory_space<vmem>>, vector<16xf32>,
      tpu.vector_store %arg23[%swap3A_1068], %add3A_1067 {strides = array<i32>} : memref<208xf32, #tpu.memory_space<vmem>>, vector<16xf32>,
      %get3A_1070 = arith.constant 192 : index
      %get3A_1071 = tpu.vector_load %arg15[%get3A_1070] {strides = array<i32>} : memref<208xf32, #tpu.memory_space<vmem>>, vector<16xf32>,
      %get3A_1072 = arith.constant 192 : index
      %get3A_1073 = tpu.vector_load %arg17[%get3A_1072] {strides = array<i32>} : memref<208xf32, #tpu.memory_space<vmem>>, vector<16xf32>,
      %get3A_1074 = arith.constant 192 : index
      %get3A_1075 = tpu.vector_load %arg19[%get3A_1074] {strides = array<i32>} : memref<208xf32, #tpu.memory_space<vmem>>, vector<16xf32>,
      %max3A_1076 = arith.maximumf %get3A_1071, %get3A_1073 : vector<16xf32>
      %max3A_1077 = arith.maximumf %max3A_1076, %get3A_1075 : vector<16xf32>
      %sub3A_1078 = arith.subf %get3A_1071, %max3A_1077 : vector<16xf32>
      %exp3A_1079 = math.exp %sub3A_1078 : vector<16xf32>
      %sub3A_1080 = arith.subf %get3A_1073, %max3A_1077 : vector<16xf32>
      %exp3A_1081 = math.exp %sub3A_1080 : vector<16xf32>
      %sub3A_1082 = arith.subf %get3A_1075, %max3A_1077 : vector<16xf32>
      %exp3A_1083 = math.exp %sub3A_1082 : vector<16xf32>
      %add3A_1084 = arith.addf %exp3A_1079, %exp3A_1081 : vector<16xf32>
      %add3A_1085 = arith.addf %add3A_1084, %exp3A_1083 : vector<16xf32>
      %mul3A_1086 = arith.mulf %scan3A_933#15, %exp3A_1079 : vector<16xf32>
      %mul3A_1087 = arith.mulf %scan3A_933#16, %exp3A_1081 : vector<16xf32>
      %add3A_1088 = arith.addf %mul3A_1086, %mul3A_1087 : vector<16xf32>
      %mul3A_1089 = arith.mulf %scan3A_933#17, %exp3A_1083 : vector<16xf32>
      %add3A_1090 = arith.addf %add3A_1088, %mul3A_1089 : vector<16xf32>
      %div3A_1091 = arith.divf %add3A_1090, %add3A_1085 : vector<16xf32>
      %get3A_1092 = arith.constant 192 : index
      %get3A_1093 = tpu.vector_load %arg21[%get3A_1092] {strides = array<i32>} : memref<208xf32, #tpu.memory_space<vmem>>, vector<16xf32>,
      %add3A_1094 = arith.addf %div3A_1091, %get3A_1093 : vector<16xf32>
      %swap3A_1095 = arith.constant 192 : index
      %swap3A_1096 = tpu.vector_load %arg23[%swap3A_1095] {strides = array<i32>} : memref<208xf32, #tpu.memory_space<vmem>>, vector<16xf32>,
      tpu.vector_store %arg23[%swap3A_1095], %add3A_1094 {strides = array<i32>} : memref<208xf32, #tpu.memory_space<vmem>>, vector<16xf32>,
      %mul3A_1097 = arith.constant 200 : i32
      %mul3A_1098 = arith.muli %add3A_591, %mul3A_1097 : i32
      %add3A_1099 = arith.addi %mul3A_2, %mul3A_1098 : i32
      %dma_start3A_1100 = arith.constant 0 : i32
      %dma_start3A_1101 = tpu.memref_slice %arg23[%dma_start3A_1100] : memref<208xf32, #tpu.memory_space<vmem>> -> memref<200xf32, #tpu.memory_space<vmem>>
      %dma_start3A_1102 = tpu.memref_slice %arg9[%add3A_1099] : memref<204800xf32, #tpu.memory_space<hbm>> -> memref<200xf32, #tpu.memory_space<hbm>>
      %dma_start3A_1103 = tpu.memref_slice %arg9[%add3A_1099] : memref<204800xf32, #tpu.memory_space<hbm>> -> memref<200xf32, #tpu.memory_space<hbm>>
      %dma_start3A_1104 = arith.constant 0 : i32
      %dma_start3A_1105 = tpu.memref_slice %arg23[%dma_start3A_1104] : memref<208xf32, #tpu.memory_space<vmem>> -> memref<200xf32, #tpu.memory_space<vmem>>
      tpu.enqueue_dma source(%dma_start3A_1105 : memref<200xf32, #tpu.memory_space<vmem>>) target(%dma_start3A_1103 : memref<200xf32, #tpu.memory_space<hbm>>) target_semaphore(%arg27 : memref<!tpu.dma_semaphore, #tpu.memory_space<semaphore_mem>>)
      %add3A_1106 = arith.constant 2 : i32
      %add3A_1107 = arith.addi %add3A_591, %add3A_1106 : i32
      %lt3A_1108 = arith.constant 32 : i32
      %lt3A_1109 = arith.cmpi slt, %add3A_1107, %lt3A_1108 : i32
      %convert_element_type3A_1110 = arith.extui %lt3A_1109 : i1 to i32
      %cond3A_1111 = arith.constant 0 : i32
      %cond3A_1112 = arith.cmpi ne, %convert_element_type3A_1110, %cond3A_1111 : i32
      scf.if %cond3A_1112 {
        %add3A_1113 = arith.constant 2 : i32
        %add3A_1114 = arith.addi %add3A_591, %add3A_1113 : i32
        %mul3A_1115 = arith.constant 200 : i32
        %mul3A_1116 = arith.muli %add3A_1114, %mul3A_1115 : i32
        %dma_start3A_1117 = tpu.memref_slice %arg10[%mul3A_1116] : memref<6416xi32, #tpu.memory_space<vmem>> -> memref<208xi32, #tpu.memory_space<vmem>>
        %dma_start3A_1118 = arith.constant 0 : i32
        %dma_start3A_1119 = arith.constant 0 : i32
        %dma_start3A_1120 = tpu.memref_slice %arg4[%dma_start3A_1118, %dma_start3A_1119] : memref<1000000x128xf32, #tpu.memory_space<hbm>> -> memref<1000000x128xf32, #tpu.memory_space<hbm>>
        tpu.enqueue_indirect_dma source(%dma_start3A_1120 : memref<1000000x128xf32, #tpu.memory_space<hbm>>) target(%arg13 : memref<208x128xf32, #tpu.memory_space<vmem>>) offsets(%dma_start3A_1117 : memref<208xi32, #tpu.memory_space<vmem>>) semaphore(%arg25 : memref<!tpu.dma_semaphore, #tpu.memory_space<semaphore_mem>>)
        %dma_start3A_1121 = tpu.memref_slice %arg10[%mul3A_1116] : memref<6416xi32, #tpu.memory_space<vmem>> -> memref<208xi32, #tpu.memory_space<vmem>>
        %dma_start3A_1122 = arith.constant 0 : i32
        %dma_start3A_1123 = tpu.memref_slice %arg6[%dma_start3A_1122] : memref<1000000xf32, #tpu.memory_space<hbm>> -> memref<1000000xf32, #tpu.memory_space<hbm>>
        tpu.enqueue_indirect_dma source(%dma_start3A_1123 : memref<1000000xf32, #tpu.memory_space<hbm>>) target(%arg15 : memref<208xf32, #tpu.memory_space<vmem>>) offsets(%dma_start3A_1121 : memref<208xi32, #tpu.memory_space<vmem>>) semaphore(%arg25 : memref<!tpu.dma_semaphore, #tpu.memory_space<semaphore_mem>>)
        %dma_start3A_1124 = tpu.memref_slice %arg10[%mul3A_1116] : memref<6416xi32, #tpu.memory_space<vmem>> -> memref<208xi32, #tpu.memory_space<vmem>>
        %dma_start3A_1125 = arith.constant 0 : i32
        %dma_start3A_1126 = tpu.memref_slice %arg7[%dma_start3A_1125] : memref<1000000xf32, #tpu.memory_space<hbm>> -> memref<1000000xf32, #tpu.memory_space<hbm>>
        tpu.enqueue_indirect_dma source(%dma_start3A_1126 : memref<1000000xf32, #tpu.memory_space<hbm>>) target(%arg17 : memref<208xf32, #tpu.memory_space<vmem>>) offsets(%dma_start3A_1124 : memref<208xi32, #tpu.memory_space<vmem>>) semaphore(%arg25 : memref<!tpu.dma_semaphore, #tpu.memory_space<semaphore_mem>>)
        %dma_start3A_1127 = tpu.memref_slice %arg10[%mul3A_1116] : memref<6416xi32, #tpu.memory_space<vmem>> -> memref<208xi32, #tpu.memory_space<vmem>>
        %dma_start3A_1128 = arith.constant 0 : i32
        %dma_start3A_1129 = tpu.memref_slice %arg8[%dma_start3A_1128] : memref<1000000xf32, #tpu.memory_space<hbm>> -> memref<1000000xf32, #tpu.memory_space<hbm>>
        tpu.enqueue_indirect_dma source(%dma_start3A_1129 : memref<1000000xf32, #tpu.memory_space<hbm>>) target(%arg19 : memref<208xf32, #tpu.memory_space<vmem>>) offsets(%dma_start3A_1127 : memref<208xi32, #tpu.memory_space<vmem>>) semaphore(%arg25 : memref<!tpu.dma_semaphore, #tpu.memory_space<semaphore_mem>>)
        %dma_start3A_1130 = tpu.memref_slice %arg10[%mul3A_1116] : memref<6416xi32, #tpu.memory_space<vmem>> -> memref<208xi32, #tpu.memory_space<vmem>>
        %dma_start3A_1131 = arith.constant 0 : i32
        %dma_start3A_1132 = tpu.memref_slice %arg5[%dma_start3A_1131] : memref<1000000xf32, #tpu.memory_space<hbm>> -> memref<1000000xf32, #tpu.memory_space<hbm>>
        tpu.enqueue_indirect_dma source(%dma_start3A_1132 : memref<1000000xf32, #tpu.memory_space<hbm>>) target(%arg21 : memref<208xf32, #tpu.memory_space<vmem>>) offsets(%dma_start3A_1130 : memref<208xi32, #tpu.memory_space<vmem>>) semaphore(%arg25 : memref<!tpu.dma_semaphore, #tpu.memory_space<semaphore_mem>>)
      } else {
      }
    }
    %scan3A_51 = arith.constant 16 : i32
    %add3A_52 = arith.constant 6000 : i32
    %add3A_53 = arith.addi %mul3A_2, %add3A_52 : i32
    %dma_wait3A = arith.constant 0 : i32
    %dma_wait3A_54 = tpu.memref_slice %arg22[%dma_wait3A] : memref<208xf32, #tpu.memory_space<vmem>> -> memref<200xf32, #tpu.memory_space<vmem>>
    %dma_wait3A_55 = tpu.memref_slice %arg9[%add3A_53] : memref<204800xf32, #tpu.memory_space<hbm>> -> memref<200xf32, #tpu.memory_space<hbm>>
    %dma_wait3A_56 = tpu.memref_slice %arg9[%add3A_53] : memref<204800xf32, #tpu.memory_space<hbm>> -> memref<200xf32, #tpu.memory_space<hbm>>
    %dma_wait3A_57 = arith.constant 0 : i32
    %dma_wait3A_58 = tpu.memref_slice %arg22[%dma_wait3A_57] : memref<208xf32, #tpu.memory_space<vmem>> -> memref<200xf32, #tpu.memory_space<vmem>>
    tpu.wait_dma2 semaphore(%arg26 : memref<!tpu.dma_semaphore, #tpu.memory_space<semaphore_mem>>) src(%dma_wait3A_58 : memref<200xf32, #tpu.memory_space<vmem>>) dst(%dma_wait3A_56 : memref<200xf32, #tpu.memory_space<hbm>>)
    %add3A_59 = arith.constant 6200 : i32
    %add3A_60 = arith.addi %mul3A_2, %add3A_59 : i32
    %dma_wait3A_61 = arith.constant 0 : i32
    %dma_wait3A_62 = tpu.memref_slice %arg23[%dma_wait3A_61] : memref<208xf32, #tpu.memory_space<vmem>> -> memref<200xf32, #tpu.memory_space<vmem>>
    %dma_wait3A_63 = tpu.memref_slice %arg9[%add3A_60] : memref<204800xf32, #tpu.memory_space<hbm>> -> memref<200xf32, #tpu.memory_space<hbm>>
    %dma_wait3A_64 = tpu.memref_slice %arg9[%add3A_60] : memref<204800xf32, #tpu.memory_space<hbm>> -> memref<200xf32, #tpu.memory_space<hbm>>
    %dma_wait3A_65 = arith.constant 0 : i32
    %dma_wait3A_66 = tpu.memref_slice %arg23[%dma_wait3A_65] : memref<208xf32, #tpu.memory_space<vmem>> -> memref<200xf32, #tpu.memory_space<vmem>>
    tpu.wait_dma2 semaphore(%arg27 : memref<!tpu.dma_semaphore, #tpu.memory_space<semaphore_mem>>) src(%dma_wait3A_66 : memref<200xf32, #tpu.memory_space<vmem>>) dst(%dma_wait3A_64 : memref<200xf32, #tpu.memory_space<hbm>>)
    return
  }
}

</mosaic_0001>

<sc_bundles>
// kernel: kernel.3.cloned.1.call-start
scs
__scs_entry_jumppad:
0x0: {  	(pc) =	sbr.rel $0x88, $3  }
0x1: {  	(tag) =	ssettag $0x0;
	lr =	simm.s32 $0x1  }
0x2: {  	[smem:$0x3F9C] =	sst lr;
	_ =	strace $0xD0000000  }
0x3: {  	_ = 	snop  }
0x4: {  	_ = 	snop  }
0x5: {  	_ = 	snop  }
0x6: {  	_ = 	snop  }
0x7: {  	_ = 	snop  }
__scs_overlays_trampoline_lowered:
0x8: {  	[smem:$0x3FAB] =	sst s0  }
0x9: {  	[smem:$0x3FAC] =	sst s1  }
0xa: {  	[smem:$0x3FAD] =	sst s2  }
0xb: {  	[smem:$0x3FAE] =	sst s3  }
0xc: {  	[smem:$0x3FAF] =	sst s4  }
0xd: {  	[smem:$0x3FB0] =	sst s5  }
0xe: {  	[smem:$0x3FB1] =	sst s6  }
0xf: {  	[smem:$0x3FB2] =	sst s7  }
0x10: {  	[smem:$0x3FB3] =	sst s8  }
0x11: {  	[smem:$0x3FB4] =	sst s9;
	s0 =	simm.s32 @!p0 $0x0  }
0x12: {  	s1 =	sld [smem:$0x3F9A];
	s0 =	simm.s32 @p0 $0x1  }
0x13: {  	[smem:$0x3FB5] =	sst s0;
	s0 =	simm.s32 @!p1 $0x0  }
0x14: {  	s2 =	sld [smem:$0x3F99];
	s0 =	simm.s32 @p1 $0x1  }
0x15: {  	[smem:$0x3FB6] =	sst s0;
	s0 =	simm.s32 @!p2 $0x0  }
0x16: {  	s3 =	sld [smem:$0x3FDB];
	s0 =	simm.s32 @p2 $0x1  }
0x17: {  	s4 =	simm.s32 $0x1BF5;
	[smem:$0x3FB8] =	sst s0  }
0x18: {  	s0 =	sld [smem:$0x3F9B];
	_ =	swait.ge [sflag:s4], $0x0  }
0x19: {  	s7 =	sld [smem:$0x3F9C]  }
0x1a: {  	s8 =	sadd.s32 $0xFFFFE003, lr  }
0x1b: {  	s9 =	sadd.s32 $0xFFFFFEF7, lr;
	s5 =	simm.s32 $0xFFFFFFFF;
	p2 =	slt.u32 s8, $0xFFFFF086  }
0x1c: {  	p1 =	slt.u32 s9, $0xF7A;
	s5 =	simm.s32 @!p2 $0x0  }
0x1d: {  	s5 =	simm.s32 @p1 $0x1;
	p0 =	seq.s32 s7, s2  }
0x1e: {  	s7 =	smul.u32 @!p0 $0xF7A, s2;
	p2 =	seq.s32 @!p0 s5, $0x0  }
0x1f: {  	s9 =	smul.u32 $0xF7A, s1;
	s8 =	simm.s32 @!p0 $0x1BF5;
	p2 =	por !p2, p0  }
0x20: {  	[sflag:s8] =	ssyncset.s32 @!p0 $0xFFFFF086;
	s6 =	sadd.s32 @!p0 s3, s7;
	s7 =	simm.s32 @!p0 $0x108  }
0x21: {  	s3 =	sadd.s32 s3, s9;
	s6 =	sadd.s32 @!p0 $0x88, s6;
	s7 =	simm.s32 @p2 $0x1082  }
0x22: {  	[simem:s7], [sflag:s8] =	dma.local @!p0 [hbm:s6], $0xF7A  }
0x23: {  	s9 =	sor.u32 $0xD0000000, s2;
	s6 =	simm.s32 $0x108;
	_ =	swait.ge @!p0 [sflag:s8], $0x0  }
0x24: {  	s3 =	sadd.s32 $0x88, s3;
	s6 =	simm.s32 @!p1 $0x1082;
	[sflag:s4] =	ssyncset.s32 $0xFFFFF086  }
0x25: {  	[simem:s6], [sflag:s4] =	dma.local [hbm:s3], $0xF7A  }
0x26: {  	[smem:$0x3F9C] =	sst s1;
	(tag) =	ssettag s2;
	_ =	strace s9  }
0x27: {  	s1 =	sld [smem:$0x3FAC]  }
0x28: {  	s2 =	sld [smem:$0x3FAD]  }
0x29: {  	s4 =	sld [smem:$0x3FAF]  }
0x2a: {  	p0 =	seq.s32 s5, $0x0;
	s5 =	sld [smem:$0x3FB0]  }
0x2b: {  	s6 =	sld [smem:$0x3FB1]  }
0x2c: {  	s7 =	sld [smem:$0x3FB2]  }
0x2d: {  	s3 =	simm.s32 $0x108;
	s8 =	sld [smem:$0x3FB3]  }
0x2e: {  	s3 =	simm.s32 @!p0 $0x1082;
	s9 =	sld [smem:$0x3FB4]  }
0x2f: {  	lr =	sadd.s32 s0, s3;
	s0 =	sld [smem:$0x3FAB]  }
0x30: {  	s3 =	sld [smem:$0x3FAE]  }
0x31: {  	[smem:$0x3FB7] =	sst s10  }
0x32: {  	s10 =	sld [smem:$0x3FB5];
	_ =	sdelay $0x3  }
0x33: {  	p0 =	seq.s32 s10, $0x1;
	s10 =	sld [smem:$0x3FB7];
	_ =	sdelay $0x3  }
0x34: {  	[smem:$0x3FB7] =	sst s10  }
0x35: {  	s10 =	sld [smem:$0x3FB6];
	_ =	sdelay $0x3  }
0x36: {  	p1 =	seq.s32 s10, $0x1;
	s10 =	sld [smem:$0x3FB7];
	_ =	sdelay $0x3  }
0x37: {  	[smem:$0x3FB7] =	sst s10  }
0x38: {  	s10 =	sld [smem:$0x3FB8]  }
0x39: {  	_ = 	snop;
	(pc) =	sbr.ind lr, $3  }
0x3a: {  	_ = 	snop  }
0x3b: {  	_ = 	snop  }
0x3c: {  	p2 =	seq.s32 s10, $0x1;
	s10 =	sld [smem:$0x3FB7]  }
0x3d: {  	_ =	shalt  }
0x3e: {  	_ =	shalt  }
0x3f: {  	_ =	shalt  }
0x40: {  	_ =	shalt  }
0x41: {  	_ =	shalt  }
0x42: {  	_ =	shalt  }
0x43: {  	_ =	shalt  }
0x44: {  	_ =	shalt  }
0x45: {  	_ =	shalt  }
0x46: {  	_ =	shalt  }
0x47: {  	_ =	shalt  }
0x48: {  	_ =	shalt  }
0x49: {  	_ =	shalt  }
0x4a: {  	_ =	shalt  }
0x4b: {  	_ =	shalt  }
0x4c: {  	_ =	shalt  }
0x4d: {  	_ =	shalt  }
0x4e: {  	_ =	shalt  }
0x4f: {  	_ =	shalt  }
0x50: {  	_ =	shalt  }
0x51: {  	_ =	shalt  }
0x52: {  	_ =	shalt  }
0x53: {  	_ =	shalt  }
0x54: {  	_ =	shalt  }
0x55: {  	_ =	shalt  }
0x56: {  	_ =	shalt  }
0x57: {  	_ =	shalt  }
0x58: {  	_ =	shalt  }
0x59: {  	_ =	shalt  }
0x5a: {  	_ =	shalt  }
0x5b: {  	_ =	shalt  }
0x5c: {  	_ =	shalt  }
0x5d: {  	_ =	shalt  }
0x5e: {  	_ =	shalt  }
0x5f: {  	_ =	shalt  }
0x60: {  	_ =	shalt  }
0x61: {  	_ =	shalt  }
0x62: {  	_ =	shalt  }
0x63: {  	_ =	shalt  }
0x64: {  	_ =	shalt  }
0x65: {  	_ =	shalt  }
0x66: {  	_ =	shalt  }
0x67: {  	_ =	shalt  }
0x68: {  	_ =	shalt  }
0x69: {  	_ =	shalt  }
0x6a: {  	_ =	shalt  }
0x6b: {  	_ =	shalt  }
0x6c: {  	_ =	shalt  }
0x6d: {  	_ =	shalt  }
0x6e: {  	_ =	shalt  }
0x6f: {  	_ =	shalt  }
0x70: {  	_ =	shalt  }
0x71: {  	_ =	shalt  }
0x72: {  	_ =	shalt  }
0x73: {  	_ =	shalt  }
0x74: {  	_ =	shalt  }
0x75: {  	_ =	shalt  }
0x76: {  	_ =	shalt  }
0x77: {  	_ =	shalt  }
0x78: {  	_ =	shalt  }
0x79: {  	_ =	shalt  }
0x7a: {  	_ =	shalt  }
0x7b: {  	_ =	shalt  }
0x7c: {  	_ =	shalt  }
0x7d: {  	_ =	shalt  }
0x7e: {  	_ =	shalt  }
0x7f: {  	_ =	shalt  }
0x80: {  	_ =	shalt  }
0x81: {  	_ =	shalt  }
0x82: {  	_ =	shalt  }
0x83: {  	_ =	shalt  }
0x84: {  	_ =	shalt  }
0x85: {  	_ =	shalt  }
0x86: {  	_ =	shalt  }
0x87: {  	_ =	shalt  }
.Lfunc_end0:
.L_simem_size_0:
called_computation_lowered:
.L_overlay_start_0:
0x88: {  	s2 =	sld [smem:$0x3FD9]  }
0x89: {  	s3 =	sld [smem:$0x3FFE];
	_ =	sdelay $0x1  }
0x8a: {  	s1 =	srdreg.scid  }
0x8b: {  	s0 =	sand.u32 $0x1, s1  }
0x8c: {  	s17 =	sshll.u32 s0, $0xA;
	s2 =	sadd.s32 s3, s2  }
0x8d: {  	s2 =	sadd.s32 s2, s17  }
0x8e: {  	[smem:$0x3FC3] =	sst s2  }
0x8f: {  	_ = 	snop  }
0x90: {  	s2 =	sld [smem:$0x3FC7]  }
0x91: {  	s18 =	sld [smem:$0x3FC6]  }
0x92: {  	s4 =	sld [smem:$0x3FD0];
	(tm) =	ssettm $0x1  }
0x93: {  	s5 =	sld [smem:$0x3FFB];
	_ =	sdelay $0x3  }
0x94: {  	_ =	strace s5  }
0x95: {  	s5 =	sld [smem:$0x3FFC];
	_ =	sdelay $0x3  }
0x96: {  	_ =	strace s5  }
0x97: {  	s5 =	sld [smem:$0x3FFD];
	_ =	sdelay $0x3  }
0x98: {  	_ =	strace s5  }
0x99: {  	_ =	strace $0x8FFFFFFF  }
0x9a: {  	s19 =	sld [smem:$0x3FDB];
	_ =	sdelay $0x1  }
0x9b: {  	s6 =	simm.s32 $_scs_section_size  }
0x9c: {  	s7 =	simm.s32 $_size__tile_overlayer_lowered;
	s8 =	simm.s32 $_tile_overlayer_lowered  }
0x9d: {  	s22 =	simm.s32 $0x1BFF;
	s21 =	sshll.u32 s8, $0x1;
	s5 =	sadd.s32 s6, s19  }
0x9e: {  	s9 =	simm.s32 $0x0;
	s20 =	sshll.u32 s7, $0x1;
	s7 =	sadd.s32 s21, s5  }
0x9f: {  	[timem:s9], [sflag:s22] =	dma.local [hbm:s7], s20  }
0xa0: {  	_ =	swait.ge [sflag:s22], s20  }
0xa1: {  	s6 =	ssub.s32 $0x0, s20;
	[sflag:s22] =	ssyncset.done $0x0  }
0xa2: {  	[sflag:s22] =	ssyncadd.s32 s6;
	_ =	sdelay $0x1  }
0xa3: {  	s23 =	simm.s32 $0x1B8B  }
0xa4: {  	_ =	swait.ge [sflag:s23], $0x1  }
0xa5: {  	[sflag:s23] =	ssyncset.done $0x0  }
0xa6: {  	s25 =	simm.s32 $0x1B8E;
	s24 =	sld [smem:$0x3FFE];
	[sflag:s23] =	ssyncadd.s32 $0xFFFFFFFF  }
0xa7: {  	s26 =	simm.s32 $execute0_lowered;
	[smem:$0x3FD2] =	sst s25  }
0xa8: {  	s7 =	sshll.u32 s26, $0x1;
	_ =	strace $0x80000046;
	[dreg:$0x1] =	wrdreg $0xFFFFFFFF  }
0xa9: {  	s28 =	simm.s32 $_size_execute0_lowered;
	s5 =	sadd.s32 s5, s7;
	[dreg:$0x0] =	wrdreg $0x0  }
0xaa: {  	s7 =	sshll.u32 s28, $0x1;
	[dreg:$0x2] =	wrdreg s5  }
0xab: {  	[dreg:$0x3] =	wrdreg s7  }
0xac: {  	[dreg:$0x4] =	wrdreg $0xC0  }
0xad: {  	_ =	task [dreg:s9], $0x5FFFF  }
0xae: {  	[dreg:$0x1] =	wrdreg $0xFFFFFFFF  }
0xaf: {  	[dreg:$0x0] =	wrdreg $0x60  }
0xb0: {  	[dreg:$0x2] =	wrdreg s24  }
0xb1: {  	[dreg:$0x3] =	wrdreg s4  }
0xb2: {  	[dreg:$0x4] =	wrdreg s2  }
0xb3: {  	[dreg:$0x5] =	wrdreg s18  }
0xb4: {  	[dreg:$0x6] =	wrdreg $0x9  }
0xb5: {  	_ =	task.clear_ibuf [dreg:s9], $0x7FFFF;
	_ =	strace $0x90000046  }
0xb6: {  	s29 =	simm.s32 $0x9;
	_ =	strace $0x80000048  }
0xb7: {  	_ =	swait.ge [sflag:s29], $0x1  }
0xb8: {  	[sflag:s29] =	ssyncadd.s32 $0xFFFFFFFF  }
0xb9: {  	_ =	strace $0x90000048  }
0xba: {  	_ =	sfence  }
0xbb: {  	s30 =	sld [smem:$0x0];
	_ =	sdelay $0x2  }
0xbc: {  	s31 =	sshll.u32 s1, $0xD;
	s1 =	sshrl.u32 s1, $0x2  }
0xbd: {  	s3 =	sand.u32 $0x4000, s31;
	s1 =	sadd.s32 s1, s30  }
0xbe: {  	s0 =	sor.u32 s3, s0;
	s1 =	sshll.u32 s1, $0x11  }
0xbf: {  	s0 =	sor.u32 s1, s0  }
0xc0: {  	s0 =	sadd.s32 $0x8F2B, s0  }
0xc1: {  	[sflag:s0] =	ssyncadd.remote.s32 $0x1  }
0xc2: {  	_ =	sfence.sel $0xFFFF  }
0xc3: {  	[dreg:$0x0] =	wrdreg $0xFFFFFFFF;
	(pc) =	sbr.abs _section_cstart, $3  }
0xc4: {  	[dreg:$0x1] =	wrdreg $0xFFFFFFFF  }
0xc5: {  	_ =	task.clear_ibuf [dreg:s9], $0x2FFFF;
	_ =	strace $0x9FFFFFFF  }
0xc6: {  	(tm) =	ssettm $0x7FFFFFFF  }
0xc7: {  	_ =	shalt  }
tec
execute0_lowered:
.L_overlay_start_1:
0x0: {  	(tag) =	ssettag $0x1  }
0x1: {  	s0 =	rddreg [dreg:$0x0]  }
0x2: {  	s2 =	rddreg [dreg:$0x1]  }
0x3: {  	s1 =	rddreg [dreg:$0x2]  }
0x4: {  	s3 =	rddreg [dreg:$0x3];
	s4 =	simm.s32 $0x0  }
0x5: {  	s5 =	srdreg.scid;
	s6 =	stileid.u32;
	s15 =	simm.s32 $0xD0  }
0x6: {  	s16 =	simm.s32 $0x4980;
	s21 =	simm.s32 $0xC8;
	s22 =	simm.s32 $0xB180  }
0x7: {  	s23 =	simm.s32 $0x11A80;
	s24 =	simm.s32 $0x11C80;
	s25 =	simm.s32 $0x11E80  }
0x8: {  	v7 =	vlaneseq.u32;
	s28 =	simm.s32 $0x1;
	s29 =	simm.s32 $0x12180;
	s30 =	simm.s32 $0x2  }
0x9: {  	s31 =	simm.s32 $0x12280;
	s7 =	sand.u32 $0x1, s5;
	s6 =	sshll.u32 s6, $0x1;
	v18 =	vmul.u32 $0x80, v7  }
0xa: {  	s14 =	simm.s32 $0x0;
	[smem:$0x7FF] =	sst s4;
	s9 =	sor.u32 s7, s6  }
0xb: {  	_ =	strace $0x80000047;
	s10 =	ssub.s32 $0x2, s7;
	s7 =	smul.u32 $0x1900, s9;
	v8 =	vor.u32 $0x800, v18;
	[tilespmem:$0x1FF90] =	vst v18  }
0xc: {  	s5 =	sadd.s32 $0x49400, s0;
	s8 =	sadd.s32 $0xC000, s0;
	s12 =	smul.u32 $0x600, s9;
	v16 =	vor.u32 $0x1000, v18;
	[tilespmem:$0x1FFA0] =	vst v8  }
.Ltmp0:
0xd: {  	s6 =	sadd.s32 $0x2AA00, s0;
	s11 =	sshrl.u32 s10, $0x1;
	v17 =	vor.u32 $0x1800, v18;
	[tilespmem:$0x1FFB0] =	vst v16;
	(pc) =	sbr.rel .LBB2_1-.Ltmp0, $4  }
0xe: {  	s9 =	sadd.s32 $0x67E00, s0;
	v15 =	vor.u32 $0x2000, v18;
	s13 =	ssub.s32 s10, s11;
	[tilespmem:$0x1FFC0] =	vst v17;
	s26 =	sshrl.u32 s7, $0x3  }
0xf: {  	v23 =	vor.u32 $0x2800, v18;
	[tilespmem:$0x1FFD0] =	vst v15;
	s0 =	sadd.s32 s0, s12;
	s12 =	smax.u32 s13, $0x1;
	s13 =	simm.s32 $0x5  }
0x10: {  	v13 =	vor.u32 $0x3000, v18;
	[tilespmem:$0x1FFE0] =	vst v23;
	s2 =	sadd.s32 s2, s26;
	[dreg:$0x6] =	wrdreg s0;
	s26 =	simm.s32 $0x12080  }
0x11: {  	[tilespmem:$0x1FFF0] =	vst v13;
	s0 =	simm.s32 $0x3;
	[dreg:$0x5] =	wrdreg s2;
	s2 =	simm.s32 $0x4  }
.LBB2_12:
0x12: {  	_ =	swait.ge [sflag:s0], $0xC8  }
0x13: {  	[sflag:s0] =	ssyncset.done $0x0  }
0x14: {  	[sflag:s0] =	ssyncadd.s32 $0xFFFFFF38  }
0x15: {  	_ =	swait.ge [sflag:s2], $0xC8  }
0x16: {  	s14 =	sadd.s32 $0x1, s14;
	v18 =	vld [tilespmem:$0x1FF90]  }
0x17: {  	p0 =	sne.s32 s14, s12;
	v8 =	vld [tilespmem:$0x1FFA0]  }
.Ltmp1:
0x18: {  	v16 =	vld [tilespmem:$0x1FFB0];
	(pc) =	sbr.rel @!p0 .LBB2_13-.Ltmp1, $4  }
0x19: {  	v17 =	vld [tilespmem:$0x1FFC0]  }
0x1a: {  	v15 =	vld [tilespmem:$0x1FFD0]  }
0x1b: {  	[sflag:s2] =	ssyncset.done $0x0;
	v23 =	vld [tilespmem:$0x1FFE0]  }
0x1c: {  	v7 =	vlaneseq.u32;
	v13 =	vld [tilespmem:$0x1FFF0];
	[sflag:s2] =	ssyncadd.s32 $0xFFFFFF38  }
.LBB2_1:
0x1d: {  	s10 =	rddreg [dreg:$0x5]  }
0x1e: {  	[tilespmem:s4], [sflag:$0x5] =	stream.linear.gather [hbm4b:s10+s4], $0x1900, $0x38;
	[tilespmem:$0x12380] =	vst v63  }
0x1f: {  	_ =	swait.ge [sflag:s13], $0x1900  }
0x20: {  	[sflag:s13] =	ssyncset.done $0x0  }
0x21: {  	s11 =	simm.s32 $0x1980;
	s20 =	rddreg [dreg:$0x6];
	[sflag:s13] =	ssyncadd.s32 $0xFFFFE700  }
0x22: {  	[tilespmem:s11], [sflag:$0x5] =	stream.linear.gather [hbm4b:s20+s4], $0x3000, $0x38;
	[tilespmem:$0x12380] =	vst v63  }
0x23: {  	_ =	swait.ge [sflag:s13], $0x3000  }
0x24: {  	[sflag:s13] =	ssyncset.done $0x0  }
0x25: {  	v0 =	vimm.s32 $0x0;
	[sflag:s13] =	ssyncadd.s32 $0xFFFFD000  }
0x26: {  	[tilespmem:$0x1900] =	vst v0  }
0x27: {  	[tilespmem:s16], [sflag:$0x1] =	stream.indirect.gather [hbm4b:s1+s15], $0x80, s4, s15, $0xb8;
	[tilespmem:$0x12380] =	vst v63  }
0x28: {  	s17 =	simm.s32 $0x11980  }
0x29: {  	[tilespmem:s17], [sflag:$0x1] =	stream.indirect.gather [hbm4b:s5+s15], $0x1, s4, s15, $0xb8;
	[tilespmem:$0x12380] =	vst v63  }
0x2a: {  	s18 =	simm.s32 $0x11B80  }
0x2b: {  	[tilespmem:s18], [sflag:$0x1] =	stream.indirect.gather [hbm4b:s6+s15], $0x1, s4, s15, $0xb8;
	[tilespmem:$0x12380] =	vst v63  }
0x2c: {  	s19 =	simm.s32 $0x11D80  }
0x2d: {  	[tilespmem:s19], [sflag:$0x1] =	stream.indirect.gather [hbm4b:s8+s15], $0x1, s4, s15, $0xb8;
	[tilespmem:$0x12380] =	vst v63  }
0x2e: {  	s20 =	simm.s32 $0x11F80  }
0x2f: {  	[tilespmem:s20], [sflag:$0x1] =	stream.indirect.gather [hbm4b:s3+s15], $0x1, s4, s15, $0xb8;
	[tilespmem:$0x12380] =	vst v63  }
0x30: {  	_ = 	snop  }
0x31: {  	[tilespmem:s22], [sflag:$0x2] =	stream.indirect.gather [hbm4b:s1+s15], $0x80, s21, s15, $0xb8;
	[tilespmem:$0x12380] =	vst v63  }
0x32: {  	_ = 	snop  }
0x33: {  	[tilespmem:s23], [sflag:$0x2] =	stream.indirect.gather [hbm4b:s5+s15], $0x1, s21, s15, $0xb8;
	[tilespmem:$0x12380] =	vst v63  }
0x34: {  	_ = 	snop  }
0x35: {  	[tilespmem:s24], [sflag:$0x2] =	stream.indirect.gather [hbm4b:s6+s15], $0x1, s21, s15, $0xb8;
	[tilespmem:$0x12380] =	vst v63  }
0x36: {  	_ = 	snop  }
0x37: {  	[tilespmem:s25], [sflag:$0x2] =	stream.indirect.gather [hbm4b:s8+s15], $0x1, s21, s15, $0xb8;
	[tilespmem:$0x12380] =	vst v63  }
0x38: {  	s17 =	simm.s32 $0x0  }
0x39: {  	[tilespmem:s26], [sflag:$0x2] =	stream.indirect.gather [hbm4b:s3+s15], $0x1, s21, s15, $0xb8;
	[tilespmem:$0x12380] =	vst v63  }
.LBB2_2:
0x3a: {  	_ =	swait.ge [sflag:s28], $0x6800  }
0x3b: {  	[sflag:s28] =	ssyncset.done $0x0  }
0x3c: {  	[sflag:s28] =	ssyncadd.s32 $0xFFFF9800  }
0x3d: {  	_ =	swait.ge [sflag:s28], $0xD0  }
0x3e: {  	[sflag:s28] =	ssyncset.done $0x0  }
0x3f: {  	[sflag:s28] =	ssyncadd.s32 $0xFFFFFF30  }
0x40: {  	_ =	swait.ge [sflag:s28], $0xD0  }
0x41: {  	[sflag:s28] =	ssyncset.done $0x0  }
0x42: {  	[sflag:s28] =	ssyncadd.s32 $0xFFFFFF30  }
0x43: {  	s18 =	smul.u32 $0xC00, s17;
	_ =	swait.ge [sflag:s28], $0xD0  }
0x44: {  	s20 =	simm.s32 $0x1;
	[sflag:s28] =	ssyncset.done $0x0  }
0x45: {  	p1 =	seq.s32 s17, $0x0;
	s18 =	sshra.s32 s18, $0x2;
	[sflag:s28] =	ssyncadd.s32 $0xFFFFFF30  }
0x46: {  	s11 =	simm.s32 $0x0;
	s19 =	sadd.s32 $0x1A80, s18;
	_ =	swait.ge [sflag:s28], $0xD0  }
0x47: {  	v0 =	vadd.s32 s20, v7;
	s20 =	sand.u32 $0x70, s11;
	s10 =	sadd.s32 $0x1A00, s18;
	v4 =	vmov s19;
	[sflag:s28] =	ssyncset.done $0x0  }
0x48: {  	v0 =	vand.u32 $0xF, v0;
	s18 =	sadd.s32 $0x1980, s18;
	s19 =	simm.s32 @!p1 $0x3;
	v9 =	vmov s10;
	[sflag:s28] =	ssyncadd.s32 $0xFFFFFF30  }
0x49: {  	v1 =	vor.u32 s20, v0;
	v11 =	vmov s18;
	_ =	swait.ge @!p1 [sflag:s19], $0xC8  }
0x4a: {  	v2 =	vor.u32 v15, v1;
	[sflag:s19] =	ssyncset.done @!p1 $0x0  }
0x4b: {  	v39 =	vimm.f32 $0.0e+00;
	v3 =	vor.u32 v18, v1;
	[sflag:s19] =	ssyncadd.s32 @!p1 $0xFFFFFF38  }
0x4c: {  	v50 =	vimm.f32 $0.0e+00;
	v36 =	vimm.f32 $0.0e+00;
	v5 =	vor.u32 v23, v1;
	[tilespmem:$0x1FF60] =	vst v4;
	v4 =	vld.idx.msk [tilespmem:v4+s20+$0x0 ss:$0x1], $0xffff  }
0x4d: {  	v42 =	vimm.f32 $0.0e+00;
	v7 =	vadd.s32 s11, v7;
	v6 =	vor.u32 v16, v1;
	[tilespmem:$0x1FF70] =	vst v9;
	v9 =	vld.idx.msk [tilespmem:v9+s20+$0x0 ss:$0x1], $0xffff  }
0x4e: {  	v33 =	vimm.f32 $0.0e+00;
	v7 =	vand.u32 $0xF, v7;
	v10 =	vor.u32 v8, v1;
	[tilespmem:$0x1FF80] =	vst v11;
	v11 =	vld.idx.msk [tilespmem:v11+s20+$0x0 ss:$0x1], $0xffff  }
0x4f: {  	v32 =	vimm.f32 $0.0e+00;
	v14 =	vor.u32 s20, v7;
	v12 =	vor.u32 v17, v1;
	v19 =	vld.idx.msk [tilespmem:v2+s16+$0x0], $0xffff  }
0x50: {  	v52 =	vimm.f32 $0.0e+00;
	v31 =	vimm.f32 $0.0e+00;
	v37 =	vld.idx.msk [tilespmem:v3+s16+$0x0], $0xffff;
	v2 =	vor.u32 v18, v14  }
0x51: {  	v47 =	vimm.f32 $0.0e+00;
	v53 =	vimm.f32 $0.0e+00;
	v3 =	vor.u32 v16, v14;
	v44 =	vld.idx.msk [tilespmem:v5+s16+$0x0], $0xffff  }
0x52: {  	v40 =	vimm.f32 $0.0e+00;
	v26 =	vimm.f32 $0.0e+00;
	v49 =	vld.idx.msk [tilespmem:v6+s16+$0x0], $0xffff;
	v5 =	vor.u32 v13, v14  }
0x53: {  	v29 =	vimm.f32 $0.0e+00;
	v46 =	vld.idx.msk [tilespmem:v10+s16+$0x0], $0xffff;
	v34 =	vperm.xlane v9, v0;
	v41 =	vperm.xlane v4, v0  }
0x54: {  	v24 =	vimm.f32 $0.0e+00;
	v38 =	vld.idx.msk [tilespmem:v12+s16+$0x0], $0xffff;
	v48 =	vperm.xlane v11, v0;
	v25 =	vperm.xlane v9, v7  }
0x55: {  	v21 =	vor.u32 v13, v1;
	v28 =	vld.idx.msk [tilespmem:v2+s16+$0x0], $0xffff;
	v35 =	vperm.xlane v11, v7;
	v27 =	vperm.xlane v4, v7  }
0x56: {  	v22 =	vor.u32 v17, v14;
	v20 =	vld.idx.msk [tilespmem:v3+s16+$0x0], $0xffff;
	v10 =	vmul.f32 v19, v34;
	v18 =	vmul.f32 v19, v41  }
0x57: {  	v45 =	vld.idx.msk [tilespmem:v5+s16+$0x0], $0xffff;
	v5 =	vor.u32 v8, v14;
	v58 =	vmul.f32 v44, v48;
	v9 =	vmul.f32 v44, v34  }
0x58: {  	v7 =	vor.u32 v15, v14;
	v12 =	vmul.f32 v37, v34;
	v2 =	vmul.f32 v49, v34  }
0x59: {  	v16 =	vmovc v13;
	v4 =	vor.u32 v23, v14;
	v13 =	vmul.f32 v46, v41;
	v11 =	vmul.f32 v38, v41  }
0x5a: {  	v51 =	vld.idx.msk [tilespmem:v21+s16+$0x0], $0xffff;
	v21 =	vimm.f32 $0.0e+00;
	v30 =	vmul.f32 v49, v48;
	v56 =	vmul.f32 v19, v48  }
0x5b: {  	v55 =	vld.idx.msk [tilespmem:v22+s16+$0x0], $0xffff;
	v22 =	vimm.f32 $0.0e+00;
	v1 =	vmul.f32 v37, v48;
	v19 =	vmul.f32 v38, v48  }
0x5c: {  	v8 =	vmovc v23;
	v23 =	vimm.f32 $0.0e+00;
	v0 =	vmul.f32 v28, v35;
	v3 =	vmul.f32 v20, v25;
	v43 =	vld.idx.msk [tilespmem:v5+s16+$0x0], $0xffff  }
0x5d: {  	v14 =	vimm.f32 $0.0e+00;
	v6 =	vmul.f32 v45, v35;
	v63 =	vmul.f32 v45, v27;
	v54 =	vld.idx.msk [tilespmem:v7+s16+$0x0], $0xffff  }
0x5e: {  	s18 =	sshll.u32 s17, $0x1;
	s19 =	simm.s32 $0x2;
	v57 =	vld.idx.msk [tilespmem:v4+s16+$0x0], $0xffff;
	v0 =	vadd.f32 v0, v39;
	v59 =	vadd.f32 v3, v39;
	v3 =	vimm.f32 $0.0e+00  }
.LBB2_3:
0x5f: {  	v60 =	vmul.f32 v46, v34  }
0x60: {  	v61 =	vmul.f32 v37, v41;
	v62 =	vmul.f32 v51, v34  }
0x61: {  	v45 =	vmul.f32 v45, v25;
	v5 =	vadd.f32 v6, v39;
	v6 =	vmul.f32 v49, v41  }
0x62: {  	v49 =	vadd.f32 v63, v50;
	v63 =	vmul.f32 v46, v48;
	v46 =	vmul.f32 v51, v48  }
0x63: {  	v0 =	vadd.f32 v1, v0;
	v1 =	vmul.f32 v28, v27;
	v4 =	vmul.f32 v54, v25  }
0x64: {  	v7 =	vmul.f32 v57, v35;
	v39 =	vmul.f32 v57, v27  }
0x65: {  	v50 =	vmul.f32 v55, v25;
	v48 =	vmul.f32 v54, v35;
	v3 =	vadd.f32 v4, v3  }
0x66: {  	v4 =	vadd.f32 v2, v59;
	v2 =	vmul.f32 v57, v25;
	v59 =	vmul.f32 v38, v34  }
0x67: {  	v7 =	vadd.f32 v7, v36;
	v38 =	vmul.f32 v54, v27;
	v54 =	vmul.f32 v51, v41  }
0x68: {  	v42 =	vadd.f32 v50, v42;
	v33 =	vadd.f32 v39, v33;
	v57 =	vmul.f32 v43, v27  }
0x69: {  	v36 =	vadd.f32 v58, v7;
	v7 =	vmul.f32 v44, v41;
	v50 =	vadd.f32 v54, v49;
	v49 =	vld [tilespmem:$0x1FF90]  }
0x6a: {  	v44 =	vmul.f32 v43, v25;
	v25 =	vmul.f32 v28, v25;
	v40 =	vadd.f32 v57, v40;
	v57 =	vld [tilespmem:$0x1FF80]  }
0x6b: {  	s20 =	smov.u32 s19;
	v37 =	vmul.f32 v55, v35;
	v42 =	vadd.f32 v59, v42;
	v59 =	vld [tilespmem:$0x1FF70];
	v33 =	vadd.f32 v7, v33  }
0x6c: {  	s10 =	sadd.s32 $0x1, s20;
	v51 =	vlaneseq.u32;
	v7 =	vadd.f32 v48, v32;
	v53 =	vadd.f32 v25, v53;
	v25 =	vld [tilespmem:$0x1FF60]  }
0x6d: {  	v39 =	vadd.f32 v46, v5;
	v5 =	vmul.f32 v55, v27;
	v55 =	vadd.s32 s10, v51;
	v58 =	vld [tilespmem:$0x1FFB0]  }
0x6e: {  	s11 =	sand.u32 $0x70, s20;
	v31 =	vadd.f32 v45, v31;
	v32 =	vadd.f32 v56, v7;
	v7 =	vand.u32 $0xF, v55  }
0x6f: {  	v1 =	vadd.f32 v1, v29;
	v48 =	vadd.f32 v44, v52;
	v52 =	vld [tilespmem:$0x1FFA0];
	v34 =	vor.u32 s11, v7  }
0x70: {  	v45 =	vadd.f32 v37, v47;
	v44 =	vmul.f32 v20, v35;
	v28 =	vor.u32 v49, v34  }
0x71: {  	v29 =	vadd.s32 s20, v51;
	v21 =	vadd.f32 v38, v21;
	v41 =	vor.u32 v15, v34  }
0x72: {  	v35 =	vmul.f32 v43, v35;
	v26 =	vadd.f32 v44, v26;
	v46 =	vor.u32 v58, v34;
	v54 =	vld.idx.msk [tilespmem:v57+s11+$0x0 ss:$0x1], $0xffff  }
0x73: {  	v20 =	vmul.f32 v20, v27;
	v27 =	vand.u32 $0xF, v29;
	v44 =	vor.u32 v8, v34;
	v47 =	vld.idx.msk [tilespmem:v59+s11+$0x0 ss:$0x1], $0xffff  }
0x74: {  	v26 =	vadd.f32 v30, v26;
	v30 =	vor.u32 s11, v27;
	v43 =	vor.u32 v52, v34;
	v55 =	vld.idx.msk [tilespmem:v25+s11+$0x0 ss:$0x1], $0xffff  }
0x75: {  	v29 =	vadd.f32 v61, v1;
	v1 =	vor.u32 v58, v30;
	v37 =	vld.idx.msk [tilespmem:v28+s16+$0x0], $0xffff  }
0x76: {  	v21 =	vadd.f32 v18, v21;
	v23 =	vadd.f32 v35, v23;
	v35 =	vor.u32 v52, v30;
	v56 =	vld.idx.msk [tilespmem:v41+s16+$0x0], $0xffff  }
0x77: {  	v20 =	vadd.f32 v20, v24;
	v18 =	vor.u32 v49, v30;
	v25 =	vor.u32 v16, v34;
	v49 =	vld.idx.msk [tilespmem:v46+s16+$0x0], $0xffff  }
0x78: {  	v31 =	vadd.f32 v62, v31;
	v3 =	vadd.f32 v10, v3;
	v28 =	vor.u32 v17, v34;
	v44 =	vld.idx.msk [tilespmem:v44+s16+$0x0], $0xffff  }
0x79: {  	v5 =	vadd.f32 v5, v14;
	v24 =	vadd.f32 v6, v20;
	v61 =	vor.u32 v8, v30;
	v46 =	vld.idx.msk [tilespmem:v43+s16+$0x0], $0xffff  }
0x7a: {  	v62 =	vor.u32 v16, v30;
	v52 =	vadd.f32 v60, v48;
	v59 =	vor.u32 v17, v30;
	v20 =	vld.idx.msk [tilespmem:v1+s16+$0x0], $0xffff  }
0x7b: {  	v30 =	vor.u32 v15, v30;
	v43 =	vld.idx.msk [tilespmem:v35+s16+$0x0], $0xffff;
	v34 =	vperm.xlane v47, v7;
	v48 =	vperm.xlane v54, v7  }
0x7c: {  	v40 =	vadd.f32 v13, v40;
	v35 =	vperm.xlane v54, v27;
	v41 =	vperm.xlane v55, v7;
	v51 =	vld.idx.msk [tilespmem:v25+s16+$0x0], $0xffff  }
0x7d: {  	v14 =	vadd.f32 v11, v5;
	v25 =	vperm.xlane v47, v27;
	v27 =	vperm.xlane v55, v27;
	v38 =	vld.idx.msk [tilespmem:v28+s16+$0x0], $0xffff  }
0x7e: {  	v53 =	vadd.f32 v12, v53;
	v28 =	vld.idx.msk [tilespmem:v18+s16+$0x0], $0xffff;
	v6 =	vmul.f32 v56, v34;
	v58 =	vmul.f32 v44, v48  }
0x7f: {  	v47 =	vadd.f32 v19, v45;
	v45 =	vld.idx.msk [tilespmem:v62+s16+$0x0], $0xffff;
	v1 =	vmul.f32 v44, v34;
	v19 =	vmul.f32 v37, v34  }
0x80: {  	p0 =	slt.u32 s19, $0x7E;
	v54 =	vld.idx.msk [tilespmem:v30+s16+$0x0], $0xffff;
	v7 =	vadd.f32 v2, v22;
	v2 =	vmul.f32 v49, v34;
	v30 =	vmul.f32 v49, v48  }
.Ltmp2:
0x81: {  	v23 =	vadd.f32 v63, v23;
	v18 =	vmul.f32 v56, v41;
	v13 =	vmul.f32 v46, v41;
	(pc) =	sbr.rel @p0 .LBB2_3-.Ltmp2, $4  }
0x82: {  	v57 =	vld.idx.msk [tilespmem:v61+s16+$0x0], $0xffff;
	v22 =	vadd.f32 v9, v7;
	v7 =	vmul.f32 v20, v25;
	v56 =	vmul.f32 v56, v48  }
0x83: {  	v55 =	vld.idx.msk [tilespmem:v59+s16+$0x0], $0xffff;
	v9 =	vmov v1;
	v1 =	vmul.f32 v37, v48;
	v5 =	vmul.f32 v28, v35  }
0x84: {  	v10 =	vmovc v6;
	v59 =	vadd.f32 v7, v4;
	v6 =	vmul.f32 v45, v35;
	v63 =	vmul.f32 v45, v27  }
0x85: {  	s19 =	sadd.s32 $0x2, s19;
	v12 =	vmovc v19;
	v11 =	vmul.f32 v38, v41;
	v19 =	vmul.f32 v38, v48;
	v0 =	vadd.f32 v5, v0  }
0x86: {  	v4 =	vld [tilespmem:$0x11980]  }
0x87: {  	v5 =	vld [tilespmem:$0x11B80]  }
0x88: {  	v7 =	vld [tilespmem:$0x11D80];
	_ =	sdelay $0x3  }
0x89: {  	v60 =	vmax.f32 v4, v5  }
0x8a: {  	v60 =	vmax.f32 v60, v7  }
0x8b: {  	v4 =	vsub.f32 v4, v60  }
0x8c: {  	v5 =	vsub.f32 v5, v60  }
0x8d: {  	v4 =	vmul.f32 $1.442695020e+00, v4  }
0x8e: {  	v7 =	vsub.f32 v7, v60;
	v5 =	vmul.f32 $1.442695020e+00, v5  }
0x8f: {  	(erf) = vpow2.f32 v4  }
0x90: {  	v4 =	vmul.f32 $1.442695020e+00, v7;
	(erf) = vpow2.f32 v5;
	_ =	sdelay $0x1  }
0x91: {  	(erf) = vpow2.f32 v4  }
0x92: {  	v5 =	vld [tilespmem:$0x11B90]  }
0x93: {  	v4 =	vld [tilespmem:$0x11990]  }
0x94: {  	v7 =	vld [tilespmem:$0x11D90];
	_ =	sdelay $0x2  }
0x95: {  	v16 =	vpop (erf)  }
0x96: {  	v60 =	vmax.f32 v4, v5;
	v15 =	vpop (erf)  }
0x97: {  	v60 =	vmax.f32 v60, v7;
	v61 =	vadd.f32 v15, v16  }
0x98: {  	v4 =	vsub.f32 v4, v60;
	v17 =	vpop (erf)  }
0x99: {  	v5 =	vsub.f32 v5, v60;
	v61 =	vadd.f32 v61, v17  }
0x9a: {  	v4 =	vmul.f32 $1.442695020e+00, v4  }
0x9b: {  	v7 =	vsub.f32 v7, v60;
	v5 =	vmul.f32 $1.442695020e+00, v5;
	(erf) = vrcp.f32 v61  }
0x9c: {  	(erf) = vpow2.f32 v4  }
0x9d: {  	v4 =	vmul.f32 $1.442695020e+00, v7;
	(erf) = vpow2.f32 v5;
	_ =	sdelay $0x1  }
0x9e: {  	(erf) = vpow2.f32 v4  }
0x9f: {  	v5 =	vld [tilespmem:$0x11BA0]  }
0xa0: {  	v4 =	vld [tilespmem:$0x119A0]  }
0xa1: {  	v7 =	vld [tilespmem:$0x11DA0];
	_ =	sdelay $0x1  }
0xa2: {  	v8 =	vpop (erf)  }
0xa3: {  	[tilespmem:$0x1FED0] =	vst v8;
	v8 =	vpop (erf)  }
0xa4: {  	v60 =	vmax.f32 v4, v5;
	v61 =	vpop (erf)  }
0xa5: {  	v60 =	vmax.f32 v60, v7;
	[tilespmem:$0x1FE80] =	vst v61;
	v61 =	vadd.f32 v61, v8  }
0xa6: {  	v4 =	vsub.f32 v4, v60;
	[tilespmem:$0x1FE70] =	vst v8;
	v8 =	vpop (erf)  }
0xa7: {  	v5 =	vsub.f32 v5, v60;
	v61 =	vadd.f32 v61, v8  }
0xa8: {  	v4 =	vmul.f32 $1.442695020e+00, v4  }
0xa9: {  	v7 =	vsub.f32 v7, v60;
	v5 =	vmul.f32 $1.442695020e+00, v5;
	(erf) = vrcp.f32 v61  }
0xaa: {  	(erf) = vpow2.f32 v4  }
0xab: {  	v4 =	vmul.f32 $1.442695020e+00, v7;
	(erf) = vpow2.f32 v5;
	_ =	sdelay $0x1  }
0xac: {  	(erf) = vpow2.f32 v4  }
0xad: {  	v5 =	vld [tilespmem:$0x11BB0]  }
0xae: {  	v4 =	vld [tilespmem:$0x119B0]  }
0xaf: {  	v7 =	vld [tilespmem:$0x11DB0];
	_ =	sdelay $0x1  }
0xb0: {  	v60 =	vpop (erf)  }
0xb1: {  	[tilespmem:$0x1FEB0] =	vst v8;
	v8 =	vpop (erf)  }
0xb2: {  	[tilespmem:$0x1FEE0] =	vst v60;
	v60 =	vmax.f32 v4, v5;
	v61 =	vpop (erf)  }
0xb3: {  	v60 =	vmax.f32 v60, v7;
	v62 =	vadd.f32 v61, v8  }
0xb4: {  	[tilespmem:$0x1FE90] =	vst v8;
	v4 =	vsub.f32 v4, v60;
	v8 =	vpop (erf)  }
0xb5: {  	v5 =	vsub.f32 v5, v60;
	v62 =	vadd.f32 v62, v8  }
0xb6: {  	v4 =	vmul.f32 $1.442695020e+00, v4  }
0xb7: {  	v7 =	vsub.f32 v7, v60;
	v5 =	vmul.f32 $1.442695020e+00, v5;
	(erf) = vrcp.f32 v62  }
0xb8: {  	(erf) = vpow2.f32 v4  }
0xb9: {  	v4 =	vmul.f32 $1.442695020e+00, v7;
	(erf) = vpow2.f32 v5;
	_ =	sdelay $0x1  }
0xba: {  	(erf) = vpow2.f32 v4  }
0xbb: {  	[tilespmem:$0x1FEC0] =	vst v8;
	v8 =	vld [tilespmem:$0x11BC0]  }
0xbc: {  	v7 =	vld [tilespmem:$0x119C0]  }
0xbd: {  	[tilespmem:$0x1FEA0] =	vst v61;
	v61 =	vld [tilespmem:$0x11DC0];
	_ =	sdelay $0x1  }
0xbe: {  	v4 =	vpop (erf)  }
0xbf: {  	v5 =	vpop (erf)  }
0xc0: {  	v60 =	vmax.f32 v7, v8;
	[tilespmem:$0x1FEF0] =	vst v4;
	v62 =	vpop (erf)  }
0xc1: {  	v4 =	vmax.f32 v60, v61;
	[tilespmem:$0x1FF00] =	vst v5;
	v60 =	vadd.f32 v62, v5  }
0xc2: {  	[tilespmem:$0x1FF10] =	vst v62;
	v5 =	vsub.f32 v7, v4;
	v62 =	vpop (erf)  }
0xc3: {  	[tilespmem:$0x1FF20] =	vst v62;
	v60 =	vadd.f32 v60, v62;
	v62 =	vsub.f32 v8, v4  }
0xc4: {  	v5 =	vmul.f32 $1.442695020e+00, v5  }
0xc5: {  	v4 =	vsub.f32 v61, v4;
	(erf) = vrcp.f32 v60;
	v7 =	vmul.f32 $1.442695020e+00, v62  }
0xc6: {  	(erf) = vpow2.f32 v5  }
0xc7: {  	v4 =	vmul.f32 $1.442695020e+00, v4;
	(erf) = vpow2.f32 v7;
	_ =	sdelay $0x1  }
0xc8: {  	(erf) = vpow2.f32 v4  }
0xc9: {  	v60 =	vld [tilespmem:$0x11BD0]  }
0xca: {  	v4 =	vld [tilespmem:$0x119D0]  }
0xcb: {  	v61 =	vld [tilespmem:$0x11DD0];
	_ =	sdelay $0x1  }
0xcc: {  	v5 =	vpop (erf)  }
0xcd: {  	v7 =	vpop (erf)  }
0xce: {  	v62 =	vmax.f32 v4, v60;
	[tilespmem:$0x1FF50] =	vst v5;
	v5 =	vpop (erf)  }
0xcf: {  	v62 =	vmax.f32 v62, v61;
	[tilespmem:$0x1FF40] =	vst v5;
	v5 =	vadd.f32 v5, v7  }
0xd0: {  	v4 =	vsub.f32 v4, v62;
	[tilespmem:$0x1FF30] =	vst v7;
	v7 =	vpop (erf)  }
0xd1: {  	v5 =	vadd.f32 v5, v7  }
0xd2: {  	v2 =	vadd.f32 v2, v59;
	v44 =	vmul.f32 v44, v41;
	v4 =	vmul.f32 $1.442695020e+00, v4  }
0xd3: {  	v59 =	vmul.f32 v43, v25;
	v60 =	vsub.f32 v60, v62;
	(erf) = vrcp.f32 v5  }
0xd4: {  	v6 =	vadd.f32 v6, v39;
	v45 =	vmul.f32 v45, v25;
	(erf) = vpow2.f32 v4  }
0xd5: {  	v0 =	vadd.f32 v1, v0;
	v4 =	vmul.f32 $1.442695020e+00, v60;
	v60 =	vmul.f32 v57, v35  }
0xd6: {  	v5 =	vsub.f32 v61, v62;
	v62 =	vadd.f32 v63, v50;
	v63 =	vmul.f32 v51, v48  }
0xd7: {  	v61 =	vmul.f32 v38, v34;
	v36 =	vadd.f32 v60, v36;
	v60 =	vmul.f32 v51, v41  }
0xd8: {  	v31 =	vadd.f32 v45, v31;
	v5 =	vmul.f32 $1.442695020e+00, v5;
	(erf) = vpow2.f32 v4  }
0xd9: {  	v4 =	vmul.f32 v54, v25;
	v38 =	vadd.f32 v60, v62;
	v60 =	vmul.f32 v28, v25  }
0xda: {  	v1 =	vadd.f32 v63, v6;
	(erf) = vpow2.f32 v5;
	v5 =	vmul.f32 v55, v25  }
0xdb: {  	v3 =	vadd.f32 v4, v3;
	v45 =	vadd.f32 v60, v53;
	v60 =	vmul.f32 v20, v35  }
0xdc: {  	v8 =	vld [tilespmem:$0x1FE90];
	v4 =	vmul.f32 v57, v27;
	v36 =	vadd.f32 v58, v36;
	v5 =	vadd.f32 v5, v42  }
0xdd: {  	v0 =	vmul.f32 v16, v0;
	v26 =	vadd.f32 v60, v26;
	v12 =	vadd.f32 v12, v45  }
0xde: {  	v58 =	vmul.f32 v54, v35;
	v42 =	vadd.f32 v59, v52;
	v52 =	vld [tilespmem:$0x11DE0];
	v4 =	vadd.f32 v4, v33  }
0xdf: {  	v33 =	vmul.f32 v49, v41;
	v49 =	vld [tilespmem:$0x11BE0];
	v26 =	vadd.f32 v30, v26;
	v12 =	vmul.f32 v15, v12  }
0xe0: {  	v6 =	vadd.f32 v58, v32;
	v32 =	vmul.f32 v46, v48;
	v4 =	vadd.f32 v44, v4;
	v44 =	vld [tilespmem:$0x119E0];
	v48 =	vpop (erf)  }
0xe1: {  	v59 =	vmul.f32 v43, v35;
	v50 =	vpop (erf);
	v0 =	vadd.f32 v12, v0;
	v12 =	vmul.f32 v8, v26;
	v8 =	vld [tilespmem:$0x1FEA0]  }
0xe2: {  	v6 =	vadd.f32 v56, v6;
	v15 =	vld [tilespmem:$0x1FE70];
	v56 =	vpop (erf)  }
0xe3: {  	v37 =	vmul.f32 v37, v41;
	v23 =	vadd.f32 v59, v23;
	v62 =	vadd.f32 v56, v50  }
0xe4: {  	v28 =	vmul.f32 v28, v27;
	v20 =	vmul.f32 v20, v27;
	v5 =	vadd.f32 v61, v5;
	v58 =	vpop (erf)  }
0xe5: {  	v23 =	vadd.f32 v32, v23;
	v61 =	vadd.f32 v62, v58;
	v62 =	vmax.f32 v44, v49  }
0xe6: {  	v39 =	vmax.f32 v62, v52;
	v62 =	vmul.f32 v54, v27;
	v2 =	vmul.f32 v8, v2;
	v8 =	vld [tilespmem:$0x1FEC0]  }
0xe7: {  	v46 =	vmul.f32 v46, v34;
	v20 =	vadd.f32 v20, v24;
	v23 =	vmul.f32 v15, v23;
	v15 =	vld [tilespmem:$0x1FE80]  }
0xe8: {  	v53 =	vmul.f32 v43, v27;
	v28 =	vadd.f32 v28, v29;
	v21 =	vadd.f32 v62, v21  }
0xe9: {  	v24 =	vmul.f32 v55, v27;
	v20 =	vadd.f32 v33, v20;
	v27 =	vadd.f32 v46, v42  }
0xea: {  	v25 =	vmul.f32 v57, v25;
	v18 =	vadd.f32 v18, v21;
	v21 =	vadd.f32 v37, v28  }
0xeb: {  	v2 =	vadd.f32 v2, v12;
	v12 =	vmul.f32 v8, v20;
	v8 =	vld [tilespmem:$0x1FED0]  }
0xec: {  	v22 =	vadd.f32 v25, v22;
	v25 =	vmul.f32 v15, v27;
	v15 =	vld [tilespmem:$0x1FEB0];
	v21 =	vmul.f32 v17, v21  }
0xed: {  	v40 =	vadd.f32 v53, v40  }
0xee: {  	v0 =	vadd.f32 v0, v21  }
0xef: {  	v13 =	vadd.f32 v13, v40  }
0xf0: {  	v0 =	vmul.f32 v8, v0;
	v8 =	vld [tilespmem:$0x1FEE0]  }
0xf1: {  	v23 =	vadd.f32 v25, v23;
	v13 =	vmul.f32 v15, v13;
	_ =	sdelay $0x1  }
0xf2: {  	v13 =	vadd.f32 v23, v13;
	_ =	sdelay $0x1  }
0xf3: {  	v13 =	vmul.f32 v8, v13;
	v8 =	vld [tilespmem:$0x1FEF0];
	_ =	sdelay $0x2  }
0xf4: {  	v2 =	vadd.f32 v2, v12  }
0xf5: {  	v63 =	vmul.f32 v55, v35  }
0xf6: {  	v2 =	vmul.f32 v8, v2;
	v8 =	vld [tilespmem:$0x1FF00]  }
0xf7: {  	v41 =	vadd.f32 v63, v47;
	_ =	sdelay $0x1  }
0xf8: {  	v19 =	vadd.f32 v19, v41;
	v14 =	vadd.f32 v24, v14;
	_ =	sdelay $0x1  }
0xf9: {  	v11 =	vadd.f32 v11, v14;
	v14 =	vmul.f32 v8, v19;
	v8 =	vld [tilespmem:$0x1FF10]  }
0xfa: {  	v63 =	vsub.f32 v44, v39  }
0xfb: {  	(erf) = vrcp.f32 v61;
	v61 =	vsub.f32 v49, v39  }
0xfc: {  	v51 =	vmul.f32 v51, v34;
	v34 =	vmul.f32 $1.442695020e+00, v63  }
0xfd: {  	v29 =	vsub.f32 v52, v39;
	v63 =	vmul.f32 $1.442695020e+00, v61  }
0xfe: {  	(erf) = vpow2.f32 v34;
	v5 =	vmul.f32 v8, v5;
	v8 =	vld [tilespmem:$0x1FF20]  }
0xff: {  	v29 =	vmul.f32 $1.442695020e+00, v29;
	(erf) = vpow2.f32 v63;
	_ =	sdelay $0x1  }
0x100: {  	(erf) = vpow2.f32 v29;
	_ =	sdelay $0x1  }
0x101: {  	v3 =	vadd.f32 v10, v3;
	v10 =	vmul.f32 v8, v11;
	v8 =	vld [tilespmem:$0x1FF30];
	_ =	sdelay $0x2  }
0x102: {  	v27 =	vpop (erf)  }
0x103: {  	v26 =	vpop (erf)  }
0x104: {  	v25 =	vpop (erf);
	v6 =	vmul.f32 v8, v6;
	v8 =	vld [tilespmem:$0x1FF40]  }
0x105: {  	v20 =	vadd.f32 v25, v26  }
0x106: {  	v12 =	vpop (erf)  }
0x107: {  	v20 =	vadd.f32 v20, v12  }
0x108: {  	v21 =	vld [tilespmem:$0x11F80]  }
0x109: {  	v9 =	vadd.f32 v9, v22;
	(erf) = vrcp.f32 v20;
	v3 =	vmul.f32 v8, v3;
	v8 =	vld [tilespmem:$0x1FF50]  }
0x10a: {  	v31 =	vadd.f32 v51, v31;
	v7 =	vmul.f32 v7, v18;
	v18 =	vld [tilespmem:$0x11FA0];
	v5 =	vadd.f32 v5, v14  }
0x10b: {  	v9 =	vmul.f32 v56, v9;
	v19 =	vld [tilespmem:$0x11FB0];
	v14 =	vmul.f32 v50, v36  }
0x10c: {  	v1 =	vmul.f32 v26, v1;
	v35 =	vmul.f32 v25, v31;
	v11 =	vld [tilespmem:$0x11F90];
	v5 =	vadd.f32 v5, v10  }
0x10d: {  	v4 =	vmul.f32 v58, v4;
	v36 =	vld [tilespmem:$0x11FD0];
	v9 =	vadd.f32 v9, v14;
	v3 =	vadd.f32 v3, v6  }
0x10e: {  	v0 =	vadd.f32 v0, v21;
	v1 =	vadd.f32 v35, v1;
	v10 =	vld [tilespmem:$0x11FC0];
	v5 =	vmul.f32 v8, v5  }
0x10f: {  	v37 =	vmul.f32 v12, v38;
	v4 =	vadd.f32 v9, v4;
	v9 =	vld [tilespmem:$0x11FE0];
	v3 =	vadd.f32 v3, v7  }
0x110: {  	[tilespmem:$0x12180] =	vst v0;
	v0 =	vadd.f32 v2, v18;
	v8 =	vld [tilespmem:$0x1FF60]  }
0x111: {  	v1 =	vadd.f32 v1, v37;
	v11 =	vadd.f32 v13, v11;
	v2 =	vmul.f32 v48, v3  }
0x112: {  	[tilespmem:$0x121A0] =	vst v0;
	v4 =	vmul.f32 v27, v4;
	v3 =	vadd.f32 v5, v19;
	v5 =	vpop (erf)  }
0x113: {  	[tilespmem:$0x12190] =	vst v11;
	v0 =	vadd.f32 v2, v10;
	v1 =	vmul.f32 v5, v1  }
0x114: {  	[tilespmem:$0x121B0] =	vst v3;
	v3 =	vadd.f32 v4, v36  }
0x115: {  	v15 =	vld [tilespmem:$0x1FF90];
	[tilespmem:$0x121C0] =	vst v0;
	v0 =	vadd.f32 v1, v9  }
0x116: {  	s11 =	simm.s32 $0x0;
	[tilespmem:$0x121D0] =	vst v3  }
0x117: {  	s10 =	simm.s32 $0x1;
	s20 =	sand.u32 $0x70, s11;
	v38 =	vld [tilespmem:$0x1FF80];
	v5 =	vlaneseq.u32;
	[tilespmem:$0x121E0] =	vst v0  }
0x118: {  	v2 =	vadd.s32 s10, v5;
	v21 =	vld.idx.msk [tilespmem:v8+s20+$0x0 ss:$0x1], $0xffff  }
0x119: {  	v4 =	vand.u32 $0xF, v2;
	v8 =	vld [tilespmem:$0x1FF70]  }
0x11a: {  	v10 =	vor.u32 $0x5000, v15;
	v1 =	vor.u32 s20, v4  }
0x11b: {  	v43 =	vimm.f32 $0.0e+00;
	v45 =	vimm.f32 $0.0e+00;
	v0 =	vor.u32 v10, v1  }
0x11c: {  	v30 =	vimm.f32 $0.0e+00;
	v56 =	vimm.f32 $0.0e+00;
	v9 =	vor.u32 $0x3800, v15  }
0x11d: {  	v11 =	vor.u32 $0x6000, v15;
	v3 =	vadd.s32 s11, v5;
	v2 =	vor.u32 v9, v1  }
0x11e: {  	v12 =	vor.u32 $0x4000, v15;
	v3 =	vand.u32 $0xF, v3;
	v5 =	vor.u32 v11, v1  }
0x11f: {  	v44 =	vimm.f32 $0.0e+00;
	v23 =	vor.u32 s20, v3;
	v39 =	vor.u32 v12, v1;
	v6 =	vld.idx.msk [tilespmem:v38+s20+$0x0 ss:$0x1], $0xffff  }
0x120: {  	v34 =	vimm.f32 $0.0e+00;
	v13 =	vor.u32 $0x5800, v15;
	v18 =	vor.u32 v9, v23;
	v50 =	vld.idx.msk [tilespmem:v0+s16+$0x0], $0xffff  }
0x121: {  	v29 =	vimm.f32 $0.0e+00;
	v31 =	vimm.f32 $0.0e+00;
	v0 =	vor.u32 v13, v23;
	v14 =	vld.idx.msk [tilespmem:v8+s20+$0x0 ss:$0x1], $0xffff  }
0x122: {  	v26 =	vimm.f32 $0.0e+00;
	v35 =	vimm.f32 $0.0e+00;
	v19 =	vor.u32 v13, v1;
	v24 =	vld.idx.msk [tilespmem:v2+s16+$0x0], $0xffff  }
0x123: {  	v37 =	vimm.f32 $0.0e+00;
	v48 =	vimm.f32 $0.0e+00;
	v25 =	vor.u32 v12, v23;
	v46 =	vld.idx.msk [tilespmem:v5+s16+$0x0], $0xffff  }
0x124: {  	v36 =	vimm.f32 $0.0e+00;
	v40 =	vor.u32 v11, v23;
	v53 =	vld.idx.msk [tilespmem:v39+s16+$0x0], $0xffff;
	v22 =	vperm.xlane v21, v4  }
0x125: {  	v41 =	vld.idx.msk [tilespmem:v18+s16+$0x0], $0xffff;
	v5 =	vor.u32 v10, v23;
	v27 =	vperm.xlane v6, v4;
	v42 =	vperm.xlane v6, v3  }
0x126: {  	v0 =	vld.idx.msk [tilespmem:v0+s16+$0x0], $0xffff;
	v20 =	vperm.xlane v14, v3;
	v18 =	vperm.xlane v14, v4;
	v14 =	vor.u32 $0x4800, v15  }
0x127: {  	v51 =	vld.idx.msk [tilespmem:v19+s16+$0x0], $0xffff;
	v54 =	vperm.xlane v21, v3;
	v19 =	vmul.f32 v24, v22;
	v4 =	vor.u32 v14, v23  }
0x128: {  	v38 =	vld.idx.msk [tilespmem:v25+s16+$0x0], $0xffff;
	v58 =	vmul.f32 v50, v22;
	v49 =	vmul.f32 v46, v22;
	v7 =	vor.u32 v14, v1  }
0x129: {  	v2 =	vimm.f32 $0.0e+00;
	v25 =	vmul.f32 v53, v27;
	v52 =	vmul.f32 v53, v22  }
0x12a: {  	v28 =	vld.idx.msk [tilespmem:v40+s16+$0x0], $0xffff;
	v39 =	vimm.f32 $0.0e+00;
	v3 =	vmul.f32 v41, v42;
	v1 =	vmul.f32 v24, v27  }
0x12b: {  	v40 =	vimm.f32 $0.0e+00;
	v55 =	vld.idx.msk [tilespmem:v5+s16+$0x0], $0xffff;
	v60 =	vmul.f32 v0, v42;
	v32 =	vmul.f32 v24, v18  }
0x12c: {  	v23 =	vimm.f32 $0.0e+00;
	v47 =	vmul.f32 v50, v18;
	v24 =	vmul.f32 v51, v18;
	v57 =	vld.idx.msk [tilespmem:v4+s16+$0x0], $0xffff  }
0x12d: {  	s19 =	simm.s32 $0x2;
	v3 =	vadd.f32 v3, v2;
	v59 =	vmul.f32 v38, v20;
	v21 =	vmul.f32 v46, v18;
	v33 =	vld.idx.msk [tilespmem:v7+s16+$0x0], $0xffff  }
.LBB2_5:
0x12e: {  	v6 =	vmul.f32 v53, v18  }
0x12f: {  	v7 =	vmul.f32 v46, v27;
	v46 =	vmul.f32 v51, v27  }
0x130: {  	v51 =	vmul.f32 v51, v22;
	v5 =	vmul.f32 v55, v54  }
0x131: {  	v50 =	vmul.f32 v50, v27;
	v2 =	vadd.f32 v60, v2;
	v60 =	vmul.f32 v41, v20  }
0x132: {  	s10 =	smov.u32 s19;
	v8 =	vlaneseq.u32;
	v53 =	vmul.f32 v38, v54;
	v5 =	vadd.f32 v5, v48  }
0x133: {  	s11 =	sadd.s32 $0x1, s10;
	v41 =	vmul.f32 v41, v54;
	v38 =	vmul.f32 v38, v42;
	v37 =	vadd.f32 v60, v37  }
0x134: {  	v60 =	vadd.s32 s10, v8;
	v48 =	vadd.f32 v58, v5;
	v58 =	vadd.s32 s11, v8;
	v8 =	vld [tilespmem:$0x1FF60]  }
0x135: {  	v3 =	vadd.f32 v1, v3;
	v61 =	vmul.f32 v57, v20;
	v1 =	vmul.f32 v57, v54  }
0x136: {  	v34 =	vadd.f32 v59, v34;
	v5 =	vmul.f32 v0, v20;
	v0 =	vmul.f32 v0, v54  }
0x137: {  	v15 =	vld [tilespmem:$0x1FF80];
	v4 =	vmovc v47;
	v62 =	vmul.f32 v28, v42;
	v35 =	vadd.f32 v53, v35;
	v47 =	vmul.f32 v55, v42  }
0x138: {  	v57 =	vmul.f32 v57, v42;
	v34 =	vadd.f32 v6, v34;
	v0 =	vadd.f32 v0, v45  }
0x139: {  	s20 =	sand.u32 $0x70, s10;
	v2 =	vadd.f32 v46, v2;
	v44 =	vadd.f32 v47, v44;
	v47 =	vand.u32 $0xF, v58  }
0x13a: {  	v40 =	vadd.f32 v41, v40;
	v45 =	vadd.f32 v51, v0;
	v0 =	vor.u32 s20, v47  }
0x13b: {  	v63 =	vmul.f32 v55, v20;
	v44 =	vadd.f32 v50, v44;
	v50 =	vor.u32 v9, v0  }
0x13c: {  	v55 =	vmul.f32 v28, v54;
	v6 =	vand.u32 $0xF, v60;
	v53 =	vor.u32 v10, v0;
	v59 =	vld.idx.msk [tilespmem:v8+s20+$0x0 ss:$0x1], $0xffff  }
0x13d: {  	v35 =	vadd.f32 v52, v35;
	v52 =	vmul.f32 v33, v27;
	v54 =	vor.u32 v11, v0;
	v8 =	vld [tilespmem:$0x1FF70]  }
0x13e: {  	v27 =	vor.u32 s20, v6;
	v43 =	vadd.f32 v55, v43;
	v55 =	vor.u32 v12, v0  }
0x13f: {  	v37 =	vadd.f32 v32, v37;
	v32 =	vmul.f32 v33, v22;
	v22 =	vor.u32 v9, v27;
	v42 =	vld.idx.msk [tilespmem:v15+s20+$0x0 ss:$0x1], $0xffff  }
0x140: {  	v39 =	vadd.f32 v57, v39;
	v1 =	vadd.f32 v1, v29;
	v60 =	vld.idx.msk [tilespmem:v50+s16+$0x0], $0xffff  }
0x141: {  	v36 =	vadd.f32 v61, v36;
	v33 =	vmul.f32 v33, v18;
	v5 =	vadd.f32 v5, v56;
	v50 =	vld.idx.msk [tilespmem:v53+s16+$0x0], $0xffff  }
0x142: {  	v57 =	vor.u32 v11, v27;
	v29 =	vadd.f32 v32, v1;
	v46 =	vld.idx.msk [tilespmem:v54+s16+$0x0], $0xffff;
	v54 =	vor.u32 v10, v27  }
0x143: {  	v39 =	vadd.f32 v52, v39;
	v15 =	vor.u32 v12, v27;
	v56 =	vadd.f32 v24, v5;
	v53 =	vld.idx.msk [tilespmem:v55+s16+$0x0], $0xffff  }
0x144: {  	v41 =	vld.idx.msk [tilespmem:v22+s16+$0x0], $0xffff;
	v5 =	vadd.f32 v38, v31;
	v51 =	vor.u32 v13, v0;
	v22 =	vperm.xlane v59, v47  }
0x145: {  	v43 =	vadd.f32 v49, v43;
	v49 =	vld.idx.msk [tilespmem:v8+s20+$0x0 ss:$0x1], $0xffff;
	v8 =	vmul.f32 v28, v20;
	v28 =	vor.u32 v13, v27  }
0x146: {  	v31 =	vadd.f32 v25, v5;
	v5 =	vmul.f32 v60, v22;
	v58 =	vmul.f32 v50, v22  }
0x147: {  	v55 =	vld.idx.msk [tilespmem:v54+s16+$0x0], $0xffff;
	v54 =	vperm.xlane v59, v6;
	v20 =	vadd.f32 v62, v30;
	v62 =	vor.u32 v14, v27  }
0x148: {  	v38 =	vld.idx.msk [tilespmem:v15+s16+$0x0], $0xffff;
	v52 =	vmul.f32 v53, v22;
	v27 =	vperm.xlane v42, v47;
	v1 =	vadd.f32 v8, v23  }
0x149: {  	v51 =	vld.idx.msk [tilespmem:v51+s16+$0x0], $0xffff;
	v42 =	vperm.xlane v42, v6;
	v30 =	vadd.f32 v7, v20;
	v7 =	vor.u32 v14, v0  }
0x14a: {  	p0 =	slt.u32 s19, $0x7E;
	v25 =	vmul.f32 v53, v27;
	v23 =	vadd.f32 v21, v1;
	v1 =	vmul.f32 v60, v27;
	v0 =	vld.idx.msk [tilespmem:v28+s16+$0x0], $0xffff  }
.Ltmp3:
0x14b: {  	v40 =	vadd.f32 v19, v40;
	v20 =	vperm.xlane v49, v6;
	v18 =	vperm.xlane v49, v47;
	v28 =	vld.idx.msk [tilespmem:v57+s16+$0x0], $0xffff;
	(pc) =	sbr.rel @p0 .LBB2_5-.Ltmp3, $4  }
0x14c: {  	v8 =	vadd.f32 v63, v26;
	v49 =	vmul.f32 v46, v22;
	v57 =	vld.idx.msk [tilespmem:v62+s16+$0x0], $0xffff;
	v62 =	vmul.f32 v41, v42  }
0x14d: {  	v36 =	vadd.f32 v33, v36;
	v32 =	vmul.f32 v60, v18;
	v47 =	vmul.f32 v50, v18  }
0x14e: {  	v19 =	vmovc v5;
	v26 =	vadd.f32 v4, v8;
	v24 =	vmul.f32 v51, v18;
	v59 =	vmul.f32 v38, v20  }
0x14f: {  	s19 =	sadd.s32 $0x2, s19;
	v3 =	vadd.f32 v62, v3;
	v33 =	vld.idx.msk [tilespmem:v7+s16+$0x0], $0xffff;
	v21 =	vmul.f32 v46, v18;
	v60 =	vmul.f32 v0, v42  }
0x150: {  	v4 =	vld [tilespmem:$0x119F0]  }
0x151: {  	v5 =	vld [tilespmem:$0x11BF0]  }
0x152: {  	v6 =	vld [tilespmem:$0x11DF0];
	_ =	sdelay $0x3  }
0x153: {  	v7 =	vmax.f32 v4, v5  }
0x154: {  	v7 =	vmax.f32 v7, v6  }
0x155: {  	v4 =	vsub.f32 v4, v7  }
0x156: {  	v5 =	vsub.f32 v5, v7  }
0x157: {  	v4 =	vmul.f32 $1.442695020e+00, v4  }
0x158: {  	v6 =	vsub.f32 v6, v7;
	v5 =	vmul.f32 $1.442695020e+00, v5  }
0x159: {  	(erf) = vpow2.f32 v4  }
0x15a: {  	v4 =	vmul.f32 $1.442695020e+00, v6;
	(erf) = vpow2.f32 v5;
	_ =	sdelay $0x1  }
0x15b: {  	(erf) = vpow2.f32 v4  }
0x15c: {  	v5 =	vld [tilespmem:$0x11C00]  }
0x15d: {  	v4 =	vld [tilespmem:$0x11A00]  }
0x15e: {  	v8 =	vld [tilespmem:$0x11E00];
	_ =	sdelay $0x2  }
0x15f: {  	[tilespmem:$0x1FDD0] =	vst v11;
	v11 =	vpop (erf)  }
0x160: {  	[tilespmem:$0x1FDC0] =	vst v12;
	v15 =	vmax.f32 v4, v5;
	v12 =	vpop (erf)  }
0x161: {  	v17 =	vmax.f32 v15, v8;
	v16 =	vadd.f32 v12, v11  }
0x162: {  	[tilespmem:$0x1FDF0] =	vst v9;
	v4 =	vsub.f32 v4, v17;
	v9 =	vpop (erf)  }
0x163: {  	v5 =	vsub.f32 v5, v17;
	v16 =	vadd.f32 v16, v9  }
0x164: {  	v4 =	vmul.f32 $1.442695020e+00, v4  }
0x165: {  	v8 =	vsub.f32 v8, v17;
	v5 =	vmul.f32 $1.442695020e+00, v5;
	(erf) = vrcp.f32 v16  }
0x166: {  	(erf) = vpow2.f32 v4  }
0x167: {  	v4 =	vmul.f32 $1.442695020e+00, v8;
	(erf) = vpow2.f32 v5;
	_ =	sdelay $0x1  }
0x168: {  	(erf) = vpow2.f32 v4  }
0x169: {  	v17 =	vld [tilespmem:$0x11C10]  }
0x16a: {  	v8 =	vld [tilespmem:$0x11A10]  }
0x16b: {  	v61 =	vld [tilespmem:$0x11E10];
	_ =	sdelay $0x1  }
0x16c: {  	v4 =	vpop (erf)  }
0x16d: {  	[tilespmem:$0x1FDE0] =	vst v10;
	v10 =	vpop (erf)  }
0x16e: {  	[tilespmem:$0x1FDB0] =	vst v13;
	v16 =	vmax.f32 v8, v17;
	v13 =	vpop (erf)  }
0x16f: {  	v63 =	vmax.f32 v16, v61;
	v62 =	vadd.f32 v13, v10  }
0x170: {  	[tilespmem:$0x1FDA0] =	vst v14;
	v8 =	vsub.f32 v8, v63;
	v14 =	vpop (erf)  }
0x171: {  	v17 =	vsub.f32 v17, v63;
	v62 =	vadd.f32 v62, v14  }
0x172: {  	v8 =	vmul.f32 $1.442695020e+00, v8  }
0x173: {  	v61 =	vsub.f32 v61, v63;
	v17 =	vmul.f32 $1.442695020e+00, v17;
	(erf) = vrcp.f32 v62  }
0x174: {  	(erf) = vpow2.f32 v8  }
0x175: {  	v8 =	vmul.f32 $1.442695020e+00, v61;
	(erf) = vpow2.f32 v17;
	_ =	sdelay $0x1  }
0x176: {  	v5 =	vld [tilespmem:$0x11C20];
	(erf) = vpow2.f32 v8  }
0x177: {  	v8 =	vld [tilespmem:$0x11A20];
	_ =	sdelay $0x1  }
0x178: {  	v6 =	vld [tilespmem:$0x11E20];
	_ =	sdelay $0x1  }
0x179: {  	[tilespmem:$0x1FE00] =	vst v4;
	v4 =	vpop (erf)  }
0x17a: {  	v63 =	vmax.f32 v8, v5;
	v62 =	vpop (erf)  }
0x17b: {  	v17 =	vpop (erf)  }
0x17c: {  	[tilespmem:$0x1FE10] =	vst v4;
	v4 =	vmax.f32 v63, v6;
	v7 =	vadd.f32 v17, v62  }
0x17d: {  	v8 =	vsub.f32 v8, v4;
	v63 =	vpop (erf)  }
0x17e: {  	v5 =	vsub.f32 v5, v4;
	v7 =	vadd.f32 v7, v63  }
0x17f: {  	v8 =	vmul.f32 $1.442695020e+00, v8  }
0x180: {  	v4 =	vsub.f32 v6, v4;
	v5 =	vmul.f32 $1.442695020e+00, v5;
	(erf) = vrcp.f32 v7  }
0x181: {  	(erf) = vpow2.f32 v8  }
0x182: {  	v4 =	vmul.f32 $1.442695020e+00, v4;
	(erf) = vpow2.f32 v5;
	_ =	sdelay $0x1  }
0x183: {  	(erf) = vpow2.f32 v4  }
0x184: {  	v5 =	vld [tilespmem:$0x11C30]  }
0x185: {  	v4 =	vld [tilespmem:$0x11A30]  }
0x186: {  	v6 =	vld [tilespmem:$0x11E30];
	_ =	sdelay $0x1  }
0x187: {  	v7 =	vpop (erf)  }
0x188: {  	v15 =	vpop (erf)  }
0x189: {  	v61 =	vmax.f32 v4, v5;
	v16 =	vpop (erf)  }
0x18a: {  	v61 =	vmax.f32 v61, v6;
	[tilespmem:$0x1FE20] =	vst v7;
	v7 =	vadd.f32 v16, v15  }
0x18b: {  	v4 =	vsub.f32 v4, v61;
	v8 =	vpop (erf)  }
0x18c: {  	v5 =	vsub.f32 v5, v61;
	v7 =	vadd.f32 v7, v8  }
0x18d: {  	v6 =	vsub.f32 v6, v61;
	v4 =	vmul.f32 $1.442695020e+00, v4  }
0x18e: {  	v5 =	vmul.f32 $1.442695020e+00, v5;
	(erf) = vrcp.f32 v7  }
0x18f: {  	(erf) = vpow2.f32 v4;
	v4 =	vmul.f32 $1.442695020e+00, v6  }
0x190: {  	(erf) = vpow2.f32 v5  }
0x191: {  	v6 =	vld [tilespmem:$0x11C40];
	(erf) = vpow2.f32 v4;
	v4 =	vmul.f32 v55, v54  }
0x192: {  	v5 =	vld [tilespmem:$0x11A40]  }
0x193: {  	v7 =	vld [tilespmem:$0x11E40];
	v4 =	vadd.f32 v4, v48;
	v48 =	vmul.f32 v55, v42  }
0x194: {  	v50 =	vmul.f32 v50, v27;
	v2 =	vadd.f32 v60, v2;
	v60 =	vmul.f32 v0, v54  }
0x195: {  	v34 =	vadd.f32 v59, v34;
	v0 =	vmul.f32 v0, v20;
	v44 =	vadd.f32 v48, v44  }
0x196: {  	v1 =	vadd.f32 v1, v3;
	v45 =	vadd.f32 v60, v45  }
0x197: {  	v3 =	vadd.f32 v0, v56;
	v60 =	vmax.f32 v5, v6;
	v61 =	vpop (erf);
	v44 =	vadd.f32 v50, v44  }
0x198: {  	v50 =	vmul.f32 v38, v54;
	[tilespmem:$0x1FE30] =	vst v61;
	v61 =	vadd.f32 v58, v4;
	v4 =	vpop (erf);
	v58 =	vmax.f32 v60, v7  }
0x199: {  	v60 =	vmul.f32 v28, v54;
	v48 =	vpop (erf);
	v5 =	vsub.f32 v5, v58;
	v6 =	vsub.f32 v6, v58  }
0x19a: {  	v53 =	vmul.f32 v53, v18;
	v35 =	vadd.f32 v50, v35;
	v56 =	vadd.f32 v48, v4  }
0x19b: {  	v50 =	vmul.f32 v51, v27;
	v0 =	vpop (erf);
	v43 =	vadd.f32 v60, v43;
	v60 =	vmul.f32 v51, v22  }
0x19c: {  	v51 =	vmul.f32 v41, v54;
	v5 =	vmul.f32 $1.442695020e+00, v5;
	v56 =	vadd.f32 v56, v0  }
0x19d: {  	v6 =	vmul.f32 $1.442695020e+00, v6;
	v35 =	vadd.f32 v52, v35;
	v52 =	vmul.f32 v57, v54  }
0x19e: {  	v54 =	vmul.f32 v38, v42;
	v45 =	vadd.f32 v60, v45;
	(erf) = vrcp.f32 v56  }
0x19f: {  	(erf) = vpow2.f32 v5;
	v5 =	vadd.f32 v53, v34;
	v53 =	vmul.f32 v28, v42  }
0x1a0: {  	v60 =	vmul.f32 v41, v20;
	(erf) = vpow2.f32 v6;
	v6 =	vsub.f32 v7, v58  }
0x1a1: {  	v18 =	vmul.f32 v33, v18;
	v7 =	vmul.f32 v46, v27;
	v30 =	vadd.f32 v53, v30  }
0x1a2: {  	v31 =	vadd.f32 v54, v31;
	v37 =	vadd.f32 v60, v37;
	v6 =	vmul.f32 $1.442695020e+00, v6  }
0x1a3: {  	v1 =	vmul.f32 v11, v1;
	v7 =	vadd.f32 v7, v30;
	v30 =	vadd.f32 v51, v40  }
0x1a4: {  	v25 =	vadd.f32 v25, v31;
	v32 =	vadd.f32 v32, v37;
	(erf) = vpow2.f32 v6  }
0x1a5: {  	v15 =	vmul.f32 v15, v44;
	v22 =	vmul.f32 v33, v22;
	v19 =	vadd.f32 v19, v30  }
0x1a6: {  	v3 =	vadd.f32 v24, v3;
	v25 =	vmul.f32 v10, v25;
	v30 =	vmul.f32 v12, v32  }
0x1a7: {  	v29 =	vadd.f32 v52, v29;
	v5 =	vmul.f32 v13, v5;
	v19 =	vmul.f32 v9, v19;
	v9 =	vld [tilespmem:$0x1FE00]  }
0x1a8: {  	v8 =	vmul.f32 v8, v61;
	v56 =	vmul.f32 v57, v42;
	v1 =	vadd.f32 v30, v1  }
0x1a9: {  	v58 =	vmul.f32 v57, v20;
	v5 =	vadd.f32 v5, v25;
	v25 =	vmul.f32 v14, v35;
	v31 =	vpop (erf)  }
0x1aa: {  	v38 =	vadd.f32 v56, v39;
	v27 =	vmul.f32 v33, v27;
	v60 =	vpop (erf);
	v1 =	vadd.f32 v1, v19  }
0x1ab: {  	v22 =	vadd.f32 v22, v29;
	v59 =	vadd.f32 v58, v36;
	v6 =	vmul.f32 v55, v20;
	v29 =	vpop (erf)  }
0x1ac: {  	v27 =	vadd.f32 v27, v38;
	v19 =	vadd.f32 v29, v60;
	v1 =	vmul.f32 v9, v1;
	v9 =	vld [tilespmem:$0x1FE10]  }
0x1ad: {  	v20 =	vmul.f32 v28, v20;
	v5 =	vadd.f32 v5, v25;
	v6 =	vadd.f32 v6, v26;
	v25 =	vpop (erf)  }
0x1ae: {  	v3 =	vmul.f32 v48, v3;
	v18 =	vadd.f32 v18, v59;
	v19 =	vadd.f32 v19, v25  }
0x1af: {  	v20 =	vadd.f32 v20, v23;
	v23 =	vmul.f32 v62, v27;
	v6 =	vadd.f32 v47, v6  }
0x1b0: {  	v17 =	vmul.f32 v17, v18;
	(erf) = vrcp.f32 v19  }
0x1b1: {  	v2 =	vadd.f32 v50, v2;
	v6 =	vmul.f32 v16, v6;
	v5 =	vmul.f32 v9, v5;
	v9 =	vld [tilespmem:$0x1FE20]  }
0x1b2: {  	v18 =	vmul.f32 v63, v22;
	v17 =	vadd.f32 v17, v23;
	v19 =	vadd.f32 v21, v20;
	v20 =	vld [tilespmem:$0x11FF0]  }
0x1b3: {  	v49 =	vadd.f32 v49, v43;
	v2 =	vmul.f32 v4, v2;
	v4 =	vld [tilespmem:$0x12010];
	v6 =	vadd.f32 v6, v15  }
0x1b4: {  	v7 =	vmul.f32 v60, v7;
	v16 =	vld [tilespmem:$0x12000];
	v17 =	vadd.f32 v17, v18;
	v15 =	vmul.f32 v29, v19  }
0x1b5: {  	v0 =	vmul.f32 v0, v45;
	v2 =	vadd.f32 v3, v2;
	v3 =	vadd.f32 v6, v8;
	v6 =	vld [tilespmem:$0x12030]  }
0x1b6: {  	v8 =	vmul.f32 v25, v49;
	v7 =	vadd.f32 v15, v7;
	v15 =	vmul.f32 v9, v17;
	v9 =	vld [tilespmem:$0x1FE30]  }
0x1b7: {  	v0 =	vadd.f32 v2, v0;
	v2 =	vld [tilespmem:$0x12040];
	v1 =	vadd.f32 v1, v20  }
0x1b8: {  	v18 =	vld [tilespmem:$0x12020];
	v7 =	vadd.f32 v7, v8  }
0x1b9: {  	v0 =	vmul.f32 v31, v0;
	v5 =	vadd.f32 v5, v16;
	[tilespmem:$0x121F0] =	vst v1;
	v1 =	vadd.f32 v15, v4;
	v4 =	vpop (erf)  }
0x1ba: {  	v4 =	vmul.f32 v4, v7  }
0x1bb: {  	s10 =	smul.u32 $0x190, s17;
	v0 =	vadd.f32 v0, v6;
	[tilespmem:$0x12200] =	vst v5;
	v3 =	vmul.f32 v9, v3  }
0x1bc: {  	[tilespmem:$0x12210] =	vst v1;
	v1 =	vadd.f32 v4, v2  }
0x1bd: {  	s10 =	sadd.s32 s7, s10;
	[tilespmem:$0x12230] =	vst v0;
	v3 =	vadd.f32 v3, v18  }
0x1be: {  	p0 =	seq.s32 s17, $0xF;
	s10 =	sshrl.u32 s10, $0x3;
	[tilespmem:$0x12240] =	vst v1  }
0x1bf: {  	s11 =	smul.u32 @!p0 $0x640, s17;
	s10 =	sadd.s32 s9, s10;
	[tilespmem:$0x12220] =	vst v3  }
0x1c0: {  	[hbm4b:s10+s4] =	stream.linear.scatter [tilespmem:s29], [sflag:$0x3], $0xC8, $0x38;
	[tilespmem:$0x12380] =	vst v63  }
0x1c1: {  	s10 =	sshra.s32 @!p0 s11, $0x2  }
0x1c2: {  	s19 =	simm.s32 @!p0 $0x4980;
	s11 =	simm.s32 @!p0 $0xD0;
	s10 =	sadd.s32 @!p0 $0x190, s10  }
0x1c3: {  	[tilespmem:s19], [sflag:$0x1] =	stream.indirect.gather @!p0 [hbm4b:s1+s11], $0x80, s10, s11, $0xb8;
	[tilespmem:$0x12380] =	vst v63  }
0x1c4: {  	s19 =	simm.s32 @!p0 $0x11980  }
0x1c5: {  	[tilespmem:s19], [sflag:$0x1] =	stream.indirect.gather @!p0 [hbm4b:s5+s11], $0x1, s10, s11, $0xb8;
	[tilespmem:$0x12380] =	vst v63  }
0x1c6: {  	s19 =	simm.s32 @!p0 $0x11B80  }
0x1c7: {  	[tilespmem:s19], [sflag:$0x1] =	stream.indirect.gather @!p0 [hbm4b:s6+s11], $0x1, s10, s11, $0xb8;
	[tilespmem:$0x12380] =	vst v63  }
0x1c8: {  	s19 =	simm.s32 @!p0 $0x11D80  }
0x1c9: {  	[tilespmem:s19], [sflag:$0x1] =	stream.indirect.gather @!p0 [hbm4b:s8+s11], $0x1, s10, s11, $0xb8;
	[tilespmem:$0x12380] =	vst v63  }
0x1ca: {  	s19 =	simm.s32 @!p0 $0x11F80  }
0x1cb: {  	[tilespmem:s19], [sflag:$0x1] =	stream.indirect.gather @!p0 [hbm4b:s3+s11], $0x1, s10, s11, $0xb8;
	[tilespmem:$0x12380] =	vst v63  }
0x1cc: {  	_ =	swait.ge [sflag:s30], $0x6800  }
0x1cd: {  	[sflag:s30] =	ssyncset.done $0x0  }
0x1ce: {  	[sflag:s30] =	ssyncadd.s32 $0xFFFF9800  }
0x1cf: {  	_ =	swait.ge [sflag:s30], $0xD0  }
0x1d0: {  	[sflag:s30] =	ssyncset.done $0x0  }
0x1d1: {  	[sflag:s30] =	ssyncadd.s32 $0xFFFFFF30  }
0x1d2: {  	_ =	swait.ge [sflag:s30], $0xD0  }
0x1d3: {  	[sflag:s30] =	ssyncset.done $0x0  }
0x1d4: {  	[sflag:s30] =	ssyncadd.s32 $0xFFFFFF30  }
0x1d5: {  	_ =	swait.ge [sflag:s30], $0xD0  }
0x1d6: {  	[sflag:s30] =	ssyncset.done $0x0  }
0x1d7: {  	[sflag:s30] =	ssyncadd.s32 $0xFFFFFF30  }
0x1d8: {  	_ =	swait.ge [sflag:s30], $0xD0  }
0x1d9: {  	s18 =	sor.u32 $0x1, s18;
	v7 =	vlaneseq.u32;
	s19 =	simm.s32 $0x1;
	[sflag:s30] =	ssyncset.done $0x0  }
0x1da: {  	s20 =	smul.u32 $0x600, s18;
	v0 =	vadd.s32 s19, v7;
	s19 =	simm.s32 @!p1 $0x4;
	[sflag:s30] =	ssyncadd.s32 $0xFFFFFF30  }
0x1db: {  	_ =	swait.ge @!p1 [sflag:s19], $0xC8  }
0x1dc: {  	s10 =	sshra.s32 s20, $0x2;
	v15 =	vld [tilespmem:$0x1FFD0]  }
0x1dd: {  	s11 =	sadd.s32 $0x1A80, s10  }
0x1de: {  	s20 =	sadd.s32 $0x1A00, s10;
	v4 =	vmov s11;
	s11 =	simm.s32 $0x0;
	v11 =	vld [tilespmem:$0x1FF90]  }
0x1df: {  	s10 =	sadd.s32 $0x1980, s10;
	v8 =	vmov s20;
	v0 =	vand.u32 $0xF, v0;
	s20 =	sand.u32 $0x70, s11;
	v14 =	vld [tilespmem:$0x1FFE0]  }
0x1e0: {  	v9 =	vmov s10;
	v1 =	vor.u32 s20, v0;
	v12 =	vld [tilespmem:$0x1FFB0]  }
0x1e1: {  	[sflag:s19] =	ssyncset.done @!p1 $0x0;
	v10 =	vld [tilespmem:$0x1FFA0];
	v2 =	vor.u32 v15, v1  }
0x1e2: {  	v13 =	vld [tilespmem:$0x1FFC0];
	[sflag:s19] =	ssyncadd.s32 @!p1 $0xFFFFFF38  }
0x1e3: {  	v48 =	vimm.f32 $0.0e+00;
	[tilespmem:$0x1FE40] =	vst v4;
	v4 =	vld.idx.msk [tilespmem:v4+s20+$0x0 ss:$0x1], $0xffff;
	v3 =	vor.u32 v11, v1  }
0x1e4: {  	v45 =	vimm.f32 $0.0e+00;
	v7 =	vadd.s32 s11, v7;
	[tilespmem:$0x1FE50] =	vst v8;
	v8 =	vld.idx.msk [tilespmem:v8+s20+$0x0 ss:$0x1], $0xffff;
	v5 =	vor.u32 v14, v1  }
0x1e5: {  	v42 =	vimm.f32 $0.0e+00;
	v7 =	vand.u32 $0xF, v7;
	v20 =	vld.idx.msk [tilespmem:v9+s20+$0x0 ss:$0x1], $0xffff;
	v6 =	vor.u32 v12, v1  }
0x1e6: {  	v56 =	vimm.f32 $0.0e+00;
	v23 =	vor.u32 s20, v7;
	v18 =	vor.u32 v10, v1;
	v25 =	vld.idx.msk [tilespmem:v2+s22+$0x0], $0xffff  }
0x1e7: {  	v39 =	vimm.f32 $0.0e+00;
	v19 =	vor.u32 v13, v1;
	v2 =	vor.u32 v11, v23;
	v11 =	vld [tilespmem:$0x1FFF0]  }
0x1e8: {  	v37 =	vimm.f32 $0.0e+00;
	v46 =	vimm.f32 $0.0e+00;
	v53 =	vimm.f32 $0.0e+00;
	v43 =	vld.idx.msk [tilespmem:v3+s22+$0x0], $0xffff  }
0x1e9: {  	v38 =	vimm.f32 $0.0e+00;
	v58 =	vimm.f32 $0.0e+00;
	v3 =	vor.u32 v12, v23;
	v50 =	vld.idx.msk [tilespmem:v5+s22+$0x0], $0xffff  }
0x1ea: {  	v35 =	vimm.f32 $0.0e+00;
	v59 =	vimm.f32 $0.0e+00;
	v32 =	vimm.f32 $0.0e+00;
	v55 =	vld.idx.msk [tilespmem:v6+s22+$0x0], $0xffff  }
0x1eb: {  	v27 =	vor.u32 v10, v23;
	v40 =	vperm.xlane v8, v0;
	v47 =	vperm.xlane v4, v0;
	v52 =	vld.idx.msk [tilespmem:v18+s22+$0x0], $0xffff  }
0x1ec: {  	v54 =	vperm.xlane v20, v0;
	v31 =	vperm.xlane v8, v7;
	v44 =	vld.idx.msk [tilespmem:v19+s22+$0x0], $0xffff;
	v5 =	vor.u32 v11, v23  }
0x1ed: {  	v28 =	vor.u32 v14, v23;
	v41 =	vperm.xlane v20, v7;
	v33 =	vperm.xlane v4, v7;
	v34 =	vld.idx.msk [tilespmem:v2+s22+$0x0], $0xffff  }
0x1ee: {  	v29 =	vor.u32 v13, v23;
	v19 =	vmul.f32 v25, v40;
	v24 =	vmul.f32 v25, v47;
	v26 =	vld.idx.msk [tilespmem:v3+s22+$0x0], $0xffff  }
0x1ef: {  	v2 =	vmul.f32 v50, v54;
	v18 =	vmul.f32 v50, v40;
	v8 =	vor.u32 v11, v1  }
0x1f0: {  	v49 =	vld.idx.msk [tilespmem:v27+s22+$0x0], $0xffff;
	v21 =	vmul.f32 v43, v40;
	v0 =	vmul.f32 v55, v40;
	v23 =	vor.u32 v15, v23  }
0x1f1: {  	v30 =	vimm.f32 $0.0e+00;
	v22 =	vmul.f32 v52, v47;
	v20 =	vmul.f32 v44, v47;
	v51 =	vld.idx.msk [tilespmem:v5+s22+$0x0], $0xffff  }
0x1f2: {  	v63 =	vld.idx.msk [tilespmem:v28+s22+$0x0], $0xffff;
	v28 =	vimm.f32 $0.0e+00;
	v36 =	vmul.f32 v55, v54;
	v62 =	vmul.f32 v25, v54  }
0x1f3: {  	v61 =	vld.idx.msk [tilespmem:v29+s22+$0x0], $0xffff;
	v29 =	vimm.f32 $0.0e+00;
	v1 =	vmul.f32 v34, v41;
	v4 =	vmul.f32 v26, v31  }
0x1f4: {  	v27 =	vimm.f32 $0.0e+00;
	v3 =	vmul.f32 v43, v54;
	v25 =	vmul.f32 v44, v54;
	v57 =	vld.idx.msk [tilespmem:v8+s22+$0x0], $0xffff  }
0x1f5: {  	v60 =	vld.idx.msk [tilespmem:v23+s22+$0x0], $0xffff;
	v23 =	vimm.f32 $0.0e+00;
	v1 =	vadd.f32 v1, v45;
	v5 =	vadd.f32 v4, v45  }
0x1f6: {  	[tilespmem:$0x1FE60] =	vst v9;
	s19 =	simm.s32 $0x2;
	v4 =	vimm.f32 $0.0e+00;
	v7 =	vmul.f32 v51, v41;
	v6 =	vmul.f32 v51, v33  }
.LBB2_7:
0x1f7: {  	v15 =	vmul.f32 v55, v47  }
0x1f8: {  	v16 =	vmul.f32 v52, v40;
	v17 =	vmul.f32 v43, v47  }
0x1f9: {  	v9 =	vmul.f32 v52, v54;
	v51 =	vmul.f32 v51, v31;
	v7 =	vadd.f32 v7, v45  }
0x1fa: {  	v45 =	vmul.f32 v57, v54;
	v1 =	vadd.f32 v3, v1;
	v3 =	vmul.f32 v34, v33  }
0x1fb: {  	v6 =	vadd.f32 v6, v56;
	v8 =	vmul.f32 v60, v31;
	v55 =	vmul.f32 v63, v41  }
0x1fc: {  	v5 =	vadd.f32 v0, v5;
	v43 =	vmul.f32 v61, v41;
	v56 =	vmul.f32 v61, v31  }
0x1fd: {  	v3 =	vadd.f32 v3, v35;
	v0 =	vmul.f32 v63, v31;
	v54 =	vmul.f32 v49, v33  }
0x1fe: {  	v45 =	vadd.f32 v45, v7;
	v7 =	vmul.f32 v61, v33;
	v61 =	vmul.f32 v57, v47  }
0x1ff: {  	v35 =	vadd.f32 v17, v3;
	v4 =	vadd.f32 v8, v4;
	v8 =	vmul.f32 v63, v33  }
0x200: {  	v42 =	vadd.f32 v55, v42;
	v55 =	vmul.f32 v57, v40;
	v48 =	vadd.f32 v56, v48  }
0x201: {  	v63 =	vmul.f32 v60, v41;
	v40 =	vmul.f32 v44, v40;
	v56 =	vadd.f32 v61, v6  }
0x202: {  	v57 =	vlaneseq.u32;
	v6 =	vadd.f32 v51, v37;
	v46 =	vadd.f32 v54, v46  }
0x203: {  	v54 =	vld [tilespmem:$0x1FE60];
	v42 =	vadd.f32 v2, v42;
	v2 =	vmul.f32 v50, v47;
	v8 =	vadd.f32 v8, v39  }
0x204: {  	s20 =	smov.u32 s19;
	v50 =	vmul.f32 v49, v31;
	v31 =	vmul.f32 v34, v31;
	v37 =	vadd.f32 v55, v6;
	v55 =	vld [tilespmem:$0x1FE50]  }
0x205: {  	v48 =	vadd.f32 v40, v48;
	v6 =	vadd.s32 s20, v57;
	v39 =	vadd.f32 v2, v8  }
0x206: {  	s10 =	sadd.s32 $0x1, s20;
	s11 =	sand.u32 $0x70, s20;
	v6 =	vand.u32 $0xF, v6;
	v2 =	vadd.f32 v63, v38;
	v59 =	vadd.f32 v31, v59;
	v31 =	vld [tilespmem:$0x1FE40]  }
0x207: {  	v47 =	vadd.f32 v50, v58;
	v63 =	vadd.s32 s10, v57;
	v57 =	vor.u32 s11, v6  }
0x208: {  	v58 =	vld [tilespmem:$0x1FFD0];
	v3 =	vor.u32 v12, v57;
	v38 =	vadd.f32 v62, v2;
	v2 =	vand.u32 $0xF, v63  }
0x209: {  	v8 =	vmul.f32 v60, v33;
	v50 =	vmul.f32 v26, v41;
	v40 =	vor.u32 s11, v2  }
0x20a: {  	v26 =	vmul.f32 v26, v33;
	v63 =	vld [tilespmem:$0x1FF90];
	v52 =	vor.u32 v12, v40  }
0x20b: {  	v32 =	vadd.f32 v50, v32;
	v8 =	vadd.f32 v8, v28;
	v60 =	vld.idx.msk [tilespmem:v54+s11+$0x0 ss:$0x1], $0xffff;
	v50 =	vor.u32 v14, v40  }
0x20c: {  	v51 =	vadd.f32 v43, v53;
	v41 =	vmul.f32 v49, v41;
	v49 =	vor.u32 v10, v40;
	v53 =	vld.idx.msk [tilespmem:v55+s11+$0x0 ss:$0x1], $0xffff  }
0x20d: {  	v28 =	vadd.f32 v24, v8;
	v24 =	vadd.f32 v26, v29;
	v44 =	vor.u32 v58, v40;
	v26 =	vld.idx.msk [tilespmem:v3+s22+$0x0], $0xffff  }
0x20e: {  	v33 =	vor.u32 v13, v40;
	v61 =	vld.idx.msk [tilespmem:v31+s11+$0x0 ss:$0x1], $0xffff  }
0x20f: {  	v7 =	vadd.f32 v7, v23;
	v31 =	vor.u32 v11, v40;
	v55 =	vld.idx.msk [tilespmem:v52+s22+$0x0], $0xffff  }
0x210: {  	v46 =	vadd.f32 v22, v46;
	v30 =	vadd.f32 v41, v30;
	v41 =	vor.u32 v11, v57;
	v50 =	vld.idx.msk [tilespmem:v50+s22+$0x0], $0xffff  }
0x211: {  	v17 =	vor.u32 v13, v57;
	v32 =	vadd.f32 v36, v32;
	v34 =	vor.u32 v63, v40;
	v52 =	vld.idx.msk [tilespmem:v49+s22+$0x0], $0xffff  }
0x212: {  	v36 =	vor.u32 v10, v57;
	v30 =	vadd.f32 v9, v30;
	v8 =	vor.u32 v63, v57;
	v62 =	vld.idx.msk [tilespmem:v44+s22+$0x0], $0xffff  }
0x213: {  	v9 =	vor.u32 v58, v57;
	v58 =	vadd.f32 v16, v47;
	v54 =	vperm.xlane v60, v2;
	v44 =	vld.idx.msk [tilespmem:v33+s22+$0x0], $0xffff  }
0x214: {  	v63 =	vor.u32 v14, v57;
	v40 =	vperm.xlane v53, v2;
	v47 =	vperm.xlane v61, v2;
	v57 =	vld.idx.msk [tilespmem:v31+s22+$0x0], $0xffff  }
0x215: {  	v31 =	vperm.xlane v53, v6;
	v53 =	vadd.f32 v25, v51;
	v51 =	vld.idx.msk [tilespmem:v41+s22+$0x0], $0xffff;
	v41 =	vperm.xlane v60, v6  }
0x216: {  	v29 =	vadd.f32 v15, v24;
	v43 =	vld.idx.msk [tilespmem:v34+s22+$0x0], $0xffff;
	v33 =	vperm.xlane v61, v6;
	v2 =	vmul.f32 v50, v54  }
0x217: {  	v15 =	vadd.f32 v0, v27;
	v34 =	vld.idx.msk [tilespmem:v8+s22+$0x0], $0xffff;
	v3 =	vmul.f32 v50, v40;
	v0 =	vmul.f32 v55, v40  }
0x218: {  	v4 =	vadd.f32 v19, v4;
	v49 =	vld.idx.msk [tilespmem:v36+s22+$0x0], $0xffff;
	v36 =	vmul.f32 v55, v54;
	v8 =	vmul.f32 v62, v40  }
0x219: {  	p1 =	slt.u32 s19, $0x7E;
	v23 =	vadd.f32 v20, v7;
	v24 =	vmul.f32 v62, v47;
	v22 =	vmul.f32 v52, v47  }
.Ltmp4:
0x21a: {  	v59 =	vadd.f32 v21, v59;
	v20 =	vmul.f32 v44, v47;
	v62 =	vmul.f32 v62, v54;
	(pc) =	sbr.rel @p1 .LBB2_7-.Ltmp4, $4  }
0x21b: {  	v27 =	vadd.f32 v18, v15;
	v63 =	vld.idx.msk [tilespmem:v63+s22+$0x0], $0xffff;
	v25 =	vmul.f32 v44, v54;
	v16 =	vmul.f32 v43, v40  }
0x21c: {  	v60 =	vld.idx.msk [tilespmem:v9+s22+$0x0], $0xffff;
	v6 =	vmul.f32 v34, v41;
	v19 =	vmov v8;
	v8 =	vmul.f32 v26, v31  }
0x21d: {  	v61 =	vld.idx.msk [tilespmem:v17+s22+$0x0], $0xffff;
	v18 =	vmov v3;
	v3 =	vmul.f32 v43, v54;
	v7 =	vmul.f32 v51, v41  }
0x21e: {  	s19 =	sadd.s32 $0x2, s19;
	v21 =	vmovc v16;
	v1 =	vadd.f32 v6, v1;
	v5 =	vadd.f32 v8, v5;
	v6 =	vmul.f32 v51, v33  }
0x21f: {  	v8 =	vld [tilespmem:$0x11A80]  }
0x220: {  	v9 =	vld [tilespmem:$0x11C80]  }
0x221: {  	v15 =	vld [tilespmem:$0x11E80];
	_ =	sdelay $0x3  }
0x222: {  	v16 =	vmax.f32 v8, v9  }
0x223: {  	v16 =	vmax.f32 v16, v15  }
0x224: {  	v8 =	vsub.f32 v8, v16  }
0x225: {  	v9 =	vsub.f32 v9, v16  }
0x226: {  	v8 =	vmul.f32 $1.442695020e+00, v8  }
0x227: {  	v15 =	vsub.f32 v15, v16;
	v9 =	vmul.f32 $1.442695020e+00, v9  }
0x228: {  	(erf) = vpow2.f32 v8  }
0x229: {  	v8 =	vmul.f32 $1.442695020e+00, v15;
	(erf) = vpow2.f32 v9;
	_ =	sdelay $0x1  }
0x22a: {  	(erf) = vpow2.f32 v8  }
0x22b: {  	v9 =	vld [tilespmem:$0x11C90]  }
0x22c: {  	v8 =	vld [tilespmem:$0x11A90]  }
0x22d: {  	v15 =	vld [tilespmem:$0x11E90];
	_ =	sdelay $0x2  }
0x22e: {  	v12 =	vpop (erf)  }
0x22f: {  	v16 =	vmax.f32 v8, v9;
	v10 =	vpop (erf)  }
0x230: {  	v16 =	vmax.f32 v16, v15;
	v17 =	vadd.f32 v10, v12  }
0x231: {  	v8 =	vsub.f32 v8, v16;
	v13 =	vpop (erf)  }
0x232: {  	v9 =	vsub.f32 v9, v16;
	v17 =	vadd.f32 v17, v13  }
0x233: {  	v8 =	vmul.f32 $1.442695020e+00, v8  }
0x234: {  	v15 =	vsub.f32 v15, v16;
	v9 =	vmul.f32 $1.442695020e+00, v9;
	(erf) = vrcp.f32 v17  }
0x235: {  	(erf) = vpow2.f32 v8  }
0x236: {  	v8 =	vmul.f32 $1.442695020e+00, v15;
	(erf) = vpow2.f32 v9;
	_ =	sdelay $0x1  }
0x237: {  	(erf) = vpow2.f32 v8  }
0x238: {  	v9 =	vld [tilespmem:$0x11CA0]  }
0x239: {  	v8 =	vld [tilespmem:$0x11AA0]  }
0x23a: {  	v15 =	vld [tilespmem:$0x11EA0];
	_ =	sdelay $0x1  }
0x23b: {  	[tilespmem:$0x1FCB0] =	vst v10;
	v10 =	vpop (erf)  }
0x23c: {  	[tilespmem:$0x1FD10] =	vst v10;
	v10 =	vpop (erf)  }
0x23d: {  	v16 =	vmax.f32 v8, v9;
	v14 =	vpop (erf)  }
0x23e: {  	v16 =	vmax.f32 v16, v15;
	v17 =	vadd.f32 v14, v10  }
0x23f: {  	v8 =	vsub.f32 v8, v16;
	[tilespmem:$0x1FCD0] =	vst v14;
	v14 =	vpop (erf)  }
0x240: {  	v9 =	vsub.f32 v9, v16;
	v17 =	vadd.f32 v17, v14  }
0x241: {  	v8 =	vmul.f32 $1.442695020e+00, v8  }
0x242: {  	v15 =	vsub.f32 v15, v16;
	v9 =	vmul.f32 $1.442695020e+00, v9;
	(erf) = vrcp.f32 v17  }
0x243: {  	(erf) = vpow2.f32 v8  }
0x244: {  	v8 =	vmul.f32 $1.442695020e+00, v15;
	(erf) = vpow2.f32 v9;
	_ =	sdelay $0x1  }
0x245: {  	(erf) = vpow2.f32 v8  }
0x246: {  	v11 =	vld [tilespmem:$0x11CB0]  }
0x247: {  	v9 =	vld [tilespmem:$0x11AB0]  }
0x248: {  	v15 =	vld [tilespmem:$0x11EB0];
	_ =	sdelay $0x1  }
0x249: {  	v16 =	vpop (erf)  }
0x24a: {  	[tilespmem:$0x1FCC0] =	vst v10;
	v10 =	vpop (erf)  }
0x24b: {  	[tilespmem:$0x1FD20] =	vst v16;
	v16 =	vmax.f32 v9, v11;
	v8 =	vpop (erf)  }
0x24c: {  	[tilespmem:$0x1FCE0] =	vst v10;
	v16 =	vmax.f32 v16, v15;
	v17 =	vadd.f32 v8, v10  }
0x24d: {  	[tilespmem:$0x1FCF0] =	vst v8;
	v10 =	vsub.f32 v9, v16;
	v8 =	vpop (erf)  }
0x24e: {  	v9 =	vsub.f32 v11, v16;
	v17 =	vadd.f32 v17, v8  }
0x24f: {  	[tilespmem:$0x1FD00] =	vst v8;
	v8 =	vmul.f32 $1.442695020e+00, v10  }
0x250: {  	v15 =	vsub.f32 v15, v16;
	v9 =	vmul.f32 $1.442695020e+00, v9;
	(erf) = vrcp.f32 v17  }
0x251: {  	(erf) = vpow2.f32 v8  }
0x252: {  	v8 =	vmul.f32 $1.442695020e+00, v15;
	(erf) = vpow2.f32 v9;
	_ =	sdelay $0x1  }
0x253: {  	(erf) = vpow2.f32 v8  }
0x254: {  	v9 =	vld [tilespmem:$0x11CC0]  }
0x255: {  	v8 =	vld [tilespmem:$0x11AC0]  }
0x256: {  	v15 =	vld [tilespmem:$0x11EC0];
	_ =	sdelay $0x1  }
0x257: {  	v10 =	vpop (erf)  }
0x258: {  	v11 =	vpop (erf)  }
0x259: {  	v16 =	vmax.f32 v8, v9;
	[tilespmem:$0x1FD30] =	vst v10;
	v10 =	vpop (erf)  }
0x25a: {  	v16 =	vmax.f32 v16, v15;
	v17 =	vadd.f32 v10, v11  }
0x25b: {  	v8 =	vsub.f32 v8, v16;
	[tilespmem:$0x1FD50] =	vst v10;
	v10 =	vpop (erf)  }
0x25c: {  	v9 =	vsub.f32 v9, v16;
	v17 =	vadd.f32 v17, v10  }
0x25d: {  	v8 =	vmul.f32 $1.442695020e+00, v8  }
0x25e: {  	v15 =	vsub.f32 v15, v16;
	v9 =	vmul.f32 $1.442695020e+00, v9;
	(erf) = vrcp.f32 v17  }
0x25f: {  	(erf) = vpow2.f32 v8  }
0x260: {  	v8 =	vmul.f32 $1.442695020e+00, v15;
	(erf) = vpow2.f32 v9;
	_ =	sdelay $0x1  }
0x261: {  	(erf) = vpow2.f32 v8  }
0x262: {  	v9 =	vld [tilespmem:$0x11CD0]  }
0x263: {  	v8 =	vld [tilespmem:$0x11AD0]  }
0x264: {  	v15 =	vld [tilespmem:$0x11ED0];
	_ =	sdelay $0x1  }
0x265: {  	[tilespmem:$0x1FD40] =	vst v11;
	v16 =	vpop (erf)  }
0x266: {  	[tilespmem:$0x1FD60] =	vst v10;
	v10 =	vpop (erf)  }
0x267: {  	[tilespmem:$0x1FD90] =	vst v16;
	v16 =	vmax.f32 v8, v9;
	v11 =	vpop (erf)  }
0x268: {  	v16 =	vmax.f32 v16, v15;
	v17 =	vadd.f32 v11, v10  }
0x269: {  	[tilespmem:$0x1FD80] =	vst v11;
	v8 =	vsub.f32 v8, v16;
	v11 =	vpop (erf)  }
0x26a: {  	v17 =	vadd.f32 v17, v11  }
0x26b: {  	v0 =	vadd.f32 v0, v5;
	v9 =	vsub.f32 v9, v16;
	v8 =	vmul.f32 $1.442695020e+00, v8  }
0x26c: {  	v5 =	vmul.f32 v57, v54;
	v15 =	vsub.f32 v15, v16;
	(erf) = vrcp.f32 v17  }
0x26d: {  	(erf) = vpow2.f32 v8;
	v8 =	vmul.f32 $1.442695020e+00, v9  }
0x26e: {  	v7 =	vadd.f32 v7, v45;
	v9 =	vmul.f32 $1.442695020e+00, v15;
	v15 =	vmul.f32 v63, v41  }
0x26f: {  	(erf) = vpow2.f32 v8;
	v8 =	vmul.f32 v60, v31  }
0x270: {  	v1 =	vadd.f32 v3, v1;
	v3 =	vadd.f32 v5, v7;
	v5 =	vmul.f32 v60, v41  }
0x271: {  	v15 =	vadd.f32 v15, v42;
	v4 =	vadd.f32 v8, v4;
	v8 =	vmul.f32 v63, v33  }
0x272: {  	v5 =	vadd.f32 v5, v38  }
0x273: {  	v2 =	vadd.f32 v2, v15;
	v15 =	vmul.f32 v50, v47;
	v8 =	vadd.f32 v8, v39  }
0x274: {  	v51 =	vmul.f32 v51, v31;
	v5 =	vadd.f32 v62, v5;
	v62 =	vmul.f32 v34, v31  }
0x275: {  	[tilespmem:$0x1FD70] =	vst v10;
	v10 =	vld [tilespmem:$0x1FCB0];
	v7 =	vadd.f32 v15, v8;
	v15 =	vmul.f32 v49, v31  }
0x276: {  	v37 =	vadd.f32 v51, v37;
	v51 =	vadd.f32 v62, v59  }
0x277: {  	v15 =	vadd.f32 v15, v58;
	v58 =	vmul.f32 v61, v41  }
0x278: {  	v21 =	vadd.f32 v21, v51  }
0x279: {  	v45 =	vadd.f32 v58, v53;
	v58 =	vmul.f32 v49, v41  }
0x27a: {  	v21 =	vmul.f32 v10, v21;
	v10 =	vld [tilespmem:$0x1FCC0]  }
0x27b: {  	v17 =	vmul.f32 v52, v54;
	v30 =	vadd.f32 v58, v30;
	_ =	sdelay $0x1  }
0x27c: {  	v17 =	vadd.f32 v17, v30;
	_ =	sdelay $0x1  }
0x27d: {  	v17 =	vmul.f32 v10, v17;
	v10 =	vld [tilespmem:$0x1FCD0]  }
0x27e: {  	v38 =	vmul.f32 v52, v40;
	_ =	sdelay $0x1  }
0x27f: {  	(erf) = vpow2.f32 v9;
	v15 =	vadd.f32 v38, v15  }
0x280: {  	v59 =	vmul.f32 v26, v41  }
0x281: {  	v15 =	vmul.f32 v10, v15;
	v10 =	vld [tilespmem:$0x1FCE0]  }
0x282: {  	v32 =	vadd.f32 v59, v32;
	_ =	sdelay $0x1  }
0x283: {  	v43 =	vmul.f32 v43, v47;
	v32 =	vadd.f32 v36, v32;
	v1 =	vmul.f32 v12, v1;
	v39 =	vpop (erf)  }
0x284: {  	v6 =	vadd.f32 v6, v56;
	v56 =	vmul.f32 v57, v47;
	v8 =	vmul.f32 v55, v47;
	v47 =	vpop (erf)  }
0x285: {  	v1 =	vadd.f32 v21, v1;
	v9 =	vmul.f32 v61, v31;
	v52 =	vpop (erf);
	v21 =	vmul.f32 v10, v32;
	v10 =	vld [tilespmem:$0x1FCF0]  }
0x286: {  	v50 =	vmul.f32 v57, v40;
	v57 =	vadd.f32 v52, v47  }
0x287: {  	v40 =	vmul.f32 v44, v40;
	v9 =	vadd.f32 v9, v48;
	v54 =	vpop (erf)  }
0x288: {  	v55 =	vadd.f32 v57, v54;
	v57 =	vmul.f32 v49, v33  }
0x289: {  	v62 =	vmul.f32 v34, v33;
	v26 =	vmul.f32 v26, v33;
	v9 =	vadd.f32 v40, v9  }
0x28a: {  	v40 =	vadd.f32 v57, v46;
	v46 =	vmul.f32 v60, v33;
	v0 =	vmul.f32 v10, v0;
	v10 =	vld [tilespmem:$0x1FD00]  }
0x28b: {  	v26 =	vadd.f32 v26, v29  }
0x28c: {  	v34 =	vadd.f32 v62, v35;
	v28 =	vadd.f32 v46, v28  }
0x28d: {  	v8 =	vadd.f32 v8, v26  }
0x28e: {  	v16 =	vld [tilespmem:$0x11AE0];
	v31 =	vmul.f32 v63, v31;
	v24 =	vadd.f32 v24, v28;
	v28 =	vadd.f32 v43, v34  }
0x28f: {  	v8 =	vmul.f32 v10, v8;
	v10 =	vld [tilespmem:$0x1FD10]  }
0x290: {  	v42 =	vld [tilespmem:$0x11CE0];
	v26 =	vadd.f32 v31, v27;
	v27 =	vmul.f32 v13, v28  }
0x291: {  	v48 =	vld [tilespmem:$0x11EE0]  }
0x292: {  	v1 =	vadd.f32 v1, v27  }
0x293: {  	v22 =	vadd.f32 v22, v40  }
0x294: {  	v6 =	vadd.f32 v56, v6;
	v1 =	vmul.f32 v10, v1;
	v10 =	vld [tilespmem:$0x1FD20]  }
0x295: {  	v56 =	vmax.f32 v16, v42;
	v15 =	vadd.f32 v15, v17;
	v17 =	vmul.f32 v14, v22  }
0x296: {  	v44 =	vmax.f32 v56, v48  }
0x297: {  	v16 =	vsub.f32 v16, v44;
	v15 =	vadd.f32 v15, v17;
	_ =	sdelay $0x1  }
0x298: {  	v16 =	vmul.f32 $1.442695020e+00, v16;
	v15 =	vmul.f32 v10, v15;
	v10 =	vld [tilespmem:$0x1FD30]  }
0x299: {  	v42 =	vsub.f32 v42, v44;
	(erf) = vrcp.f32 v55;
	v0 =	vadd.f32 v0, v21  }
0x29a: {  	(erf) = vpow2.f32 v16;
	v16 =	vsub.f32 v48, v44  }
0x29b: {  	v42 =	vmul.f32 $1.442695020e+00, v42;
	v0 =	vadd.f32 v0, v8  }
0x29c: {  	v16 =	vmul.f32 $1.442695020e+00, v16  }
0x29d: {  	(erf) = vpow2.f32 v42;
	v0 =	vmul.f32 v10, v0;
	v10 =	vld [tilespmem:$0x1FD40]  }
0x29e: {  	(erf) = vpow2.f32 v16;
	v16 =	vmul.f32 v61, v33;
	_ =	sdelay $0x1  }
0x29f: {  	v25 =	vadd.f32 v25, v45;
	v16 =	vadd.f32 v16, v23;
	_ =	sdelay $0x1  }
0x2a0: {  	v16 =	vadd.f32 v20, v16;
	v20 =	vmul.f32 v10, v25;
	v10 =	vld [tilespmem:$0x1FD50];
	_ =	sdelay $0x4  }
0x2a1: {  	v9 =	vmul.f32 v10, v9;
	v10 =	vld [tilespmem:$0x1FD60];
	_ =	sdelay $0x4  }
0x2a2: {  	v16 =	vmul.f32 v10, v16;
	v10 =	vld [tilespmem:$0x1FD70]  }
0x2a3: {  	v28 =	vpop (erf)  }
0x2a4: {  	v29 =	vpop (erf)  }
0x2a5: {  	v22 =	vpop (erf)  }
0x2a6: {  	v17 =	vadd.f32 v22, v29  }
0x2a7: {  	v8 =	vpop (erf);
	v5 =	vmul.f32 v10, v5;
	v10 =	vld [tilespmem:$0x1FD80]  }
0x2a8: {  	v21 =	vld [tilespmem:$0x12080];
	v17 =	vadd.f32 v17, v8;
	_ =	sdelay $0x1  }
0x2a9: {  	v4 =	vadd.f32 v19, v4;
	v45 =	vld [tilespmem:$0x1FDF0];
	(erf) = vrcp.f32 v17;
	v17 =	vadd.f32 v18, v26  }
0x2aa: {  	v2 =	vmul.f32 v47, v2;
	v55 =	vld [tilespmem:$0x1FE50]  }
0x2ab: {  	v53 =	vadd.f32 v50, v37;
	v43 =	vld [tilespmem:$0x1FE60];
	v17 =	vmul.f32 v52, v17;
	v4 =	vmul.f32 v10, v4  }
0x2ac: {  	v7 =	vmul.f32 v54, v7;
	v3 =	vmul.f32 v29, v3;
	v1 =	vadd.f32 v1, v21;
	v18 =	vld [tilespmem:$0x12090]  }
0x2ad: {  	v21 =	vld [tilespmem:$0x120A0];
	v2 =	vadd.f32 v17, v2;
	v4 =	vadd.f32 v4, v5;
	v5 =	vmul.f32 v22, v53  }
0x2ae: {  	v19 =	vmul.f32 v11, v24;
	v17 =	vld [tilespmem:$0x120D0];
	v9 =	vadd.f32 v9, v20  }
0x2af: {  	v2 =	vadd.f32 v2, v7;
	v3 =	vadd.f32 v5, v3;
	v5 =	vmul.f32 v8, v6;
	v8 =	vld [tilespmem:$0x1FD90]  }
0x2b0: {  	v9 =	vadd.f32 v9, v16;
	v16 =	vld [tilespmem:$0x120C0]  }
0x2b1: {  	v2 =	vmul.f32 v28, v2;
	v20 =	vld [tilespmem:$0x120B0];
	v4 =	vadd.f32 v4, v19  }
0x2b2: {  	v7 =	vld [tilespmem:$0x120E0];
	v0 =	vadd.f32 v0, v21  }
0x2b3: {  	v60 =	vld [tilespmem:$0x1FE40];
	[tilespmem:$0x12280] =	vst v1;
	v2 =	vadd.f32 v2, v17;
	v1 =	vmul.f32 v39, v4;
	v3 =	vadd.f32 v3, v5  }
0x2b4: {  	s10 =	simm.s32 $0x1;
	v13 =	vld [tilespmem:$0x1FDA0];
	[tilespmem:$0x122A0] =	vst v0;
	v10 =	vlaneseq.u32;
	v6 =	vadd.f32 v15, v18;
	v5 =	vpop (erf);
	v8 =	vmul.f32 v8, v9  }
0x2b5: {  	s11 =	simm.s32 $0x0;
	v11 =	vld [tilespmem:$0x1FDC0];
	[tilespmem:$0x122D0] =	vst v2;
	v0 =	vadd.f32 v1, v16;
	v1 =	vmul.f32 v5, v3;
	v3 =	vadd.s32 s10, v10  }
0x2b6: {  	s20 =	sand.u32 $0x70, s11;
	v14 =	vld [tilespmem:$0x1FDD0];
	[tilespmem:$0x12290] =	vst v6;
	v3 =	vand.u32 $0xF, v3;
	v4 =	vadd.f32 v8, v20  }
0x2b7: {  	v47 =	vld [tilespmem:$0x1FDE0];
	[tilespmem:$0x122C0] =	vst v0;
	v0 =	vadd.f32 v1, v7;
	v1 =	vor.u32 s20, v3  }
0x2b8: {  	v12 =	vld [tilespmem:$0x1FDB0];
	v2 =	vor.u32 v45, v1;
	[tilespmem:$0x122B0] =	vst v4  }
0x2b9: {  	v6 =	vor.u32 v13, v1;
	[tilespmem:$0x122E0] =	vst v0  }
0x2ba: {  	v16 =	vor.u32 v11, v1;
	v7 =	vld.idx.msk [tilespmem:v43+s20+$0x0 ss:$0x1], $0xffff  }
0x2bb: {  	v17 =	vor.u32 v14, v1;
	v0 =	vadd.s32 s11, v10;
	v9 =	vld.idx.msk [tilespmem:v60+s20+$0x0 ss:$0x1], $0xffff  }
0x2bc: {  	v4 =	vor.u32 v47, v1;
	v5 =	vld.idx.msk [tilespmem:v55+s20+$0x0 ss:$0x1], $0xffff;
	v0 =	vand.u32 $0xF, v0  }
0x2bd: {  	v1 =	vor.u32 v12, v1;
	v8 =	vor.u32 s20, v0;
	v2 =	vld.idx.msk [tilespmem:v2+s22+$0x0], $0xffff  }
0x2be: {  	v15 =	vor.u32 v45, v8;
	v6 =	vld.idx.msk [tilespmem:v6+s22+$0x0], $0xffff  }
0x2bf: {  	v19 =	vor.u32 v12, v8;
	v16 =	vld.idx.msk [tilespmem:v16+s22+$0x0], $0xffff  }
0x2c0: {  	v18 =	vor.u32 v11, v8;
	v17 =	vld.idx.msk [tilespmem:v17+s22+$0x0], $0xffff;
	v20 =	vperm.xlane v7, v3;
	v22 =	vperm.xlane v9, v3  }
0x2c1: {  	v21 =	vor.u32 v47, v8;
	v4 =	vld.idx.msk [tilespmem:v4+s22+$0x0], $0xffff;
	v3 =	vperm.xlane v5, v3;
	v5 =	vperm.xlane v5, v0  }
0x2c2: {  	v24 =	vor.u32 v13, v8;
	v1 =	vld.idx.msk [tilespmem:v1+s22+$0x0], $0xffff;
	v7 =	vperm.xlane v7, v0;
	v0 =	vperm.xlane v9, v0  }
0x2c3: {  	v8 =	vor.u32 v14, v8;
	v15 =	vld.idx.msk [tilespmem:v15+s22+$0x0], $0xffff;
	v23 =	vmul.f32 v2, v20;
	v25 =	vmul.f32 v2, v22  }
0x2c4: {  	v28 =	vld.idx.msk [tilespmem:v19+s22+$0x0], $0xffff;
	v2 =	vmul.f32 v2, v3;
	v19 =	vmul.f32 v6, v3  }
0x2c5: {  	v26 =	vld.idx.msk [tilespmem:v18+s22+$0x0], $0xffff;
	v32 =	vmul.f32 v6, v22;
	v6 =	vmul.f32 v6, v20  }
0x2c6: {  	v9 =	vld.idx.msk [tilespmem:v21+s22+$0x0], $0xffff;
	v27 =	vmul.f32 v17, v22;
	v31 =	vmul.f32 v16, v22  }
0x2c7: {  	v24 =	vld.idx.msk [tilespmem:v24+s22+$0x0], $0xffff;
	v36 =	vmul.f32 v17, v20;
	v17 =	vmul.f32 v17, v3  }
0x2c8: {  	v8 =	vld.idx.msk [tilespmem:v8+s22+$0x0], $0xffff;
	v18 =	vmul.f32 v4, v3;
	v46 =	vmul.f32 v4, v20  }
0x2c9: {  	v4 =	vmul.f32 v4, v22;
	v33 =	vmul.f32 v1, v22  }
0x2ca: {  	v21 =	vmul.f32 v15, v7;
	v29 =	vmul.f32 v15, v5  }
0x2cb: {  	v57 =	vimm.f32 $0.0e+00;
	v30 =	vmul.f32 v26, v5;
	v61 =	vmul.f32 v28, v5  }
0x2cc: {  	v62 =	vmul.f32 v9, v0;
	v38 =	vmul.f32 v24, v7;
	v21 =	vadd.f32 v21, v57  }
0x2cd: {  	v15 =	vmul.f32 v15, v0;
	v63 =	vmul.f32 v8, v7  }
0x2ce: {  	v58 =	vadd.f32 v23, v21;
	v21 =	vadd.f32 v29, v57;
	v23 =	vmul.f32 v26, v7  }
0x2cf: {  	v29 =	vadd.f32 v30, v57;
	v30 =	vmul.f32 v9, v7;
	v26 =	vmul.f32 v26, v0  }
0x2d0: {  	v35 =	vadd.f32 v61, v57;
	v9 =	vmul.f32 v9, v5;
	v7 =	vmul.f32 v28, v7  }
0x2d1: {  	v21 =	vadd.f32 v2, v21;
	v2 =	vmul.f32 v16, v20;
	v49 =	vadd.f32 v30, v57  }
0x2d2: {  	v23 =	vadd.f32 v23, v57;
	v30 =	vmul.f32 v24, v5;
	v24 =	vmul.f32 v24, v0  }
0x2d3: {  	s19 =	simm.s32 $0x2;
	v26 =	vadd.f32 v26, v57;
	v20 =	vmul.f32 v1, v20;
	v1 =	vmul.f32 v1, v3  }
0x2d4: {  	s11 =	simm.s32 $0x3;
	s20 =	sand.u32 $0x70, s19;
	v22 =	vadd.f32 v2, v23;
	v2 =	vmul.f32 v16, v3;
	v16 =	vadd.f32 v62, v57  }
0x2d5: {  	v52 =	vld.idx.msk [tilespmem:v60+s20+$0x0 ss:$0x1], $0xffff;
	v23 =	vadd.s32 s11, v10;
	v50 =	vadd.f32 v24, v57;
	v24 =	vadd.f32 v31, v26  }
0x2d6: {  	v3 =	vadd.s32 s19, v10;
	v44 =	vadd.f32 v30, v57;
	v53 =	vadd.f32 v1, v35  }
0x2d7: {  	v23 =	vand.u32 $0xF, v23;
	v41 =	vand.u32 $0xF, v3;
	v3 =	vadd.f32 v63, v57  }
0x2d8: {  	v37 =	vadd.f32 v2, v29;
	v2 =	vor.u32 s20, v23;
	v29 =	vmul.f32 v8, v0  }
0x2d9: {  	v8 =	vmul.f32 v8, v5;
	v5 =	vor.u32 s20, v41;
	v26 =	vor.u32 v45, v2  }
0x2da: {  	v35 =	vperm.xlane v52, v23;
	v0 =	vmul.f32 v28, v0;
	v40 =	vor.u32 v47, v2  }
0x2db: {  	v42 =	vld.idx.msk [tilespmem:v43+s20+$0x0 ss:$0x1], $0xffff;
	v31 =	vor.u32 v11, v2;
	v39 =	vor.u32 v13, v2;
	v34 =	vor.u32 v14, v2  }
0x2dc: {  	v30 =	vld.idx.msk [tilespmem:v55+s20+$0x0 ss:$0x1], $0xffff;
	v45 =	vor.u32 v45, v5;
	v54 =	vor.u32 v11, v5;
	v62 =	vor.u32 v13, v5  }
0x2dd: {  	v59 =	vor.u32 v47, v5;
	v47 =	vadd.f32 v4, v16;
	v4 =	vadd.f32 v15, v57  }
0x2de: {  	v55 =	vor.u32 v12, v5;
	v36 =	vadd.f32 v36, v3;
	v15 =	vadd.f32 v38, v57;
	v48 =	vld.idx.msk [tilespmem:v26+s22+$0x0], $0xffff  }
0x2df: {  	v60 =	vor.u32 v14, v5;
	v3 =	vadd.f32 v7, v57;
	v29 =	vadd.f32 v29, v57;
	v43 =	vld.idx.msk [tilespmem:v40+s22+$0x0], $0xffff  }
0x2e0: {  	v2 =	vor.u32 v12, v2;
	v7 =	vadd.f32 v8, v57;
	v56 =	vadd.f32 v0, v57;
	v1 =	vld.idx.msk [tilespmem:v39+s22+$0x0], $0xffff  }
0x2e1: {  	v27 =	vadd.f32 v27, v29;
	v26 =	vperm.xlane v30, v41;
	v39 =	vperm.xlane v42, v23;
	v45 =	vld.idx.msk [tilespmem:v45+s22+$0x0], $0xffff  }
0x2e2: {  	v29 =	vadd.f32 v20, v3;
	v30 =	vperm.xlane v30, v23;
	v34 =	vld.idx.msk [tilespmem:v34+s22+$0x0], $0xffff;
	v40 =	vperm.xlane v42, v41  }
0x2e3: {  	v28 =	vadd.f32 v17, v7;
	v51 =	vld.idx.msk [tilespmem:v31+s22+$0x0], $0xffff;
	v31 =	vperm.xlane v52, v41;
	v5 =	vmul.f32 v48, v39  }
0x2e4: {  	v54 =	vld.idx.msk [tilespmem:v54+s22+$0x0], $0xffff;
	v41 =	vadd.f32 v25, v4;
	v23 =	vmul.f32 v48, v35;
	v3 =	vmul.f32 v48, v30  }
0x2e5: {  	v38 =	vld.idx.msk [tilespmem:v2+s22+$0x0], $0xffff;
	v2 =	vadd.f32 v32, v50;
	v48 =	vmul.f32 v43, v30;
	v20 =	vmul.f32 v43, v39  }
0x2e6: {  	v32 =	vld.idx.msk [tilespmem:v55+s22+$0x0], $0xffff;
	v55 =	vadd.f32 v46, v49;
	v52 =	vmul.f32 v1, v30;
	v4 =	vmul.f32 v45, v40  }
0x2e7: {  	v49 =	vld.idx.msk [tilespmem:v59+s22+$0x0], $0xffff;
	v59 =	vadd.f32 v9, v57;
	v25 =	vmul.f32 v1, v35;
	v0 =	vmul.f32 v1, v39  }
0x2e8: {  	v42 =	vld.idx.msk [tilespmem:v60+s22+$0x0], $0xffff;
	v46 =	vadd.f32 v6, v15;
	v50 =	vmul.f32 v34, v35;
	v60 =	vmul.f32 v45, v26  }
0x2e9: {  	s19 =	simm.s32 $0x4;
	v1 =	vld.idx.msk [tilespmem:v62+s22+$0x0], $0xffff;
	v61 =	vadd.f32 v4, v58;
	v58 =	vmul.f32 v54, v26;
	v4 =	vmul.f32 v51, v35  }
.LBB2_9:
0x2ea: {  	_ = 	snop  }
0x2eb: {  	v7 =	vadd.f32 v5, v61;
	v6 =	vmovc v0;
	v0 =	vadd.f32 v60, v21;
	v5 =	vmul.f32 v54, v40  }
0x2ec: {  	v10 =	vlaneseq.u32  }
0x2ed: {  	s10 =	smov.u32 s19;
	v21 =	vadd.f32 v3, v0;
	v0 =	vmul.f32 v51, v39;
	v5 =	vadd.f32 v5, v22  }
0x2ee: {  	s11 =	sadd.s32 $0x1, s10;
	v63 =	vadd.s32 s10, v10  }
0x2ef: {  	v22 =	vadd.f32 v0, v5;
	v0 =	vmul.f32 v51, v30;
	v51 =	vadd.s32 s11, v10;
	v10 =	vld [tilespmem:$0x1FE50];
	_ =	sdelay $0x4  }
0x2f0: {  	v57 =	vadd.f32 v18, v59;
	v18 =	vmov v48;
	v48 =	vmul.f32 v43, v35  }
0x2f1: {  	v17 =	vadd.f32 v19, v44;
	v19 =	vmovc v52;
	v52 =	vmul.f32 v34, v39;
	v3 =	vmul.f32 v54, v31  }
0x2f2: {  	v9 =	vadd.f32 v33, v56;
	s20 =	sand.u32 $0x70, s10;
	v8 =	vmul.f32 v32, v26;
	v16 =	vmul.f32 v49, v40  }
0x2f3: {  	v15 =	vadd.f32 v58, v37;
	v61 =	vmul.f32 v49, v31;
	v62 =	vmul.f32 v1, v26;
	v59 =	vld.idx.msk [tilespmem:v10+s20+$0x0 ss:$0x1], $0xffff  }
0x2f4: {  	v60 =	vand.u32 $0xF, v63;
	v54 =	vmul.f32 v1, v40;
	v33 =	vmul.f32 v38, v35;
	v10 =	vld [tilespmem:$0x1FE40]  }
0x2f5: {  	v1 =	vmul.f32 v1, v31;
	v56 =	vmul.f32 v38, v39;
	v3 =	vadd.f32 v3, v24  }
0x2f6: {  	v5 =	vmul.f32 v45, v31;
	v16 =	vadd.f32 v16, v55;
	v8 =	vadd.f32 v8, v53  }
0x2f7: {  	v45 =	vld [tilespmem:$0x1FDF0];
	v35 =	vadd.f32 v61, v47;
	v55 =	vmul.f32 v34, v30;
	v58 =	vand.u32 $0xF, v51  }
0x2f8: {  	v1 =	vadd.f32 v1, v2;
	v37 =	vadd.f32 v0, v15;
	v0 =	vor.u32 s20, v58  }
0x2f9: {  	v53 =	vld [tilespmem:$0x1FDE0];
	v24 =	vadd.f32 v4, v3;
	v15 =	vmul.f32 v42, v40;
	v4 =	vor.u32 v11, v0  }
0x2fa: {  	v2 =	vmul.f32 v42, v31;
	v44 =	vadd.f32 v62, v17;
	v34 =	vor.u32 v13, v0  }
0x2fb: {  	v17 =	vmul.f32 v42, v26;
	v15 =	vadd.f32 v15, v36;
	v36 =	vor.u32 v14, v0  }
0x2fc: {  	v62 =	vmul.f32 v49, v26;
	v26 =	vor.u32 s20, v60;
	v3 =	vor.u32 v45, v0;
	v61 =	vld.idx.msk [tilespmem:v10+s20+$0x0 ss:$0x1], $0xffff  }
0x2fd: {  	v30 =	vmul.f32 v38, v30;
	v2 =	vadd.f32 v2, v27;
	v38 =	vor.u32 v45, v26;
	v10 =	vld [tilespmem:$0x1FE60]  }
0x2fe: {  	v39 =	vor.u32 v53, v0;
	v51 =	vld.idx.msk [tilespmem:v4+s22+$0x0], $0xffff  }
0x2ff: {  	v27 =	vadd.f32 v50, v2;
	v2 =	vor.u32 v12, v26;
	v50 =	vld.idx.msk [tilespmem:v34+s22+$0x0], $0xffff  }
0x300: {  	v40 =	vmul.f32 v32, v40;
	v34 =	vld.idx.msk [tilespmem:v36+s22+$0x0], $0xffff  }
0x301: {  	v31 =	vmul.f32 v32, v31;
	v42 =	vor.u32 v11, v26;
	v3 =	vld.idx.msk [tilespmem:v3+s22+$0x0], $0xffff  }
0x302: {  	v4 =	vor.u32 v14, v26;
	v36 =	vadd.f32 v52, v15;
	v15 =	vadd.f32 v40, v29;
	v45 =	vld.idx.msk [tilespmem:v38+s22+$0x0], $0xffff  }
0x303: {  	v63 =	vor.u32 v13, v26;
	v41 =	vadd.f32 v5, v41;
	v47 =	vadd.f32 v48, v35;
	v43 =	vld.idx.msk [tilespmem:v39+s22+$0x0], $0xffff  }
0x304: {  	v0 =	vor.u32 v12, v0;
	v32 =	vld.idx.msk [tilespmem:v2+s22+$0x0], $0xffff;
	v29 =	vadd.f32 v56, v15;
	v56 =	vadd.f32 v31, v9  }
0x305: {  	v35 =	vperm.xlane v61, v58;
	v31 =	vperm.xlane v61, v60;
	v49 =	vld.idx.msk [tilespmem:v10+s20+$0x0 ss:$0x1], $0xffff;
	v10 =	vor.u32 v53, v26  }
0x306: {  	v53 =	vadd.f32 v30, v8;
	v8 =	vadd.f32 v54, v46;
	v54 =	vld.idx.msk [tilespmem:v42+s22+$0x0], $0xffff;
	v30 =	vperm.xlane v59, v58  }
0x307: {  	v2 =	vadd.f32 v25, v1;
	v25 =	vmul.f32 v50, v35;
	v42 =	vld.idx.msk [tilespmem:v4+s22+$0x0], $0xffff;
	v4 =	vmul.f32 v3, v35  }
0x308: {  	v17 =	vadd.f32 v17, v28;
	v26 =	vperm.xlane v59, v60;
	v48 =	vmul.f32 v43, v30  }
0x309: {  	p1 =	slt.u32 s19, $0x7E;
	v41 =	vadd.f32 v23, v41;
	v52 =	vmul.f32 v50, v30;
	v23 =	vmovc v4;
	v4 =	vmul.f32 v51, v35  }
.Ltmp5:
0x30a: {  	v28 =	vadd.f32 v55, v17;
	v39 =	vperm.xlane v49, v58;
	v40 =	vperm.xlane v49, v60;
	(pc) =	sbr.rel @p1 .LBB2_9-.Ltmp5, $4  }
0x30b: {  	v55 =	vadd.f32 v20, v16;
	v1 =	vld.idx.msk [tilespmem:v63+s22+$0x0], $0xffff;
	v60 =	vmul.f32 v45, v26;
	v58 =	vmul.f32 v54, v26  }
0x30c: {  	v38 =	vld.idx.msk [tilespmem:v0+s22+$0x0], $0xffff;
	v59 =	vadd.f32 v62, v57;
	v15 =	vmul.f32 v43, v39;
	v9 =	vmul.f32 v45, v40  }
0x30d: {  	v46 =	vadd.f32 v6, v8;
	v49 =	vld.idx.msk [tilespmem:v10+s22+$0x0], $0xffff;
	v5 =	vmul.f32 v3, v39;
	v3 =	vmul.f32 v3, v30  }
0x30e: {  	s19 =	sadd.s32 $0x2, s19;
	v0 =	vmul.f32 v50, v39;
	v50 =	vmul.f32 v34, v35;
	v20 =	vmovc v15;
	v61 =	vadd.f32 v9, v7  }
0x30f: {  	v6 =	vld [tilespmem:$0x11AF0]  }
0x310: {  	v7 =	vld [tilespmem:$0x11CF0]  }
0x311: {  	v8 =	vld [tilespmem:$0x11EF0];
	_ =	sdelay $0x3  }
0x312: {  	v9 =	vmax.f32 v6, v7  }
0x313: {  	v9 =	vmax.f32 v9, v8  }
0x314: {  	v6 =	vsub.f32 v6, v9  }
0x315: {  	v7 =	vsub.f32 v7, v9  }
0x316: {  	v6 =	vmul.f32 $1.442695020e+00, v6  }
0x317: {  	v8 =	vsub.f32 v8, v9;
	v7 =	vmul.f32 $1.442695020e+00, v7  }
0x318: {  	(erf) = vpow2.f32 v6  }
0x319: {  	v57 =	vmul.f32 $1.442695020e+00, v8;
	(erf) = vpow2.f32 v7;
	_ =	sdelay $0x1  }
0x31a: {  	(erf) = vpow2.f32 v57  }
0x31b: {  	v62 =	vld [tilespmem:$0x11B00]  }
0x31c: {  	v63 =	vld [tilespmem:$0x11D00]  }
0x31d: {  	v11 =	vld [tilespmem:$0x11F00];
	_ =	sdelay $0x2  }
0x31e: {  	v15 =	vpop (erf)  }
0x31f: {  	v16 =	vmax.f32 v62, v63;
	v10 =	vpop (erf)  }
0x320: {  	v13 =	vmax.f32 v16, v11;
	v12 =	vadd.f32 v10, v15  }
0x321: {  	v7 =	vsub.f32 v62, v13;
	v17 =	vpop (erf)  }
0x322: {  	v8 =	vsub.f32 v63, v13;
	v12 =	vadd.f32 v12, v17  }
0x323: {  	v7 =	vmul.f32 $1.442695020e+00, v7  }
0x324: {  	v11 =	vsub.f32 v11, v13;
	v8 =	vmul.f32 $1.442695020e+00, v8;
	(erf) = vrcp.f32 v12  }
0x325: {  	(erf) = vpow2.f32 v7  }
0x326: {  	v57 =	vmul.f32 $1.442695020e+00, v11;
	(erf) = vpow2.f32 v8;
	_ =	sdelay $0x1  }
0x327: {  	(erf) = vpow2.f32 v57  }
0x328: {  	v62 =	vld [tilespmem:$0x11D10]  }
0x329: {  	v8 =	vld [tilespmem:$0x11B10]  }
0x32a: {  	v63 =	vld [tilespmem:$0x11F10];
	_ =	sdelay $0x1  }
0x32b: {  	[tilespmem:$0x1FC80] =	vst v17;
	v17 =	vpop (erf)  }
0x32c: {  	v16 =	vpop (erf)  }
0x32d: {  	v57 =	vmax.f32 v8, v62;
	[tilespmem:$0x1FC90] =	vst v17;
	v17 =	vpop (erf)  }
0x32e: {  	[tilespmem:$0x1FC60] =	vst v15;
	v15 =	vmax.f32 v57, v63;
	v14 =	vadd.f32 v17, v16  }
0x32f: {  	v8 =	vsub.f32 v8, v15;
	v12 =	vpop (erf)  }
0x330: {  	v11 =	vsub.f32 v62, v15;
	v14 =	vadd.f32 v14, v12  }
0x331: {  	v8 =	vmul.f32 $1.442695020e+00, v8  }
0x332: {  	v13 =	vsub.f32 v63, v15;
	v11 =	vmul.f32 $1.442695020e+00, v11;
	(erf) = vrcp.f32 v14  }
0x333: {  	(erf) = vpow2.f32 v8  }
0x334: {  	v62 =	vmul.f32 $1.442695020e+00, v13;
	(erf) = vpow2.f32 v11;
	_ =	sdelay $0x1  }
0x335: {  	v8 =	vld [tilespmem:$0x11B20];
	(erf) = vpow2.f32 v62  }
0x336: {  	v11 =	vld [tilespmem:$0x11D20];
	_ =	sdelay $0x1  }
0x337: {  	v62 =	vld [tilespmem:$0x11F20];
	_ =	sdelay $0x1  }
0x338: {  	v14 =	vpop (erf)  }
0x339: {  	v57 =	vmax.f32 v8, v11;
	v15 =	vpop (erf)  }
0x33a: {  	v13 =	vpop (erf)  }
0x33b: {  	v6 =	vmax.f32 v57, v62;
	v63 =	vadd.f32 v13, v15  }
0x33c: {  	v8 =	vsub.f32 v8, v6;
	v57 =	vpop (erf)  }
0x33d: {  	v11 =	vsub.f32 v11, v6;
	v63 =	vadd.f32 v63, v57  }
0x33e: {  	v8 =	vmul.f32 $1.442695020e+00, v8  }
0x33f: {  	v6 =	vsub.f32 v62, v6;
	v11 =	vmul.f32 $1.442695020e+00, v11;
	(erf) = vrcp.f32 v63  }
0x340: {  	(erf) = vpow2.f32 v8  }
0x341: {  	v6 =	vmul.f32 $1.442695020e+00, v6;
	(erf) = vpow2.f32 v11;
	_ =	sdelay $0x1  }
0x342: {  	(erf) = vpow2.f32 v6  }
0x343: {  	v8 =	vld [tilespmem:$0x11D30]  }
0x344: {  	v6 =	vld [tilespmem:$0x11B30]  }
0x345: {  	v62 =	vld [tilespmem:$0x11F30];
	_ =	sdelay $0x1  }
0x346: {  	v63 =	vpop (erf)  }
0x347: {  	[tilespmem:$0x1FCA0] =	vst v63;
	v63 =	vpop (erf)  }
0x348: {  	[tilespmem:$0x1FC70] =	vst v10;
	v7 =	vmax.f32 v6, v8;
	v10 =	vpop (erf)  }
0x349: {  	v11 =	vmax.f32 v7, v62;
	v7 =	vadd.f32 v10, v63  }
0x34a: {  	v6 =	vsub.f32 v6, v11;
	v9 =	vpop (erf)  }
0x34b: {  	v8 =	vsub.f32 v8, v11;
	v7 =	vadd.f32 v7, v9  }
0x34c: {  	v6 =	vmul.f32 $1.442695020e+00, v6  }
0x34d: {  	v62 =	vsub.f32 v62, v11;
	v8 =	vmul.f32 $1.442695020e+00, v8;
	(erf) = vrcp.f32 v7  }
0x34e: {  	v5 =	vadd.f32 v5, v61;
	v61 =	vmul.f32 v49, v40;
	(erf) = vpow2.f32 v6  }
0x34f: {  	v18 =	vadd.f32 v18, v59;
	v62 =	vmul.f32 $1.442695020e+00, v62;
	(erf) = vpow2.f32 v8  }
0x350: {  	v7 =	vadd.f32 v33, v56;
	v56 =	vadd.f32 v60, v21;
	v60 =	vmul.f32 v54, v40  }
0x351: {  	v19 =	vadd.f32 v19, v44;
	v44 =	vld [tilespmem:$0x11D40];
	v33 =	vadd.f32 v58, v37;
	(erf) = vpow2.f32 v62  }
0x352: {  	v21 =	vld [tilespmem:$0x11B40];
	v37 =	vadd.f32 v61, v55;
	v61 =	vmul.f32 v1, v31;
	v11 =	vadd.f32 v60, v22  }
0x353: {  	v8 =	vmul.f32 v32, v26;
	v3 =	vadd.f32 v3, v56;
	v56 =	vmul.f32 v49, v31  }
0x354: {  	v22 =	vld [tilespmem:$0x11F40];
	v60 =	vmul.f32 v54, v31;
	v2 =	vadd.f32 v61, v2;
	v62 =	vmul.f32 v51, v39  }
0x355: {  	v55 =	vmul.f32 v1, v26;
	v8 =	vadd.f32 v8, v53;
	v47 =	vadd.f32 v56, v47  }
0x356: {  	v61 =	vmul.f32 v42, v40;
	v24 =	vadd.f32 v60, v24;
	v6 =	vadd.f32 v62, v11;
	v11 =	vpop (erf)  }
0x357: {  	v2 =	vadd.f32 v25, v2;
	v62 =	vmul.f32 v51, v30;
	v59 =	vmax.f32 v21, v44;
	v56 =	vpop (erf)  }
0x358: {  	v4 =	vadd.f32 v4, v24;
	v24 =	vadd.f32 v61, v36;
	v61 =	vmul.f32 v45, v31;
	v53 =	vpop (erf)  }
0x359: {  	v45 =	vmul.f32 v32, v40;
	v54 =	vmax.f32 v59, v22;
	v60 =	vadd.f32 v53, v56  }
0x35a: {  	v2 =	vmul.f32 v57, v2;
	v33 =	vadd.f32 v62, v33;
	v21 =	vsub.f32 v21, v54;
	v58 =	vpop (erf)  }
0x35b: {  	v62 =	vmul.f32 v42, v31;
	v44 =	vsub.f32 v44, v54;
	v51 =	vadd.f32 v60, v58  }
0x35c: {  	v19 =	vadd.f32 v55, v19;
	v6 =	vmul.f32 v16, v6;
	v21 =	vmul.f32 $1.442695020e+00, v21  }
0x35d: {  	v59 =	vsub.f32 v22, v54;
	v55 =	vmul.f32 $1.442695020e+00, v44;
	(erf) = vrcp.f32 v51  }
0x35e: {  	v60 =	vmul.f32 v43, v35;
	(erf) = vpow2.f32 v21  }
0x35f: {  	v21 =	vmul.f32 $1.442695020e+00, v59;
	(erf) = vpow2.f32 v55  }
0x360: {  	v36 =	vadd.f32 v61, v41;
	v29 =	vadd.f32 v45, v29;
	v54 =	vmul.f32 v49, v26  }
0x361: {  	v4 =	vmul.f32 v12, v4;
	v22 =	vadd.f32 v60, v47;
	v60 =	vld [tilespmem:$0x1FC70];
	(erf) = vpow2.f32 v21  }
0x362: {  	v27 =	vadd.f32 v62, v27;
	v62 =	vmul.f32 v38, v30;
	v44 =	vmul.f32 v1, v40;
	v59 =	vld [tilespmem:$0x1FC60]  }
0x363: {  	v23 =	vadd.f32 v23, v36;
	v18 =	vadd.f32 v54, v18;
	v36 =	vmul.f32 v38, v35  }
0x364: {  	v27 =	vadd.f32 v50, v27;
	v8 =	vadd.f32 v62, v8;
	v55 =	vmul.f32 v32, v31;
	v32 =	vld [tilespmem:$0x1FC80]  }
0x365: {  	v50 =	vmul.f32 v38, v39;
	v1 =	vadd.f32 v44, v46;
	v47 =	vmul.f32 v34, v39  }
0x366: {  	v62 =	vmul.f32 v17, v33;
	v44 =	vadd.f32 v20, v37;
	v45 =	vadd.f32 v48, v18;
	v61 =	vpop (erf)  }
0x367: {  	v21 =	vadd.f32 v47, v24;
	v3 =	vmul.f32 v60, v3;
	v5 =	vmul.f32 v59, v5;
	v24 =	vpop (erf)  }
0x368: {  	v29 =	vadd.f32 v50, v29;
	v6 =	vadd.f32 v62, v6;
	v8 =	vmul.f32 v53, v8;
	v33 =	vpop (erf)  }
0x369: {  	v3 =	vadd.f32 v3, v5;
	v5 =	vmul.f32 v32, v23;
	v38 =	vadd.f32 v33, v24  }
0x36a: {  	v0 =	vadd.f32 v0, v1;
	v51 =	vmul.f32 v42, v26;
	v42 =	vadd.f32 v52, v19;
	v41 =	vpop (erf)  }
0x36b: {  	v10 =	vmul.f32 v10, v45;
	v3 =	vadd.f32 v3, v5;
	v5 =	vadd.f32 v38, v41  }
0x36c: {  	v40 =	vadd.f32 v6, v4;
	v39 =	vmul.f32 v34, v30;
	v0 =	vmul.f32 v15, v0  }
0x36d: {  	v49 =	vld [tilespmem:$0x12100];
	v28 =	vadd.f32 v51, v28;
	v6 =	vmul.f32 v13, v42;
	(erf) = vrcp.f32 v5  }
0x36e: {  	v50 =	vmul.f32 v56, v29;
	v56 =	vld [tilespmem:$0x1FCA0];
	v47 =	vmul.f32 v63, v44;
	v7 =	vadd.f32 v55, v7  }
0x36f: {  	v43 =	vld [tilespmem:$0x1FC90];
	v1 =	vmul.f32 v14, v40;
	v46 =	vadd.f32 v39, v28;
	v0 =	vadd.f32 v6, v0  }
0x370: {  	v9 =	vmul.f32 v9, v22;
	v51 =	vld [tilespmem:$0x12110];
	v10 =	vadd.f32 v10, v47;
	v7 =	vadd.f32 v36, v7  }
0x371: {  	v53 =	vld [tilespmem:$0x12120];
	v0 =	vadd.f32 v0, v2;
	v52 =	vmul.f32 v24, v21;
	v5 =	vmul.f32 v33, v46  }
0x372: {  	v48 =	vld [tilespmem:$0x120F0];
	v6 =	vadd.f32 v8, v50;
	v54 =	vadd.f32 v10, v9;
	v7 =	vmul.f32 v58, v7  }
0x373: {  	v55 =	vld [tilespmem:$0x12130];
	v0 =	vmul.f32 v56, v0;
	v4 =	vmul.f32 v41, v27;
	v5 =	vadd.f32 v5, v52  }
0x374: {  	v57 =	vld [tilespmem:$0x12140];
	v1 =	vadd.f32 v1, v49;
	v8 =	vmul.f32 v11, v54;
	v6 =	vadd.f32 v6, v7  }
0x375: {  	v0 =	vadd.f32 v0, v51;
	v3 =	vmul.f32 v43, v3;
	v4 =	vadd.f32 v5, v4  }
0x376: {  	[tilespmem:$0x12300] =	vst v1;
	v60 =	vadd.f32 v8, v53;
	v58 =	vmul.f32 v61, v6;
	v59 =	vpop (erf)  }
0x377: {  	s10 =	smul.u32 $0xC8, s18;
	[tilespmem:$0x12310] =	vst v0;
	v3 =	vadd.f32 v3, v48;
	v61 =	vmul.f32 v59, v4  }
.Ltmp6:
0x378: {  	[tilespmem:$0x12320] =	vst v60;
	v62 =	vadd.f32 v58, v55;
	(pc) =	sbr.rel @p0 .LBB2_12-.Ltmp6, $4  }
0x379: {  	s10 =	sadd.s32 s7, s10;
	[tilespmem:$0x122F0] =	vst v3;
	v63 =	vadd.f32 v61, v57  }
0x37a: {  	s10 =	sshrl.u32 s10, $0x3;
	[tilespmem:$0x12330] =	vst v62  }
0x37b: {  	s10 =	sadd.s32 s9, s10;
	[tilespmem:$0x12340] =	vst v63  }
0x37c: {  	[hbm4b:s10+s4] =	stream.linear.scatter [tilespmem:s31], [sflag:$0x4], $0xC8, $0x38;
	[tilespmem:$0x12380] =	vst v63  }
0x37d: {  	s10 =	smul.u32 $0x640, s17;
	_ =	sdelay $0x1  }
0x37e: {  	s10 =	sshra.s32 s10, $0x2  }
0x37f: {  	s10 =	sadd.s32 $0x258, s10  }
0x380: {  	[tilespmem:s22], [sflag:$0x2] =	stream.indirect.gather [hbm4b:s1+s15], $0x80, s10, s15, $0xb8;
	[tilespmem:$0x12380] =	vst v63  }
0x381: {  	_ = 	snop  }
0x382: {  	[tilespmem:s23], [sflag:$0x2] =	stream.indirect.gather [hbm4b:s5+s15], $0x1, s10, s15, $0xb8;
	[tilespmem:$0x12380] =	vst v63  }
0x383: {  	v18 =	vld [tilespmem:$0x1FF90]  }
0x384: {  	v8 =	vld [tilespmem:$0x1FFA0];
	[tilespmem:s24], [sflag:$0x2] =	stream.indirect.gather [hbm4b:s6+s15], $0x1, s10, s15, $0xb8  }
.Ltmp7:
0x385: {  	v16 =	vld [tilespmem:$0x1FFB0];
	(pc) =	sbr.rel .LBB2_2-.Ltmp7, $4  }
0x386: {  	v17 =	vld [tilespmem:$0x1FFC0]  }
0x387: {  	v15 =	vld [tilespmem:$0x1FFD0];
	[tilespmem:s25], [sflag:$0x2] =	stream.indirect.gather [hbm4b:s8+s15], $0x1, s10, s15, $0xb8  }
0x388: {  	s17 =	sadd.s32 $0x1, s17;
	v23 =	vld [tilespmem:$0x1FFE0]  }
0x389: {  	v7 =	vlaneseq.u32;
	v13 =	vld [tilespmem:$0x1FFF0];
	[tilespmem:s26], [sflag:$0x2] =	stream.indirect.gather [hbm4b:s3+s15], $0x1, s10, s15, $0xb8  }
.LBB2_13:
0x38a: {  	_ =	sfence.sel $0x180000  }
0x38b: {  	[bflag:$0x0] =	sbarrier.arrive $0xFFFF  }
0x38c: {  	_ =	strace $0x90000047  }
0x38d: {  	s0 =	stileid.u32;
	[bflag:$0x2] =	sbarrier.arrive $0xFFFF  }
0x38e: {  	p0 =	sne.s32 s0, $0x0;
	s0 =	rddreg [dreg:$0x4]  }
0x38f: {  	s0 =	sadd.s32 @!p0 $0x100000, s0  }
0x390: {  	[sflag:s0] =	ssyncadd.tile.s32 @!p0 $0x1;
	_ =	shalt  }
.Lfunc_end2:
_tile_overlayer_lowered:
.L_overlay_start_2:
0x391: {  	(tag) =	ssettag $0x2  }
0x392: {  	s0 =	rddreg [dreg:$0x0];
	s2 =	stileid.u32  }
0x393: {  	s1 =	rddreg [dreg:$0x1];
	p0 =	sne.s32 s2, $0x0  }
0x394: {  	s3 =	rddreg [dreg:$0x2];
	[bflag:$0x3] =	sbarrier.arrive $0xFFFF;
	s2 =	simm.s32 @!p0 $0x1C05  }
0x395: {  	[timem:s3], [sflag:s2] =	dma.local @!p0 [hbm:s0], s1  }
0x396: {  	s0 =	simm.s32 @!p0 $0x5  }
0x397: {  	_ =	swait.ge @!p0 [sflag:s0], s1  }
0x398: {  	s1 =	ssub.s32 @!p0 $0x0, s1;
	[sflag:s0] =	ssyncset.done @!p0 $0x0  }
0x399: {  	[sflag:s0] =	ssyncadd.s32 @!p0 s1  }
0x39a: {  	[bflag:$0x3] =	sbarrier.arrive $0xFFFF  }
0x39b: {  	_ =	shalt  }

</sc_bundles>
